<compile_context>
chip_gen: v7x
topology: tpu7x:2x2x1
jax: 0.10.2.dev20260603
libtpu: 0.0.44.dev20260713+nightly
codegen_flags: <defaults>
</compile_context>

<pallas_src>
import functools

import jax
import jax.numpy as jnp
from jax import lax
from jax.experimental import pallas as pl
from jax.experimental.pallas import tpu as pltpu
from jax.experimental.pallas import tpu_sc as plsc

B, INC, INN, OUTC, OUTN, D = 4, 128, 100000, 128, 25000, 16
BC = B * INC
NC_SC, NS_SC = 2, 16
NW = NC_SC * NS_SC
OUTN_PAD = 25600
G = 4
GI = G * D
NF = 1024
NS = 576
FAST_CID = 0


NB1 = 1024


def _mulT_body(xt_ref, wt_ref, out_ref):
    w = wt_ref[...]
    for b in range(B):
        out_ref[:, b, :] = xt_ref[b] * w


def _mulT(xt, wt):
    grid = (pl.cdiv(INN, NB1),)
    return pl.pallas_call(
        _mulT_body,
        grid=grid,
        in_specs=[
            pl.BlockSpec((B, NB1, INC), lambda n: (0, n, 0)),
            pl.BlockSpec((NB1, INC), lambda n: (n, 0)),
        ],
        out_specs=pl.BlockSpec((NB1, B, INC), lambda n: (n, 0, 0)),
        out_shape=jax.ShapeDtypeStruct((INN, B, INC), jnp.float32),
    )(xt, wt)


def _sc_body(ht_hbm, adj_hbm, red_hbm,
             idx_all, idxb0, idxb1, rows0, rows1, red0, red1,
             sg0, sg1, so0, so1):
    cid = lax.axis_index("c")
    sid = lax.axis_index("s")
    fast = cid == FAST_CID
    npw = jnp.where(fast, NF, NS)
    nbase = jnp.where(fast, sid * NF, 16 * NF + sid * NS)
    nchunk = npw // G

    @pl.when(fast)
    def _():
        pltpu.sync_copy(adj_hbm.at[pl.ds(nbase * D, NF * D)], idx_all)

    @pl.when(jnp.logical_not(fast))
    def _():
        pltpu.sync_copy(adj_hbm.at[pl.ds(nbase * D, NS * D)],
                        idx_all.at[pl.ds(0, NS * D)])

    def idx_prep(chunk, idxb):
        for k in range(GI // 16):
            idxb[pl.ds(k * 16, 16)] = idx_all[pl.ds(chunk * GI + k * 16, 16)]

    def gather_start(rows, idxb, sem):
        pltpu.async_copy(ht_hbm.at[idxb], rows, sem)

    def gather_wait(rows, idxb, sem):
        pltpu.make_async_copy(ht_hbm.at[idxb], rows, sem).wait()

    def out_start(chunk, red, sem):
        pltpu.async_copy(red, red_hbm.at[pl.ds(nbase + chunk * G, G)], sem)

    def out_wait(red, sem):
        pltpu.make_async_copy(red, red_hbm.at[pl.ds(nbase, G)], sem).wait()

    def reduce_chunk(rows, red):
        def cbody(c, _):
            b = c // (INC // 16)
            off = (c % (INC // 16)) * 16
            for g in range(G):
                v = [rows[g * D + d, b, pl.ds(off, 16)] for d in range(D)]
                while len(v) > 1:
                    v = [jnp.maximum(v[k], v[k + 1])
                         for k in range(0, len(v) - 1, 2)] + v[len(v) & ~1:]
                red[g, b, pl.ds(off, 16)] = v[0]
            return 0

        lax.fori_loop(0, BC // 16, cbody, 0)

    idx_prep(0, idxb0)
    gather_start(rows0, idxb0, sg0)
    idx_prep(1, idxb1)
    gather_start(rows1, idxb1, sg1)

    def pair(p, _):
        c0 = 2 * p

        gather_wait(rows0, idxb0, sg0)

        @pl.when(p > 0)
        def _():
            out_wait(red0, so0)

        reduce_chunk(rows0, red0)
        out_start(c0, red0, so0)

        @pl.when(c0 + 2 < nchunk)
        def _():
            idx_prep(c0 + 2, idxb0)
            gather_start(rows0, idxb0, sg0)

        gather_wait(rows1, idxb1, sg1)

        @pl.when(p > 0)
        def _():
            out_wait(red1, so1)

        reduce_chunk(rows1, red1)
        out_start(c0 + 1, red1, so1)

        @pl.when(c0 + 3 < nchunk)
        def _():
            idx_prep(c0 + 3, idxb1)
            gather_start(rows1, idxb1, sg1)

        return 0

    lax.fori_loop(0, nchunk // 2, pair, 0)
    out_wait(red0, so0)
    out_wait(red1, so1)


_sc_call = functools.partial(
    pl.kernel,
    out_type=jax.ShapeDtypeStruct((OUTN_PAD, B, INC), jnp.float32),
    mesh=plsc.VectorSubcoreMesh(core_axis_name="c", subcore_axis_name="s"),
    scratch_types=[
        pltpu.VMEM((NF * D,), jnp.int32),
        pltpu.VMEM((GI,), jnp.int32),
        pltpu.VMEM((GI,), jnp.int32),
        pltpu.VMEM((GI, B, INC), jnp.float32),
        pltpu.VMEM((GI, B, INC), jnp.float32),
        pltpu.VMEM((G, B, INC), jnp.float32),
        pltpu.VMEM((G, B, INC), jnp.float32),
        pltpu.SemaphoreType.DMA,
        pltpu.SemaphoreType.DMA,
        pltpu.SemaphoreType.DMA,
        pltpu.SemaphoreType.DMA,
    ],
    compiler_params=pltpu.CompilerParams(needs_layout_passes=False),
)(_sc_body)


NB3 = 1024


def _dot_body(red_ref, ft_ref, biast_ref, out_ref):
    bias = biast_ref[0]
    for b in range(B):
        red = red_ref[:, b, :]
        t = lax.dot_general(red, ft_ref[...], (((1,), (0,)), ((), ())),
                            preferred_element_type=jnp.float32)
        out_ref[b] = t + bias


def _dot(red, ft, biast):
    grid = (pl.cdiv(OUTN, NB3),)
    return pl.pallas_call(
        _dot_body,
        grid=grid,
        in_specs=[
            pl.BlockSpec((NB3, B, INC), lambda n: (n, 0, 0)),
            pl.BlockSpec((INC, OUTC), lambda n: (0, 0)),
            pl.BlockSpec((1, NB3, OUTC), lambda n: (0, n, 0)),
        ],
        out_specs=pl.BlockSpec((B, NB3, OUTC), lambda n: (0, n, 0)),
        out_shape=jax.ShapeDtypeStruct((B, OUTN, OUTC), jnp.float32),
    )(red, ft, biast)


def kernel(x, adj, nf_weight, ft_weight, bias):
    xt = jnp.transpose(x, (0, 2, 1))
    wt = jnp.transpose(nf_weight)
    biast = jnp.transpose(bias, (0, 2, 1))
    ht = _mulT(xt, wt)
    adj_pad = jnp.zeros((OUTN_PAD, D), jnp.int32).at[:OUTN].set(adj)
    red = _sc_call(ht, adj_pad.reshape(-1))
    out = _dot(red, ft_weight, biast)
    return jnp.transpose(out, (0, 2, 1))

# --- scband reference (transcript-rebuilt; emitter-appended) ---
"""Pipeline reference for scband-fgl-1443109012165 (READ-ONLY COPY).

The authoritative reference and input builder live on the scoring server;
editing this copy changes nothing except your own understanding.
"""

import jax, jax.numpy as jnp
import numpy as np

B, INC, INN, OUTC, OUTN, D = 4, 128, 100000, 128, 25000, 16


def setup_inputs(seed: int = 0) -> dict:
    key = jax.random.key(seed)
    k1, k2, k3, k4, k5 = jax.random.split(key, 5)
    x = jax.random.normal(k1, (B, INC, INN), dtype=jnp.float32)
    # fixed-degree padded adjacency: outn rows, D neighbors each, values in [0, inn)
    adj = jax.random.randint(k2, (OUTN, D), 0, INN, dtype=jnp.int32)
    # nf_weight init per FGL 'rand'/corrected scheme: U = sqrt(3*(1+p)/(p + sum_parents |Nbr|));
    # with uniform random adjacency, p ~= OUTN*D/INN = 4 parents, each parent degree D=16
    p = OUTN * D / INN
    U_nf = np.sqrt(3.0 * (1.0 + p) / (p + p * D)).astype(np.float32)
    nf_weight = 2.0 * (jax.random.uniform(k3, (INC, INN), dtype=jnp.float32) - 0.5) * U_nf
    ft_weight = (-1.0 + 2.0 * jax.random.uniform(k4, (INC, OUTC), dtype=jnp.float32)) * np.sqrt(6.0 / (1.0 + 5.0 * INC))
    bias = 0.2 * jax.random.normal(k5, (1, OUTC, OUTN), dtype=jnp.float32)
    return {"x": x, "adj": adj, "nf_weight": nf_weight, "ft_weight": ft_weight, "bias": bias}


def reference(x, adj, nf_weight, ft_weight, bias):
    # op_order '132': (1) node/feature hadamard, (3) neighbor max-reduction, (2) feature transform
    h = x * nf_weight[None, :, :]                      # [B, inc, inn]
    gathered = h[:, :, adj]                            # [B, inc, outn, D] (gather)
    red = jnp.max(gathered, axis=-1)                   # [B, inc, outn]  (reduction='max')
    out = jnp.einsum('bij,ik->bkj', red, ft_weight)    # [B, outc, outn] feature_transform_
    return out + bias                                  # bias_type 'nc'

if __name__ == "__main__":
    import jax
    _d = setup_inputs()
    print(jax.jit(kernel)(*tuple(_d.values())))

</pallas_src>

<mosaic_0001>
#map = affine_map<(d0, d1) -> (0, 0, 0)>
#map1 = affine_map<(d0, d1) -> (0)>
module attributes {stable_mosaic.version = 14 : i64} {
  func.func @_sc_body(%arg0: i32, %arg1: i32, %arg2: memref<100000x4x128xf32, #tpu.memory_space<hbm>>, %arg3: memref<409600xi32, #tpu.memory_space<hbm>>, %arg4: memref<25600x4x128xf32, #tpu.memory_space<hbm>>, %arg5: memref<16384xi32, #tpu.memory_space<vmem>>, %arg6: memref<64xi32, #tpu.memory_space<vmem>>, %arg7: memref<64xi32, #tpu.memory_space<vmem>>, %arg8: memref<64x4x128xf32, #tpu.memory_space<vmem>>, %arg9: memref<64x4x128xf32, #tpu.memory_space<vmem>>, %arg10: memref<4x4x128xf32, #tpu.memory_space<vmem>>, %arg11: memref<4x4x128xf32, #tpu.memory_space<vmem>>, %arg12: memref<!tpu.dma_semaphore, #tpu.memory_space<semaphore_mem>>, %arg13: memref<!tpu.dma_semaphore, #tpu.memory_space<semaphore_mem>>, %arg14: memref<!tpu.dma_semaphore, #tpu.memory_space<semaphore_mem>>, %arg15: memref<!tpu.dma_semaphore, #tpu.memory_space<semaphore_mem>>) attributes {dimension_semantics = [#tpu.dimension_semantics<core_parallel>, #tpu.dimension_semantics<subcore_parallel>], iteration_bounds = array<i64: 2, 16>, scalar_prefetch = 0 : i64, scratch_operands = 11 : i64, tpu.core_type = #tpu.core_type<sc_vector_subcore>, window_params = [{transform_indices = #map}, {transform_indices = #map1}, {transform_indices = #map}]} {
    %eq3A = arith.constant 0 : i32
    %eq3A_0 = arith.cmpi eq, %arg0, %eq3A : i32
    %jit3A = arith.constant 1024 : i32
    %jit3A_1 = arith.constant 576 : i32
    %select_n3A = arith.select %eq3A_0, %jit3A, %jit3A_1 : i32
    %mul3A = arith.constant 1024 : i32
    %mul3A_2 = arith.muli %arg1, %mul3A : i32
    %mul3A_3 = arith.constant 576 : i32
    %mul3A_4 = arith.muli %arg1, %mul3A_3 : i32
    %add3A = arith.constant 16384 : i32
    %add3A_5 = arith.addi %add3A, %mul3A_4 : i32
    %select_n3A_6 = arith.select %eq3A_0, %mul3A_2, %add3A_5 : i32
    %jit3A_7 = arith.constant 4 : i32
    %div3A = arith.divsi %select_n3A, %jit3A_7 : i32
    %sign3A = arith.constant 0 : i32
    %sign3A_8 = arith.cmpi sgt, %select_n3A, %sign3A : i32
    %sign3A_9 = arith.extui %sign3A_8 : i1 to i32
    %sign3A_10 = arith.constant 0 : i32
    %sign3A_11 = arith.cmpi slt, %select_n3A, %sign3A_10 : i32
    %sign3A_12 = arith.extui %sign3A_11 : i1 to i32
    %sign3A_13 = arith.subi %sign3A_9, %sign3A_12 : i32
    %sign3A_14 = arith.constant 0 : i32
    %sign3A_15 = arith.cmpi sgt, %jit3A_7, %sign3A_14 : i32
    %sign3A_16 = arith.extui %sign3A_15 : i1 to i32
    %sign3A_17 = arith.constant 0 : i32
    %sign3A_18 = arith.cmpi slt, %jit3A_7, %sign3A_17 : i32
    %sign3A_19 = arith.extui %sign3A_18 : i1 to i32
    %sign3A_20 = arith.subi %sign3A_16, %sign3A_19 : i32
    %ne3A = arith.cmpi ne, %sign3A_13, %sign3A_20 : i32
    %rem3A = arith.remsi %select_n3A, %jit3A_7 : i32
    %ne3A_21 = arith.constant 0 : i32
    %ne3A_22 = arith.cmpi ne, %rem3A, %ne3A_21 : i32
    %and3A = arith.andi %ne3A, %ne3A_22 : i1
    %sub3A = arith.constant 1 : i32
    %sub3A_23 = arith.subi %div3A, %sub3A : i32
    %select_n3A_24 = arith.select %and3A, %sub3A_23, %div3A : i32
    %convert_element_type3A = arith.extui %eq3A_0 : i1 to i32
    %cond3A = arith.constant 0 : i32
    %cond3A_25 = arith.cmpi ne, %convert_element_type3A, %cond3A : i32
    scf.if %cond3A_25 {
      %mul3A_113 = arith.constant 16 : i32
      %mul3A_114 = arith.muli %select_n3A_6, %mul3A_113 : i32
      "tpu.region"() ({
        %run_scoped3A = tpu.sem_alloc : memref<!tpu.dma_semaphore, #tpu.memory_space<semaphore_mem>>
        %dma_start3A_115 = tpu.memref_slice %arg3[%mul3A_114] : memref<409600xi32, #tpu.memory_space<hbm>> -> memref<16384xi32, #tpu.memory_space<hbm>>
        %dma_start3A_116 = tpu.memref_slice %arg3[%mul3A_114] : memref<409600xi32, #tpu.memory_space<hbm>> -> memref<16384xi32, #tpu.memory_space<hbm>>
        tpu.enqueue_dma source(%dma_start3A_116 : memref<16384xi32, #tpu.memory_space<hbm>>) target(%arg5 : memref<16384xi32, #tpu.memory_space<vmem>>) target_semaphore(%run_scoped3A : memref<!tpu.dma_semaphore, #tpu.memory_space<semaphore_mem>>)
        %dma_wait3A_117 = tpu.memref_slice %arg3[%mul3A_114] : memref<409600xi32, #tpu.memory_space<hbm>> -> memref<16384xi32, #tpu.memory_space<hbm>>
        %dma_wait3A_118 = tpu.memref_slice %arg3[%mul3A_114] : memref<409600xi32, #tpu.memory_space<hbm>> -> memref<16384xi32, #tpu.memory_space<hbm>>
        tpu.wait_dma2 semaphore(%run_scoped3A : memref<!tpu.dma_semaphore, #tpu.memory_space<semaphore_mem>>) src(%dma_wait3A_118 : memref<16384xi32, #tpu.memory_space<hbm>>) dst(%arg5 : memref<16384xi32, #tpu.memory_space<vmem>>)
        tpu.yield
      }) : () -> ()
    } else {
    }
    %not3A = arith.constant true
    %not3A_26 = arith.xori %eq3A_0, %not3A : i1
    %convert_element_type3A_27 = arith.extui %not3A_26 : i1 to i32
    %cond3A_28 = arith.constant 0 : i32
    %cond3A_29 = arith.cmpi ne, %convert_element_type3A_27, %cond3A_28 : i32
    scf.if %cond3A_29 {
      %mul3A_113 = arith.constant 16 : i32
      %mul3A_114 = arith.muli %select_n3A_6, %mul3A_113 : i32
      "tpu.region"() ({
        %run_scoped3A = tpu.sem_alloc : memref<!tpu.dma_semaphore, #tpu.memory_space<semaphore_mem>>
        %dma_start3A_115 = arith.constant 0 : i32
        %dma_start3A_116 = tpu.memref_slice %arg5[%dma_start3A_115] : memref<16384xi32, #tpu.memory_space<vmem>> -> memref<9216xi32, #tpu.memory_space<vmem>>
        %dma_start3A_117 = tpu.memref_slice %arg3[%mul3A_114] : memref<409600xi32, #tpu.memory_space<hbm>> -> memref<9216xi32, #tpu.memory_space<hbm>>
        %dma_start3A_118 = arith.constant 0 : i32
        %dma_start3A_119 = tpu.memref_slice %arg5[%dma_start3A_118] : memref<16384xi32, #tpu.memory_space<vmem>> -> memref<9216xi32, #tpu.memory_space<vmem>>
        %dma_start3A_120 = tpu.memref_slice %arg3[%mul3A_114] : memref<409600xi32, #tpu.memory_space<hbm>> -> memref<9216xi32, #tpu.memory_space<hbm>>
        tpu.enqueue_dma source(%dma_start3A_120 : memref<9216xi32, #tpu.memory_space<hbm>>) target(%dma_start3A_119 : memref<9216xi32, #tpu.memory_space<vmem>>) target_semaphore(%run_scoped3A : memref<!tpu.dma_semaphore, #tpu.memory_space<semaphore_mem>>)
        %dma_wait3A_121 = arith.constant 0 : i32
        %dma_wait3A_122 = tpu.memref_slice %arg5[%dma_wait3A_121] : memref<16384xi32, #tpu.memory_space<vmem>> -> memref<9216xi32, #tpu.memory_space<vmem>>
        %dma_wait3A_123 = tpu.memref_slice %arg3[%mul3A_114] : memref<409600xi32, #tpu.memory_space<hbm>> -> memref<9216xi32, #tpu.memory_space<hbm>>
        %dma_wait3A_124 = arith.constant 0 : i32
        %dma_wait3A_125 = tpu.memref_slice %arg5[%dma_wait3A_124] : memref<16384xi32, #tpu.memory_space<vmem>> -> memref<9216xi32, #tpu.memory_space<vmem>>
        %dma_wait3A_126 = tpu.memref_slice %arg3[%mul3A_114] : memref<409600xi32, #tpu.memory_space<hbm>> -> memref<9216xi32, #tpu.memory_space<hbm>>
        tpu.wait_dma2 semaphore(%run_scoped3A : memref<!tpu.dma_semaphore, #tpu.memory_space<semaphore_mem>>) src(%dma_wait3A_126 : memref<9216xi32, #tpu.memory_space<hbm>>) dst(%dma_wait3A_125 : memref<9216xi32, #tpu.memory_space<vmem>>)
        tpu.yield
      }) : () -> ()
    } else {
    }
    %get3A = arith.constant 0 : index
    %get3A_30 = tpu.vector_load %arg5[%get3A] {strides = array<i32>} : memref<16384xi32, #tpu.memory_space<vmem>>, vector<16xi32>,
    %swap3A = arith.constant 0 : index
    %swap3A_31 = tpu.vector_load %arg6[%swap3A] {strides = array<i32>} : memref<64xi32, #tpu.memory_space<vmem>>, vector<16xi32>,
    tpu.vector_store %arg6[%swap3A], %get3A_30 {strides = array<i32>} : memref<64xi32, #tpu.memory_space<vmem>>, vector<16xi32>,
    %get3A_32 = arith.constant 16 : index
    %get3A_33 = tpu.vector_load %arg5[%get3A_32] {strides = array<i32>} : memref<16384xi32, #tpu.memory_space<vmem>>, vector<16xi32>,
    %swap3A_34 = arith.constant 16 : index
    %swap3A_35 = tpu.vector_load %arg6[%swap3A_34] {strides = array<i32>} : memref<64xi32, #tpu.memory_space<vmem>>, vector<16xi32>,
    tpu.vector_store %arg6[%swap3A_34], %get3A_33 {strides = array<i32>} : memref<64xi32, #tpu.memory_space<vmem>>, vector<16xi32>,
    %get3A_36 = arith.constant 32 : index
    %get3A_37 = tpu.vector_load %arg5[%get3A_36] {strides = array<i32>} : memref<16384xi32, #tpu.memory_space<vmem>>, vector<16xi32>,
    %swap3A_38 = arith.constant 32 : index
    %swap3A_39 = tpu.vector_load %arg6[%swap3A_38] {strides = array<i32>} : memref<64xi32, #tpu.memory_space<vmem>>, vector<16xi32>,
    tpu.vector_store %arg6[%swap3A_38], %get3A_37 {strides = array<i32>} : memref<64xi32, #tpu.memory_space<vmem>>, vector<16xi32>,
    %get3A_40 = arith.constant 48 : index
    %get3A_41 = tpu.vector_load %arg5[%get3A_40] {strides = array<i32>} : memref<16384xi32, #tpu.memory_space<vmem>>, vector<16xi32>,
    %swap3A_42 = arith.constant 48 : index
    %swap3A_43 = tpu.vector_load %arg6[%swap3A_42] {strides = array<i32>} : memref<64xi32, #tpu.memory_space<vmem>>, vector<16xi32>,
    tpu.vector_store %arg6[%swap3A_42], %get3A_41 {strides = array<i32>} : memref<64xi32, #tpu.memory_space<vmem>>, vector<16xi32>,
    %dma_start3A = arith.constant 0 : i32
    %dma_start3A_44 = arith.constant 0 : i32
    %dma_start3A_45 = arith.constant 0 : i32
    %dma_start3A_46 = tpu.memref_slice %arg2[%dma_start3A, %dma_start3A_44, %dma_start3A_45] : memref<100000x4x128xf32, #tpu.memory_space<hbm>> -> memref<100000x4x128xf32, #tpu.memory_space<hbm>>
    tpu.enqueue_indirect_dma source(%dma_start3A_46 : memref<100000x4x128xf32, #tpu.memory_space<hbm>>) target(%arg8 : memref<64x4x128xf32, #tpu.memory_space<vmem>>) offsets(%arg6 : memref<64xi32, #tpu.memory_space<vmem>>) semaphore(%arg12 : memref<!tpu.dma_semaphore, #tpu.memory_space<semaphore_mem>>)
    %get3A_47 = arith.constant 64 : index
    %get3A_48 = tpu.vector_load %arg5[%get3A_47] {strides = array<i32>} : memref<16384xi32, #tpu.memory_space<vmem>>, vector<16xi32>,
    %swap3A_49 = arith.constant 0 : index
    %swap3A_50 = tpu.vector_load %arg7[%swap3A_49] {strides = array<i32>} : memref<64xi32, #tpu.memory_space<vmem>>, vector<16xi32>,
    tpu.vector_store %arg7[%swap3A_49], %get3A_48 {strides = array<i32>} : memref<64xi32, #tpu.memory_space<vmem>>, vector<16xi32>,
    %get3A_51 = arith.constant 80 : index
    %get3A_52 = tpu.vector_load %arg5[%get3A_51] {strides = array<i32>} : memref<16384xi32, #tpu.memory_space<vmem>>, vector<16xi32>,
    %swap3A_53 = arith.constant 16 : index
    %swap3A_54 = tpu.vector_load %arg7[%swap3A_53] {strides = array<i32>} : memref<64xi32, #tpu.memory_space<vmem>>, vector<16xi32>,
    tpu.vector_store %arg7[%swap3A_53], %get3A_52 {strides = array<i32>} : memref<64xi32, #tpu.memory_space<vmem>>, vector<16xi32>,
    %get3A_55 = arith.constant 96 : index
    %get3A_56 = tpu.vector_load %arg5[%get3A_55] {strides = array<i32>} : memref<16384xi32, #tpu.memory_space<vmem>>, vector<16xi32>,
    %swap3A_57 = arith.constant 32 : index
    %swap3A_58 = tpu.vector_load %arg7[%swap3A_57] {strides = array<i32>} : memref<64xi32, #tpu.memory_space<vmem>>, vector<16xi32>,
    tpu.vector_store %arg7[%swap3A_57], %get3A_56 {strides = array<i32>} : memref<64xi32, #tpu.memory_space<vmem>>, vector<16xi32>,
    %get3A_59 = arith.constant 112 : index
    %get3A_60 = tpu.vector_load %arg5[%get3A_59] {strides = array<i32>} : memref<16384xi32, #tpu.memory_space<vmem>>, vector<16xi32>,
    %swap3A_61 = arith.constant 48 : index
    %swap3A_62 = tpu.vector_load %arg7[%swap3A_61] {strides = array<i32>} : memref<64xi32, #tpu.memory_space<vmem>>, vector<16xi32>,
    tpu.vector_store %arg7[%swap3A_61], %get3A_60 {strides = array<i32>} : memref<64xi32, #tpu.memory_space<vmem>>, vector<16xi32>,
    %dma_start3A_63 = arith.constant 0 : i32
    %dma_start3A_64 = arith.constant 0 : i32
    %dma_start3A_65 = arith.constant 0 : i32
    %dma_start3A_66 = tpu.memref_slice %arg2[%dma_start3A_63, %dma_start3A_64, %dma_start3A_65] : memref<100000x4x128xf32, #tpu.memory_space<hbm>> -> memref<100000x4x128xf32, #tpu.memory_space<hbm>>
    tpu.enqueue_indirect_dma source(%dma_start3A_66 : memref<100000x4x128xf32, #tpu.memory_space<hbm>>) target(%arg9 : memref<64x4x128xf32, #tpu.memory_space<vmem>>) offsets(%arg7 : memref<64xi32, #tpu.memory_space<vmem>>) semaphore(%arg13 : memref<!tpu.dma_semaphore, #tpu.memory_space<semaphore_mem>>)
    %jit3A_67 = arith.constant 2 : i32
    %div3A_68 = arith.divsi %select_n3A_24, %jit3A_67 : i32
    %sign3A_69 = arith.constant 0 : i32
    %sign3A_70 = arith.cmpi sgt, %select_n3A_24, %sign3A_69 : i32
    %sign3A_71 = arith.extui %sign3A_70 : i1 to i32
    %sign3A_72 = arith.constant 0 : i32
    %sign3A_73 = arith.cmpi slt, %select_n3A_24, %sign3A_72 : i32
    %sign3A_74 = arith.extui %sign3A_73 : i1 to i32
    %sign3A_75 = arith.subi %sign3A_71, %sign3A_74 : i32
    %sign3A_76 = arith.constant 0 : i32
    %sign3A_77 = arith.cmpi sgt, %jit3A_67, %sign3A_76 : i32
    %sign3A_78 = arith.extui %sign3A_77 : i1 to i32
    %sign3A_79 = arith.constant 0 : i32
    %sign3A_80 = arith.cmpi slt, %jit3A_67, %sign3A_79 : i32
    %sign3A_81 = arith.extui %sign3A_80 : i1 to i32
    %sign3A_82 = arith.subi %sign3A_78, %sign3A_81 : i32
    %ne3A_83 = arith.cmpi ne, %sign3A_75, %sign3A_82 : i32
    %rem3A_84 = arith.remsi %select_n3A_24, %jit3A_67 : i32
    %ne3A_85 = arith.constant 0 : i32
    %ne3A_86 = arith.cmpi ne, %rem3A_84, %ne3A_85 : i32
    %and3A_87 = arith.andi %ne3A_83, %ne3A_86 : i1
    %sub3A_88 = arith.constant 1 : i32
    %sub3A_89 = arith.subi %div3A_68, %sub3A_88 : i32
    %select_n3A_90 = arith.select %and3A_87, %sub3A_89, %div3A_68 : i32
    %while3A = arith.constant 0 : i32
    %while3A_91 = arith.constant 0 : i32
    %while3A_92 = arith.subi %select_n3A_90, %while3A : i32
    %while3A_93 = arith.addi %while3A, %while3A_92 : i32
    %while3A_94 = arith.constant 1 : i32
    %while3A_95 = arith.divsi %while3A_92, %while3A_94 : i32
    %while3A_96 = arith.muli %while3A_95, %while3A_94 : i32
    %while3A_97 = arith.addi %while3A, %while3A_96 : i32
    %while3A_98 = arith.constant 1 : i32
    %while3A_99 = scf.for %while3A_113 = %while3A to %while3A_97 step %while3A_98 iter_args(%while3A_114 = %while3A_91) -> (i32)  : i32 {
      %mul3A_115 = arith.constant 2 : i32
      %mul3A_116 = arith.muli %mul3A_115, %while3A_113 : i32
      %dma_wait3A_117 = arith.constant 0 : i32
      %dma_wait3A_118 = arith.constant 0 : i32
      %dma_wait3A_119 = arith.constant 0 : i32
      %dma_wait3A_120 = tpu.memref_slice %arg2[%dma_wait3A_117, %dma_wait3A_118, %dma_wait3A_119] : memref<100000x4x128xf32, #tpu.memory_space<hbm>> -> memref<100000x4x128xf32, #tpu.memory_space<hbm>>
      tpu.wait_indirect_dma semaphore(%arg12 : memref<!tpu.dma_semaphore, #tpu.memory_space<semaphore_mem>>) src(%dma_wait3A_120 : memref<100000x4x128xf32, #tpu.memory_space<hbm>>) dst(%arg8 : memref<64x4x128xf32, #tpu.memory_space<vmem>>)
      %gt3A = arith.constant 0 : i32
      %gt3A_121 = arith.cmpi sgt, %while3A_113, %gt3A : i32
      %convert_element_type3A_122 = arith.extui %gt3A_121 : i1 to i32
      %cond3A_123 = arith.constant 0 : i32
      %cond3A_124 = arith.cmpi ne, %convert_element_type3A_122, %cond3A_123 : i32
      scf.if %cond3A_124 {
        %dma_wait3A_179 = arith.constant 0 : i32
        %dma_wait3A_180 = arith.constant 0 : i32
        %dma_wait3A_181 = tpu.memref_slice %arg4[%select_n3A_6, %dma_wait3A_179, %dma_wait3A_180] : memref<25600x4x128xf32, #tpu.memory_space<hbm>> -> memref<4x4x128xf32, #tpu.memory_space<hbm>>
        %dma_wait3A_182 = arith.constant 0 : i32
        %dma_wait3A_183 = arith.constant 0 : i32
        %dma_wait3A_184 = tpu.memref_slice %arg4[%select_n3A_6, %dma_wait3A_182, %dma_wait3A_183] : memref<25600x4x128xf32, #tpu.memory_space<hbm>> -> memref<4x4x128xf32, #tpu.memory_space<hbm>>
        tpu.wait_dma2 semaphore(%arg14 : memref<!tpu.dma_semaphore, #tpu.memory_space<semaphore_mem>>) src(%arg10 : memref<4x4x128xf32, #tpu.memory_space<vmem>>) dst(%dma_wait3A_184 : memref<4x4x128xf32, #tpu.memory_space<hbm>>)
      } else {
      }
      %scan3A = arith.constant 0 : i32
      %scan3A_125 = arith.constant 0 : i32
      %scan3A_126 = arith.constant 32 : i32
      %scan3A_127 = arith.addi %scan3A_125, %scan3A_126 : i32
      %scan3A_128 = arith.constant 1 : i32
      %scan3A_129 = scf.for %scan3A_179 = %scan3A_125 to %scan3A_127 step %scan3A_128 iter_args(%scan3A_180 = %scan3A) -> (i32)  : i32 {
        %jit3A_181 = arith.constant 8 : i32
        %div3A_182 = arith.divsi %scan3A_179, %jit3A_181 : i32
        %sign3A_183 = arith.constant 0 : i32
        %sign3A_184 = arith.cmpi sgt, %scan3A_179, %sign3A_183 : i32
        %sign3A_185 = arith.extui %sign3A_184 : i1 to i32
        %sign3A_186 = arith.constant 0 : i32
        %sign3A_187 = arith.cmpi slt, %scan3A_179, %sign3A_186 : i32
        %sign3A_188 = arith.extui %sign3A_187 : i1 to i32
        %sign3A_189 = arith.subi %sign3A_185, %sign3A_188 : i32
        %sign3A_190 = arith.constant 0 : i32
        %sign3A_191 = arith.cmpi sgt, %jit3A_181, %sign3A_190 : i32
        %sign3A_192 = arith.extui %sign3A_191 : i1 to i32
        %sign3A_193 = arith.constant 0 : i32
        %sign3A_194 = arith.cmpi slt, %jit3A_181, %sign3A_193 : i32
        %sign3A_195 = arith.extui %sign3A_194 : i1 to i32
        %sign3A_196 = arith.subi %sign3A_192, %sign3A_195 : i32
        %ne3A_197 = arith.cmpi ne, %sign3A_189, %sign3A_196 : i32
        %rem3A_198 = arith.remsi %scan3A_179, %jit3A_181 : i32
        %ne3A_199 = arith.constant 0 : i32
        %ne3A_200 = arith.cmpi ne, %rem3A_198, %ne3A_199 : i32
        %and3A_201 = arith.andi %ne3A_197, %ne3A_200 : i1
        %sub3A_202 = arith.constant 1 : i32
        %sub3A_203 = arith.subi %div3A_182, %sub3A_202 : i32
        %select_n3A_204 = arith.select %and3A_201, %sub3A_203, %div3A_182 : i32
        %jit3A_205 = arith.constant 8 : i32
        %eq3A_206 = arith.constant 0 : i32
        %eq3A_207 = arith.cmpi eq, %jit3A_205, %eq3A_206 : i32
        %jit3A_208 = arith.constant 1 : i32
        %select_n3A_209 = arith.select %eq3A_207, %jit3A_208, %jit3A_205 : i32
        %rem3A_210 = arith.remsi %scan3A_179, %select_n3A_209 : i32
        %ne3A_211 = arith.constant 0 : i32
        %ne3A_212 = arith.cmpi ne, %rem3A_210, %ne3A_211 : i32
        %lt3A_213 = arith.constant 0 : i32
        %lt3A_214 = arith.cmpi slt, %rem3A_210, %lt3A_213 : i32
        %lt3A_215 = arith.constant 0 : i32
        %lt3A_216 = arith.cmpi slt, %select_n3A_209, %lt3A_215 : i32
        %ne3A_217 = arith.xori %lt3A_214, %lt3A_216 : i1
        %and3A_218 = arith.andi %ne3A_217, %ne3A_212 : i1
        %add3A_219 = arith.addi %rem3A_210, %select_n3A_209 : i32
        %select_n3A_220 = arith.select %and3A_218, %add3A_219, %rem3A_210 : i32
        %mul3A_221 = arith.constant 16 : i32
        %mul3A_222 = arith.muli %select_n3A_220, %mul3A_221 : i32
        %get3A_223 = arith.constant 0 : i32
        %get3A_224 = arith.index_cast %get3A_223 : i32 to index
        %get3A_225 = arith.index_cast %select_n3A_204 : i32 to index
        %get3A_226 = arith.index_cast %mul3A_222 : i32 to index
        %get3A_227 = tpu.vector_load %arg8[%get3A_224, %get3A_225, %get3A_226] {strides = array<i32>} : memref<64x4x128xf32, #tpu.memory_space<vmem>>, vector<16xf32>,
        %get3A_228 = arith.constant 1 : i32
        %get3A_229 = arith.index_cast %get3A_228 : i32 to index
        %get3A_230 = arith.index_cast %select_n3A_204 : i32 to index
        %get3A_231 = arith.index_cast %mul3A_222 : i32 to index
        %get3A_232 = tpu.vector_load %arg8[%get3A_229, %get3A_230, %get3A_231] {strides = array<i32>} : memref<64x4x128xf32, #tpu.memory_space<vmem>>, vector<16xf32>,
        %get3A_233 = arith.constant 2 : i32
        %get3A_234 = arith.index_cast %get3A_233 : i32 to index
        %get3A_235 = arith.index_cast %select_n3A_204 : i32 to index
        %get3A_236 = arith.index_cast %mul3A_222 : i32 to index
        %get3A_237 = tpu.vector_load %arg8[%get3A_234, %get3A_235, %get3A_236] {strides = array<i32>} : memref<64x4x128xf32, #tpu.memory_space<vmem>>, vector<16xf32>,
        %get3A_238 = arith.constant 3 : i32
        %get3A_239 = arith.index_cast %get3A_238 : i32 to index
        %get3A_240 = arith.index_cast %select_n3A_204 : i32 to index
        %get3A_241 = arith.index_cast %mul3A_222 : i32 to index
        %get3A_242 = tpu.vector_load %arg8[%get3A_239, %get3A_240, %get3A_241] {strides = array<i32>} : memref<64x4x128xf32, #tpu.memory_space<vmem>>, vector<16xf32>,
        %get3A_243 = arith.constant 4 : i32
        %get3A_244 = arith.index_cast %get3A_243 : i32 to index
        %get3A_245 = arith.index_cast %select_n3A_204 : i32 to index
        %get3A_246 = arith.index_cast %mul3A_222 : i32 to index
        %get3A_247 = tpu.vector_load %arg8[%get3A_244, %get3A_245, %get3A_246] {strides = array<i32>} : memref<64x4x128xf32, #tpu.memory_space<vmem>>, vector<16xf32>,
        %get3A_248 = arith.constant 5 : i32
        %get3A_249 = arith.index_cast %get3A_248 : i32 to index
        %get3A_250 = arith.index_cast %select_n3A_204 : i32 to index
        %get3A_251 = arith.index_cast %mul3A_222 : i32 to index
        %get3A_252 = tpu.vector_load %arg8[%get3A_249, %get3A_250, %get3A_251] {strides = array<i32>} : memref<64x4x128xf32, #tpu.memory_space<vmem>>, vector<16xf32>,
        %get3A_253 = arith.constant 6 : i32
        %get3A_254 = arith.index_cast %get3A_253 : i32 to index
        %get3A_255 = arith.index_cast %select_n3A_204 : i32 to index
        %get3A_256 = arith.index_cast %mul3A_222 : i32 to index
        %get3A_257 = tpu.vector_load %arg8[%get3A_254, %get3A_255, %get3A_256] {strides = array<i32>} : memref<64x4x128xf32, #tpu.memory_space<vmem>>, vector<16xf32>,
        %get3A_258 = arith.constant 7 : i32
        %get3A_259 = arith.index_cast %get3A_258 : i32 to index
        %get3A_260 = arith.index_cast %select_n3A_204 : i32 to index
        %get3A_261 = arith.index_cast %mul3A_222 : i32 to index
        %get3A_262 = tpu.vector_load %arg8[%get3A_259, %get3A_260, %get3A_261] {strides = array<i32>} : memref<64x4x128xf32, #tpu.memory_space<vmem>>, vector<16xf32>,
        %get3A_263 = arith.constant 8 : i32
        %get3A_264 = arith.index_cast %get3A_263 : i32 to index
        %get3A_265 = arith.index_cast %select_n3A_204 : i32 to index
        %get3A_266 = arith.index_cast %mul3A_222 : i32 to index
        %get3A_267 = tpu.vector_load %arg8[%get3A_264, %get3A_265, %get3A_266] {strides = array<i32>} : memref<64x4x128xf32, #tpu.memory_space<vmem>>, vector<16xf32>,
        %get3A_268 = arith.constant 9 : i32
        %get3A_269 = arith.index_cast %get3A_268 : i32 to index
        %get3A_270 = arith.index_cast %select_n3A_204 : i32 to index
        %get3A_271 = arith.index_cast %mul3A_222 : i32 to index
        %get3A_272 = tpu.vector_load %arg8[%get3A_269, %get3A_270, %get3A_271] {strides = array<i32>} : memref<64x4x128xf32, #tpu.memory_space<vmem>>, vector<16xf32>,
        %get3A_273 = arith.constant 10 : i32
        %get3A_274 = arith.index_cast %get3A_273 : i32 to index
        %get3A_275 = arith.index_cast %select_n3A_204 : i32 to index
        %get3A_276 = arith.index_cast %mul3A_222 : i32 to index
        %get3A_277 = tpu.vector_load %arg8[%get3A_274, %get3A_275, %get3A_276] {strides = array<i32>} : memref<64x4x128xf32, #tpu.memory_space<vmem>>, vector<16xf32>,
        %get3A_278 = arith.constant 11 : i32
        %get3A_279 = arith.index_cast %get3A_278 : i32 to index
        %get3A_280 = arith.index_cast %select_n3A_204 : i32 to index
        %get3A_281 = arith.index_cast %mul3A_222 : i32 to index
        %get3A_282 = tpu.vector_load %arg8[%get3A_279, %get3A_280, %get3A_281] {strides = array<i32>} : memref<64x4x128xf32, #tpu.memory_space<vmem>>, vector<16xf32>,
        %get3A_283 = arith.constant 12 : i32
        %get3A_284 = arith.index_cast %get3A_283 : i32 to index
        %get3A_285 = arith.index_cast %select_n3A_204 : i32 to index
        %get3A_286 = arith.index_cast %mul3A_222 : i32 to index
        %get3A_287 = tpu.vector_load %arg8[%get3A_284, %get3A_285, %get3A_286] {strides = array<i32>} : memref<64x4x128xf32, #tpu.memory_space<vmem>>, vector<16xf32>,
        %get3A_288 = arith.constant 13 : i32
        %get3A_289 = arith.index_cast %get3A_288 : i32 to index
        %get3A_290 = arith.index_cast %select_n3A_204 : i32 to index
        %get3A_291 = arith.index_cast %mul3A_222 : i32 to index
        %get3A_292 = tpu.vector_load %arg8[%get3A_289, %get3A_290, %get3A_291] {strides = array<i32>} : memref<64x4x128xf32, #tpu.memory_space<vmem>>, vector<16xf32>,
        %get3A_293 = arith.constant 14 : i32
        %get3A_294 = arith.index_cast %get3A_293 : i32 to index
        %get3A_295 = arith.index_cast %select_n3A_204 : i32 to index
        %get3A_296 = arith.index_cast %mul3A_222 : i32 to index
        %get3A_297 = tpu.vector_load %arg8[%get3A_294, %get3A_295, %get3A_296] {strides = array<i32>} : memref<64x4x128xf32, #tpu.memory_space<vmem>>, vector<16xf32>,
        %get3A_298 = arith.constant 15 : i32
        %get3A_299 = arith.index_cast %get3A_298 : i32 to index
        %get3A_300 = arith.index_cast %select_n3A_204 : i32 to index
        %get3A_301 = arith.index_cast %mul3A_222 : i32 to index
        %get3A_302 = tpu.vector_load %arg8[%get3A_299, %get3A_300, %get3A_301] {strides = array<i32>} : memref<64x4x128xf32, #tpu.memory_space<vmem>>, vector<16xf32>,
        %max3A = arith.maximumf %get3A_227, %get3A_232 : vector<16xf32>
        %max3A_303 = arith.maximumf %get3A_237, %get3A_242 : vector<16xf32>
        %max3A_304 = arith.maximumf %get3A_247, %get3A_252 : vector<16xf32>
        %max3A_305 = arith.maximumf %get3A_257, %get3A_262 : vector<16xf32>
        %max3A_306 = arith.maximumf %get3A_267, %get3A_272 : vector<16xf32>
        %max3A_307 = arith.maximumf %get3A_277, %get3A_282 : vector<16xf32>
        %max3A_308 = arith.maximumf %get3A_287, %get3A_292 : vector<16xf32>
        %max3A_309 = arith.maximumf %get3A_297, %get3A_302 : vector<16xf32>
        %max3A_310 = arith.maximumf %max3A, %max3A_303 : vector<16xf32>
        %max3A_311 = arith.maximumf %max3A_304, %max3A_305 : vector<16xf32>
        %max3A_312 = arith.maximumf %max3A_306, %max3A_307 : vector<16xf32>
        %max3A_313 = arith.maximumf %max3A_308, %max3A_309 : vector<16xf32>
        %max3A_314 = arith.maximumf %max3A_310, %max3A_311 : vector<16xf32>
        %max3A_315 = arith.maximumf %max3A_312, %max3A_313 : vector<16xf32>
        %max3A_316 = arith.maximumf %max3A_314, %max3A_315 : vector<16xf32>
        %swap3A_317 = arith.constant 0 : i32
        %swap3A_318 = arith.index_cast %swap3A_317 : i32 to index
        %swap3A_319 = arith.index_cast %select_n3A_204 : i32 to index
        %swap3A_320 = arith.index_cast %mul3A_222 : i32 to index
        %swap3A_321 = tpu.vector_load %arg10[%swap3A_318, %swap3A_319, %swap3A_320] {strides = array<i32>} : memref<4x4x128xf32, #tpu.memory_space<vmem>>, vector<16xf32>,
        tpu.vector_store %arg10[%swap3A_318, %swap3A_319, %swap3A_320], %max3A_316 {strides = array<i32>} : memref<4x4x128xf32, #tpu.memory_space<vmem>>, vector<16xf32>,
        %get3A_322 = arith.constant 16 : i32
        %get3A_323 = arith.index_cast %get3A_322 : i32 to index
        %get3A_324 = arith.index_cast %select_n3A_204 : i32 to index
        %get3A_325 = arith.index_cast %mul3A_222 : i32 to index
        %get3A_326 = tpu.vector_load %arg8[%get3A_323, %get3A_324, %get3A_325] {strides = array<i32>} : memref<64x4x128xf32, #tpu.memory_space<vmem>>, vector<16xf32>,
        %get3A_327 = arith.constant 17 : i32
        %get3A_328 = arith.index_cast %get3A_327 : i32 to index
        %get3A_329 = arith.index_cast %select_n3A_204 : i32 to index
        %get3A_330 = arith.index_cast %mul3A_222 : i32 to index
        %get3A_331 = tpu.vector_load %arg8[%get3A_328, %get3A_329, %get3A_330] {strides = array<i32>} : memref<64x4x128xf32, #tpu.memory_space<vmem>>, vector<16xf32>,
        %get3A_332 = arith.constant 18 : i32
        %get3A_333 = arith.index_cast %get3A_332 : i32 to index
        %get3A_334 = arith.index_cast %select_n3A_204 : i32 to index
        %get3A_335 = arith.index_cast %mul3A_222 : i32 to index
        %get3A_336 = tpu.vector_load %arg8[%get3A_333, %get3A_334, %get3A_335] {strides = array<i32>} : memref<64x4x128xf32, #tpu.memory_space<vmem>>, vector<16xf32>,
        %get3A_337 = arith.constant 19 : i32
        %get3A_338 = arith.index_cast %get3A_337 : i32 to index
        %get3A_339 = arith.index_cast %select_n3A_204 : i32 to index
        %get3A_340 = arith.index_cast %mul3A_222 : i32 to index
        %get3A_341 = tpu.vector_load %arg8[%get3A_338, %get3A_339, %get3A_340] {strides = array<i32>} : memref<64x4x128xf32, #tpu.memory_space<vmem>>, vector<16xf32>,
        %get3A_342 = arith.constant 20 : i32
        %get3A_343 = arith.index_cast %get3A_342 : i32 to index
        %get3A_344 = arith.index_cast %select_n3A_204 : i32 to index
        %get3A_345 = arith.index_cast %mul3A_222 : i32 to index
        %get3A_346 = tpu.vector_load %arg8[%get3A_343, %get3A_344, %get3A_345] {strides = array<i32>} : memref<64x4x128xf32, #tpu.memory_space<vmem>>, vector<16xf32>,
        %get3A_347 = arith.constant 21 : i32
        %get3A_348 = arith.index_cast %get3A_347 : i32 to index
        %get3A_349 = arith.index_cast %select_n3A_204 : i32 to index
        %get3A_350 = arith.index_cast %mul3A_222 : i32 to index
        %get3A_351 = tpu.vector_load %arg8[%get3A_348, %get3A_349, %get3A_350] {strides = array<i32>} : memref<64x4x128xf32, #tpu.memory_space<vmem>>, vector<16xf32>,
        %get3A_352 = arith.constant 22 : i32
        %get3A_353 = arith.index_cast %get3A_352 : i32 to index
        %get3A_354 = arith.index_cast %select_n3A_204 : i32 to index
        %get3A_355 = arith.index_cast %mul3A_222 : i32 to index
        %get3A_356 = tpu.vector_load %arg8[%get3A_353, %get3A_354, %get3A_355] {strides = array<i32>} : memref<64x4x128xf32, #tpu.memory_space<vmem>>, vector<16xf32>,
        %get3A_357 = arith.constant 23 : i32
        %get3A_358 = arith.index_cast %get3A_357 : i32 to index
        %get3A_359 = arith.index_cast %select_n3A_204 : i32 to index
        %get3A_360 = arith.index_cast %mul3A_222 : i32 to index
        %get3A_361 = tpu.vector_load %arg8[%get3A_358, %get3A_359, %get3A_360] {strides = array<i32>} : memref<64x4x128xf32, #tpu.memory_space<vmem>>, vector<16xf32>,
        %get3A_362 = arith.constant 24 : i32
        %get3A_363 = arith.index_cast %get3A_362 : i32 to index
        %get3A_364 = arith.index_cast %select_n3A_204 : i32 to index
        %get3A_365 = arith.index_cast %mul3A_222 : i32 to index
        %get3A_366 = tpu.vector_load %arg8[%get3A_363, %get3A_364, %get3A_365] {strides = array<i32>} : memref<64x4x128xf32, #tpu.memory_space<vmem>>, vector<16xf32>,
        %get3A_367 = arith.constant 25 : i32
        %get3A_368 = arith.index_cast %get3A_367 : i32 to index
        %get3A_369 = arith.index_cast %select_n3A_204 : i32 to index
        %get3A_370 = arith.index_cast %mul3A_222 : i32 to index
        %get3A_371 = tpu.vector_load %arg8[%get3A_368, %get3A_369, %get3A_370] {strides = array<i32>} : memref<64x4x128xf32, #tpu.memory_space<vmem>>, vector<16xf32>,
        %get3A_372 = arith.constant 26 : i32
        %get3A_373 = arith.index_cast %get3A_372 : i32 to index
        %get3A_374 = arith.index_cast %select_n3A_204 : i32 to index
        %get3A_375 = arith.index_cast %mul3A_222 : i32 to index
        %get3A_376 = tpu.vector_load %arg8[%get3A_373, %get3A_374, %get3A_375] {strides = array<i32>} : memref<64x4x128xf32, #tpu.memory_space<vmem>>, vector<16xf32>,
        %get3A_377 = arith.constant 27 : i32
        %get3A_378 = arith.index_cast %get3A_377 : i32 to index
        %get3A_379 = arith.index_cast %select_n3A_204 : i32 to index
        %get3A_380 = arith.index_cast %mul3A_222 : i32 to index
        %get3A_381 = tpu.vector_load %arg8[%get3A_378, %get3A_379, %get3A_380] {strides = array<i32>} : memref<64x4x128xf32, #tpu.memory_space<vmem>>, vector<16xf32>,
        %get3A_382 = arith.constant 28 : i32
        %get3A_383 = arith.index_cast %get3A_382 : i32 to index
        %get3A_384 = arith.index_cast %select_n3A_204 : i32 to index
        %get3A_385 = arith.index_cast %mul3A_222 : i32 to index
        %get3A_386 = tpu.vector_load %arg8[%get3A_383, %get3A_384, %get3A_385] {strides = array<i32>} : memref<64x4x128xf32, #tpu.memory_space<vmem>>, vector<16xf32>,
        %get3A_387 = arith.constant 29 : i32
        %get3A_388 = arith.index_cast %get3A_387 : i32 to index
        %get3A_389 = arith.index_cast %select_n3A_204 : i32 to index
        %get3A_390 = arith.index_cast %mul3A_222 : i32 to index
        %get3A_391 = tpu.vector_load %arg8[%get3A_388, %get3A_389, %get3A_390] {strides = array<i32>} : memref<64x4x128xf32, #tpu.memory_space<vmem>>, vector<16xf32>,
        %get3A_392 = arith.constant 30 : i32
        %get3A_393 = arith.index_cast %get3A_392 : i32 to index
        %get3A_394 = arith.index_cast %select_n3A_204 : i32 to index
        %get3A_395 = arith.index_cast %mul3A_222 : i32 to index
        %get3A_396 = tpu.vector_load %arg8[%get3A_393, %get3A_394, %get3A_395] {strides = array<i32>} : memref<64x4x128xf32, #tpu.memory_space<vmem>>, vector<16xf32>,
        %get3A_397 = arith.constant 31 : i32
        %get3A_398 = arith.index_cast %get3A_397 : i32 to index
        %get3A_399 = arith.index_cast %select_n3A_204 : i32 to index
        %get3A_400 = arith.index_cast %mul3A_222 : i32 to index
        %get3A_401 = tpu.vector_load %arg8[%get3A_398, %get3A_399, %get3A_400] {strides = array<i32>} : memref<64x4x128xf32, #tpu.memory_space<vmem>>, vector<16xf32>,
        %max3A_402 = arith.maximumf %get3A_326, %get3A_331 : vector<16xf32>
        %max3A_403 = arith.maximumf %get3A_336, %get3A_341 : vector<16xf32>
        %max3A_404 = arith.maximumf %get3A_346, %get3A_351 : vector<16xf32>
        %max3A_405 = arith.maximumf %get3A_356, %get3A_361 : vector<16xf32>
        %max3A_406 = arith.maximumf %get3A_366, %get3A_371 : vector<16xf32>
        %max3A_407 = arith.maximumf %get3A_376, %get3A_381 : vector<16xf32>
        %max3A_408 = arith.maximumf %get3A_386, %get3A_391 : vector<16xf32>
        %max3A_409 = arith.maximumf %get3A_396, %get3A_401 : vector<16xf32>
        %max3A_410 = arith.maximumf %max3A_402, %max3A_403 : vector<16xf32>
        %max3A_411 = arith.maximumf %max3A_404, %max3A_405 : vector<16xf32>
        %max3A_412 = arith.maximumf %max3A_406, %max3A_407 : vector<16xf32>
        %max3A_413 = arith.maximumf %max3A_408, %max3A_409 : vector<16xf32>
        %max3A_414 = arith.maximumf %max3A_410, %max3A_411 : vector<16xf32>
        %max3A_415 = arith.maximumf %max3A_412, %max3A_413 : vector<16xf32>
        %max3A_416 = arith.maximumf %max3A_414, %max3A_415 : vector<16xf32>
        %swap3A_417 = arith.constant 1 : i32
        %swap3A_418 = arith.index_cast %swap3A_417 : i32 to index
        %swap3A_419 = arith.index_cast %select_n3A_204 : i32 to index
        %swap3A_420 = arith.index_cast %mul3A_222 : i32 to index
        %swap3A_421 = tpu.vector_load %arg10[%swap3A_418, %swap3A_419, %swap3A_420] {strides = array<i32>} : memref<4x4x128xf32, #tpu.memory_space<vmem>>, vector<16xf32>,
        tpu.vector_store %arg10[%swap3A_418, %swap3A_419, %swap3A_420], %max3A_416 {strides = array<i32>} : memref<4x4x128xf32, #tpu.memory_space<vmem>>, vector<16xf32>,
        %get3A_422 = arith.constant 32 : i32
        %get3A_423 = arith.index_cast %get3A_422 : i32 to index
        %get3A_424 = arith.index_cast %select_n3A_204 : i32 to index
        %get3A_425 = arith.index_cast %mul3A_222 : i32 to index
        %get3A_426 = tpu.vector_load %arg8[%get3A_423, %get3A_424, %get3A_425] {strides = array<i32>} : memref<64x4x128xf32, #tpu.memory_space<vmem>>, vector<16xf32>,
        %get3A_427 = arith.constant 33 : i32
        %get3A_428 = arith.index_cast %get3A_427 : i32 to index
        %get3A_429 = arith.index_cast %select_n3A_204 : i32 to index
        %get3A_430 = arith.index_cast %mul3A_222 : i32 to index
        %get3A_431 = tpu.vector_load %arg8[%get3A_428, %get3A_429, %get3A_430] {strides = array<i32>} : memref<64x4x128xf32, #tpu.memory_space<vmem>>, vector<16xf32>,
        %get3A_432 = arith.constant 34 : i32
        %get3A_433 = arith.index_cast %get3A_432 : i32 to index
        %get3A_434 = arith.index_cast %select_n3A_204 : i32 to index
        %get3A_435 = arith.index_cast %mul3A_222 : i32 to index
        %get3A_436 = tpu.vector_load %arg8[%get3A_433, %get3A_434, %get3A_435] {strides = array<i32>} : memref<64x4x128xf32, #tpu.memory_space<vmem>>, vector<16xf32>,
        %get3A_437 = arith.constant 35 : i32
        %get3A_438 = arith.index_cast %get3A_437 : i32 to index
        %get3A_439 = arith.index_cast %select_n3A_204 : i32 to index
        %get3A_440 = arith.index_cast %mul3A_222 : i32 to index
        %get3A_441 = tpu.vector_load %arg8[%get3A_438, %get3A_439, %get3A_440] {strides = array<i32>} : memref<64x4x128xf32, #tpu.memory_space<vmem>>, vector<16xf32>,
        %get3A_442 = arith.constant 36 : i32
        %get3A_443 = arith.index_cast %get3A_442 : i32 to index
        %get3A_444 = arith.index_cast %select_n3A_204 : i32 to index
        %get3A_445 = arith.index_cast %mul3A_222 : i32 to index
        %get3A_446 = tpu.vector_load %arg8[%get3A_443, %get3A_444, %get3A_445] {strides = array<i32>} : memref<64x4x128xf32, #tpu.memory_space<vmem>>, vector<16xf32>,
        %get3A_447 = arith.constant 37 : i32
        %get3A_448 = arith.index_cast %get3A_447 : i32 to index
        %get3A_449 = arith.index_cast %select_n3A_204 : i32 to index
        %get3A_450 = arith.index_cast %mul3A_222 : i32 to index
        %get3A_451 = tpu.vector_load %arg8[%get3A_448, %get3A_449, %get3A_450] {strides = array<i32>} : memref<64x4x128xf32, #tpu.memory_space<vmem>>, vector<16xf32>,
        %get3A_452 = arith.constant 38 : i32
        %get3A_453 = arith.index_cast %get3A_452 : i32 to index
        %get3A_454 = arith.index_cast %select_n3A_204 : i32 to index
        %get3A_455 = arith.index_cast %mul3A_222 : i32 to index
        %get3A_456 = tpu.vector_load %arg8[%get3A_453, %get3A_454, %get3A_455] {strides = array<i32>} : memref<64x4x128xf32, #tpu.memory_space<vmem>>, vector<16xf32>,
        %get3A_457 = arith.constant 39 : i32
        %get3A_458 = arith.index_cast %get3A_457 : i32 to index
        %get3A_459 = arith.index_cast %select_n3A_204 : i32 to index
        %get3A_460 = arith.index_cast %mul3A_222 : i32 to index
        %get3A_461 = tpu.vector_load %arg8[%get3A_458, %get3A_459, %get3A_460] {strides = array<i32>} : memref<64x4x128xf32, #tpu.memory_space<vmem>>, vector<16xf32>,
        %get3A_462 = arith.constant 40 : i32
        %get3A_463 = arith.index_cast %get3A_462 : i32 to index
        %get3A_464 = arith.index_cast %select_n3A_204 : i32 to index
        %get3A_465 = arith.index_cast %mul3A_222 : i32 to index
        %get3A_466 = tpu.vector_load %arg8[%get3A_463, %get3A_464, %get3A_465] {strides = array<i32>} : memref<64x4x128xf32, #tpu.memory_space<vmem>>, vector<16xf32>,
        %get3A_467 = arith.constant 41 : i32
        %get3A_468 = arith.index_cast %get3A_467 : i32 to index
        %get3A_469 = arith.index_cast %select_n3A_204 : i32 to index
        %get3A_470 = arith.index_cast %mul3A_222 : i32 to index
        %get3A_471 = tpu.vector_load %arg8[%get3A_468, %get3A_469, %get3A_470] {strides = array<i32>} : memref<64x4x128xf32, #tpu.memory_space<vmem>>, vector<16xf32>,
        %get3A_472 = arith.constant 42 : i32
        %get3A_473 = arith.index_cast %get3A_472 : i32 to index
        %get3A_474 = arith.index_cast %select_n3A_204 : i32 to index
        %get3A_475 = arith.index_cast %mul3A_222 : i32 to index
        %get3A_476 = tpu.vector_load %arg8[%get3A_473, %get3A_474, %get3A_475] {strides = array<i32>} : memref<64x4x128xf32, #tpu.memory_space<vmem>>, vector<16xf32>,
        %get3A_477 = arith.constant 43 : i32
        %get3A_478 = arith.index_cast %get3A_477 : i32 to index
        %get3A_479 = arith.index_cast %select_n3A_204 : i32 to index
        %get3A_480 = arith.index_cast %mul3A_222 : i32 to index
        %get3A_481 = tpu.vector_load %arg8[%get3A_478, %get3A_479, %get3A_480] {strides = array<i32>} : memref<64x4x128xf32, #tpu.memory_space<vmem>>, vector<16xf32>,
        %get3A_482 = arith.constant 44 : i32
        %get3A_483 = arith.index_cast %get3A_482 : i32 to index
        %get3A_484 = arith.index_cast %select_n3A_204 : i32 to index
        %get3A_485 = arith.index_cast %mul3A_222 : i32 to index
        %get3A_486 = tpu.vector_load %arg8[%get3A_483, %get3A_484, %get3A_485] {strides = array<i32>} : memref<64x4x128xf32, #tpu.memory_space<vmem>>, vector<16xf32>,
        %get3A_487 = arith.constant 45 : i32
        %get3A_488 = arith.index_cast %get3A_487 : i32 to index
        %get3A_489 = arith.index_cast %select_n3A_204 : i32 to index
        %get3A_490 = arith.index_cast %mul3A_222 : i32 to index
        %get3A_491 = tpu.vector_load %arg8[%get3A_488, %get3A_489, %get3A_490] {strides = array<i32>} : memref<64x4x128xf32, #tpu.memory_space<vmem>>, vector<16xf32>,
        %get3A_492 = arith.constant 46 : i32
        %get3A_493 = arith.index_cast %get3A_492 : i32 to index
        %get3A_494 = arith.index_cast %select_n3A_204 : i32 to index
        %get3A_495 = arith.index_cast %mul3A_222 : i32 to index
        %get3A_496 = tpu.vector_load %arg8[%get3A_493, %get3A_494, %get3A_495] {strides = array<i32>} : memref<64x4x128xf32, #tpu.memory_space<vmem>>, vector<16xf32>,
        %get3A_497 = arith.constant 47 : i32
        %get3A_498 = arith.index_cast %get3A_497 : i32 to index
        %get3A_499 = arith.index_cast %select_n3A_204 : i32 to index
        %get3A_500 = arith.index_cast %mul3A_222 : i32 to index
        %get3A_501 = tpu.vector_load %arg8[%get3A_498, %get3A_499, %get3A_500] {strides = array<i32>} : memref<64x4x128xf32, #tpu.memory_space<vmem>>, vector<16xf32>,
        %max3A_502 = arith.maximumf %get3A_426, %get3A_431 : vector<16xf32>
        %max3A_503 = arith.maximumf %get3A_436, %get3A_441 : vector<16xf32>
        %max3A_504 = arith.maximumf %get3A_446, %get3A_451 : vector<16xf32>
        %max3A_505 = arith.maximumf %get3A_456, %get3A_461 : vector<16xf32>
        %max3A_506 = arith.maximumf %get3A_466, %get3A_471 : vector<16xf32>
        %max3A_507 = arith.maximumf %get3A_476, %get3A_481 : vector<16xf32>
        %max3A_508 = arith.maximumf %get3A_486, %get3A_491 : vector<16xf32>
        %max3A_509 = arith.maximumf %get3A_496, %get3A_501 : vector<16xf32>
        %max3A_510 = arith.maximumf %max3A_502, %max3A_503 : vector<16xf32>
        %max3A_511 = arith.maximumf %max3A_504, %max3A_505 : vector<16xf32>
        %max3A_512 = arith.maximumf %max3A_506, %max3A_507 : vector<16xf32>
        %max3A_513 = arith.maximumf %max3A_508, %max3A_509 : vector<16xf32>
        %max3A_514 = arith.maximumf %max3A_510, %max3A_511 : vector<16xf32>
        %max3A_515 = arith.maximumf %max3A_512, %max3A_513 : vector<16xf32>
        %max3A_516 = arith.maximumf %max3A_514, %max3A_515 : vector<16xf32>
        %swap3A_517 = arith.constant 2 : i32
        %swap3A_518 = arith.index_cast %swap3A_517 : i32 to index
        %swap3A_519 = arith.index_cast %select_n3A_204 : i32 to index
        %swap3A_520 = arith.index_cast %mul3A_222 : i32 to index
        %swap3A_521 = tpu.vector_load %arg10[%swap3A_518, %swap3A_519, %swap3A_520] {strides = array<i32>} : memref<4x4x128xf32, #tpu.memory_space<vmem>>, vector<16xf32>,
        tpu.vector_store %arg10[%swap3A_518, %swap3A_519, %swap3A_520], %max3A_516 {strides = array<i32>} : memref<4x4x128xf32, #tpu.memory_space<vmem>>, vector<16xf32>,
        %get3A_522 = arith.constant 48 : i32
        %get3A_523 = arith.index_cast %get3A_522 : i32 to index
        %get3A_524 = arith.index_cast %select_n3A_204 : i32 to index
        %get3A_525 = arith.index_cast %mul3A_222 : i32 to index
        %get3A_526 = tpu.vector_load %arg8[%get3A_523, %get3A_524, %get3A_525] {strides = array<i32>} : memref<64x4x128xf32, #tpu.memory_space<vmem>>, vector<16xf32>,
        %get3A_527 = arith.constant 49 : i32
        %get3A_528 = arith.index_cast %get3A_527 : i32 to index
        %get3A_529 = arith.index_cast %select_n3A_204 : i32 to index
        %get3A_530 = arith.index_cast %mul3A_222 : i32 to index
        %get3A_531 = tpu.vector_load %arg8[%get3A_528, %get3A_529, %get3A_530] {strides = array<i32>} : memref<64x4x128xf32, #tpu.memory_space<vmem>>, vector<16xf32>,
        %get3A_532 = arith.constant 50 : i32
        %get3A_533 = arith.index_cast %get3A_532 : i32 to index
        %get3A_534 = arith.index_cast %select_n3A_204 : i32 to index
        %get3A_535 = arith.index_cast %mul3A_222 : i32 to index
        %get3A_536 = tpu.vector_load %arg8[%get3A_533, %get3A_534, %get3A_535] {strides = array<i32>} : memref<64x4x128xf32, #tpu.memory_space<vmem>>, vector<16xf32>,
        %get3A_537 = arith.constant 51 : i32
        %get3A_538 = arith.index_cast %get3A_537 : i32 to index
        %get3A_539 = arith.index_cast %select_n3A_204 : i32 to index
        %get3A_540 = arith.index_cast %mul3A_222 : i32 to index
        %get3A_541 = tpu.vector_load %arg8[%get3A_538, %get3A_539, %get3A_540] {strides = array<i32>} : memref<64x4x128xf32, #tpu.memory_space<vmem>>, vector<16xf32>,
        %get3A_542 = arith.constant 52 : i32
        %get3A_543 = arith.index_cast %get3A_542 : i32 to index
        %get3A_544 = arith.index_cast %select_n3A_204 : i32 to index
        %get3A_545 = arith.index_cast %mul3A_222 : i32 to index
        %get3A_546 = tpu.vector_load %arg8[%get3A_543, %get3A_544, %get3A_545] {strides = array<i32>} : memref<64x4x128xf32, #tpu.memory_space<vmem>>, vector<16xf32>,
        %get3A_547 = arith.constant 53 : i32
        %get3A_548 = arith.index_cast %get3A_547 : i32 to index
        %get3A_549 = arith.index_cast %select_n3A_204 : i32 to index
        %get3A_550 = arith.index_cast %mul3A_222 : i32 to index
        %get3A_551 = tpu.vector_load %arg8[%get3A_548, %get3A_549, %get3A_550] {strides = array<i32>} : memref<64x4x128xf32, #tpu.memory_space<vmem>>, vector<16xf32>,
        %get3A_552 = arith.constant 54 : i32
        %get3A_553 = arith.index_cast %get3A_552 : i32 to index
        %get3A_554 = arith.index_cast %select_n3A_204 : i32 to index
        %get3A_555 = arith.index_cast %mul3A_222 : i32 to index
        %get3A_556 = tpu.vector_load %arg8[%get3A_553, %get3A_554, %get3A_555] {strides = array<i32>} : memref<64x4x128xf32, #tpu.memory_space<vmem>>, vector<16xf32>,
        %get3A_557 = arith.constant 55 : i32
        %get3A_558 = arith.index_cast %get3A_557 : i32 to index
        %get3A_559 = arith.index_cast %select_n3A_204 : i32 to index
        %get3A_560 = arith.index_cast %mul3A_222 : i32 to index
        %get3A_561 = tpu.vector_load %arg8[%get3A_558, %get3A_559, %get3A_560] {strides = array<i32>} : memref<64x4x128xf32, #tpu.memory_space<vmem>>, vector<16xf32>,
        %get3A_562 = arith.constant 56 : i32
        %get3A_563 = arith.index_cast %get3A_562 : i32 to index
        %get3A_564 = arith.index_cast %select_n3A_204 : i32 to index
        %get3A_565 = arith.index_cast %mul3A_222 : i32 to index
        %get3A_566 = tpu.vector_load %arg8[%get3A_563, %get3A_564, %get3A_565] {strides = array<i32>} : memref<64x4x128xf32, #tpu.memory_space<vmem>>, vector<16xf32>,
        %get3A_567 = arith.constant 57 : i32
        %get3A_568 = arith.index_cast %get3A_567 : i32 to index
        %get3A_569 = arith.index_cast %select_n3A_204 : i32 to index
        %get3A_570 = arith.index_cast %mul3A_222 : i32 to index
        %get3A_571 = tpu.vector_load %arg8[%get3A_568, %get3A_569, %get3A_570] {strides = array<i32>} : memref<64x4x128xf32, #tpu.memory_space<vmem>>, vector<16xf32>,
        %get3A_572 = arith.constant 58 : i32
        %get3A_573 = arith.index_cast %get3A_572 : i32 to index
        %get3A_574 = arith.index_cast %select_n3A_204 : i32 to index
        %get3A_575 = arith.index_cast %mul3A_222 : i32 to index
        %get3A_576 = tpu.vector_load %arg8[%get3A_573, %get3A_574, %get3A_575] {strides = array<i32>} : memref<64x4x128xf32, #tpu.memory_space<vmem>>, vector<16xf32>,
        %get3A_577 = arith.constant 59 : i32
        %get3A_578 = arith.index_cast %get3A_577 : i32 to index
        %get3A_579 = arith.index_cast %select_n3A_204 : i32 to index
        %get3A_580 = arith.index_cast %mul3A_222 : i32 to index
        %get3A_581 = tpu.vector_load %arg8[%get3A_578, %get3A_579, %get3A_580] {strides = array<i32>} : memref<64x4x128xf32, #tpu.memory_space<vmem>>, vector<16xf32>,
        %get3A_582 = arith.constant 60 : i32
        %get3A_583 = arith.index_cast %get3A_582 : i32 to index
        %get3A_584 = arith.index_cast %select_n3A_204 : i32 to index
        %get3A_585 = arith.index_cast %mul3A_222 : i32 to index
        %get3A_586 = tpu.vector_load %arg8[%get3A_583, %get3A_584, %get3A_585] {strides = array<i32>} : memref<64x4x128xf32, #tpu.memory_space<vmem>>, vector<16xf32>,
        %get3A_587 = arith.constant 61 : i32
        %get3A_588 = arith.index_cast %get3A_587 : i32 to index
        %get3A_589 = arith.index_cast %select_n3A_204 : i32 to index
        %get3A_590 = arith.index_cast %mul3A_222 : i32 to index
        %get3A_591 = tpu.vector_load %arg8[%get3A_588, %get3A_589, %get3A_590] {strides = array<i32>} : memref<64x4x128xf32, #tpu.memory_space<vmem>>, vector<16xf32>,
        %get3A_592 = arith.constant 62 : i32
        %get3A_593 = arith.index_cast %get3A_592 : i32 to index
        %get3A_594 = arith.index_cast %select_n3A_204 : i32 to index
        %get3A_595 = arith.index_cast %mul3A_222 : i32 to index
        %get3A_596 = tpu.vector_load %arg8[%get3A_593, %get3A_594, %get3A_595] {strides = array<i32>} : memref<64x4x128xf32, #tpu.memory_space<vmem>>, vector<16xf32>,
        %get3A_597 = arith.constant 63 : i32
        %get3A_598 = arith.index_cast %get3A_597 : i32 to index
        %get3A_599 = arith.index_cast %select_n3A_204 : i32 to index
        %get3A_600 = arith.index_cast %mul3A_222 : i32 to index
        %get3A_601 = tpu.vector_load %arg8[%get3A_598, %get3A_599, %get3A_600] {strides = array<i32>} : memref<64x4x128xf32, #tpu.memory_space<vmem>>, vector<16xf32>,
        %max3A_602 = arith.maximumf %get3A_526, %get3A_531 : vector<16xf32>
        %max3A_603 = arith.maximumf %get3A_536, %get3A_541 : vector<16xf32>
        %max3A_604 = arith.maximumf %get3A_546, %get3A_551 : vector<16xf32>
        %max3A_605 = arith.maximumf %get3A_556, %get3A_561 : vector<16xf32>
        %max3A_606 = arith.maximumf %get3A_566, %get3A_571 : vector<16xf32>
        %max3A_607 = arith.maximumf %get3A_576, %get3A_581 : vector<16xf32>
        %max3A_608 = arith.maximumf %get3A_586, %get3A_591 : vector<16xf32>
        %max3A_609 = arith.maximumf %get3A_596, %get3A_601 : vector<16xf32>
        %max3A_610 = arith.maximumf %max3A_602, %max3A_603 : vector<16xf32>
        %max3A_611 = arith.maximumf %max3A_604, %max3A_605 : vector<16xf32>
        %max3A_612 = arith.maximumf %max3A_606, %max3A_607 : vector<16xf32>
        %max3A_613 = arith.maximumf %max3A_608, %max3A_609 : vector<16xf32>
        %max3A_614 = arith.maximumf %max3A_610, %max3A_611 : vector<16xf32>
        %max3A_615 = arith.maximumf %max3A_612, %max3A_613 : vector<16xf32>
        %max3A_616 = arith.maximumf %max3A_614, %max3A_615 : vector<16xf32>
        %swap3A_617 = arith.constant 3 : i32
        %swap3A_618 = arith.index_cast %swap3A_617 : i32 to index
        %swap3A_619 = arith.index_cast %select_n3A_204 : i32 to index
        %swap3A_620 = arith.index_cast %mul3A_222 : i32 to index
        %swap3A_621 = tpu.vector_load %arg10[%swap3A_618, %swap3A_619, %swap3A_620] {strides = array<i32>} : memref<4x4x128xf32, #tpu.memory_space<vmem>>, vector<16xf32>,
        tpu.vector_store %arg10[%swap3A_618, %swap3A_619, %swap3A_620], %max3A_616 {strides = array<i32>} : memref<4x4x128xf32, #tpu.memory_space<vmem>>, vector<16xf32>,
        %scan3A_622 = arith.constant 0 : i32
        scf.yield %scan3A_622 : i32
      }
      %scan3A_130 = arith.constant 32 : i32
      %mul3A_131 = arith.constant 4 : i32
      %mul3A_132 = arith.muli %mul3A_116, %mul3A_131 : i32
      %add3A_133 = arith.addi %select_n3A_6, %mul3A_132 : i32
      %dma_start3A_134 = arith.constant 0 : i32
      %dma_start3A_135 = arith.constant 0 : i32
      %dma_start3A_136 = tpu.memref_slice %arg4[%add3A_133, %dma_start3A_134, %dma_start3A_135] : memref<25600x4x128xf32, #tpu.memory_space<hbm>> -> memref<4x4x128xf32, #tpu.memory_space<hbm>>
      %dma_start3A_137 = arith.constant 0 : i32
      %dma_start3A_138 = arith.constant 0 : i32
      %dma_start3A_139 = tpu.memref_slice %arg4[%add3A_133, %dma_start3A_137, %dma_start3A_138] : memref<25600x4x128xf32, #tpu.memory_space<hbm>> -> memref<4x4x128xf32, #tpu.memory_space<hbm>>
      tpu.enqueue_dma source(%arg10 : memref<4x4x128xf32, #tpu.memory_space<vmem>>) target(%dma_start3A_139 : memref<4x4x128xf32, #tpu.memory_space<hbm>>) target_semaphore(%arg14 : memref<!tpu.dma_semaphore, #tpu.memory_space<semaphore_mem>>)
      %add3A_140 = arith.constant 2 : i32
      %add3A_141 = arith.addi %mul3A_116, %add3A_140 : i32
      %lt3A = arith.cmpi slt, %add3A_141, %select_n3A_24 : i32
      %convert_element_type3A_142 = arith.extui %lt3A : i1 to i32
      %cond3A_143 = arith.constant 0 : i32
      %cond3A_144 = arith.cmpi ne, %convert_element_type3A_142, %cond3A_143 : i32
      scf.if %cond3A_144 {
        %add3A_179 = arith.constant 2 : i32
        %add3A_180 = arith.addi %mul3A_116, %add3A_179 : i32
        %mul3A_181 = arith.constant 64 : i32
        %mul3A_182 = arith.muli %add3A_180, %mul3A_181 : i32
        %add3A_183 = arith.constant 0 : i32
        %add3A_184 = arith.addi %mul3A_182, %add3A_183 : i32
        %get3A_185 = arith.index_cast %add3A_184 : i32 to index
        %get3A_186 = tpu.vector_load %arg5[%get3A_185] {strides = array<i32>} : memref<16384xi32, #tpu.memory_space<vmem>>, vector<16xi32>,
        %swap3A_187 = arith.constant 0 : index
        %swap3A_188 = tpu.vector_load %arg6[%swap3A_187] {strides = array<i32>} : memref<64xi32, #tpu.memory_space<vmem>>, vector<16xi32>,
        tpu.vector_store %arg6[%swap3A_187], %get3A_186 {strides = array<i32>} : memref<64xi32, #tpu.memory_space<vmem>>, vector<16xi32>,
        %mul3A_189 = arith.constant 64 : i32
        %mul3A_190 = arith.muli %add3A_180, %mul3A_189 : i32
        %add3A_191 = arith.constant 16 : i32
        %add3A_192 = arith.addi %mul3A_190, %add3A_191 : i32
        %get3A_193 = arith.index_cast %add3A_192 : i32 to index
        %get3A_194 = tpu.vector_load %arg5[%get3A_193] {strides = array<i32>} : memref<16384xi32, #tpu.memory_space<vmem>>, vector<16xi32>,
        %swap3A_195 = arith.constant 16 : index
        %swap3A_196 = tpu.vector_load %arg6[%swap3A_195] {strides = array<i32>} : memref<64xi32, #tpu.memory_space<vmem>>, vector<16xi32>,
        tpu.vector_store %arg6[%swap3A_195], %get3A_194 {strides = array<i32>} : memref<64xi32, #tpu.memory_space<vmem>>, vector<16xi32>,
        %mul3A_197 = arith.constant 64 : i32
        %mul3A_198 = arith.muli %add3A_180, %mul3A_197 : i32
        %add3A_199 = arith.constant 32 : i32
        %add3A_200 = arith.addi %mul3A_198, %add3A_199 : i32
        %get3A_201 = arith.index_cast %add3A_200 : i32 to index
        %get3A_202 = tpu.vector_load %arg5[%get3A_201] {strides = array<i32>} : memref<16384xi32, #tpu.memory_space<vmem>>, vector<16xi32>,
        %swap3A_203 = arith.constant 32 : index
        %swap3A_204 = tpu.vector_load %arg6[%swap3A_203] {strides = array<i32>} : memref<64xi32, #tpu.memory_space<vmem>>, vector<16xi32>,
        tpu.vector_store %arg6[%swap3A_203], %get3A_202 {strides = array<i32>} : memref<64xi32, #tpu.memory_space<vmem>>, vector<16xi32>,
        %mul3A_205 = arith.constant 64 : i32
        %mul3A_206 = arith.muli %add3A_180, %mul3A_205 : i32
        %add3A_207 = arith.constant 48 : i32
        %add3A_208 = arith.addi %mul3A_206, %add3A_207 : i32
        %get3A_209 = arith.index_cast %add3A_208 : i32 to index
        %get3A_210 = tpu.vector_load %arg5[%get3A_209] {strides = array<i32>} : memref<16384xi32, #tpu.memory_space<vmem>>, vector<16xi32>,
        %swap3A_211 = arith.constant 48 : index
        %swap3A_212 = tpu.vector_load %arg6[%swap3A_211] {strides = array<i32>} : memref<64xi32, #tpu.memory_space<vmem>>, vector<16xi32>,
        tpu.vector_store %arg6[%swap3A_211], %get3A_210 {strides = array<i32>} : memref<64xi32, #tpu.memory_space<vmem>>, vector<16xi32>,
        %dma_start3A_213 = arith.constant 0 : i32
        %dma_start3A_214 = arith.constant 0 : i32
        %dma_start3A_215 = arith.constant 0 : i32
        %dma_start3A_216 = tpu.memref_slice %arg2[%dma_start3A_213, %dma_start3A_214, %dma_start3A_215] : memref<100000x4x128xf32, #tpu.memory_space<hbm>> -> memref<100000x4x128xf32, #tpu.memory_space<hbm>>
        tpu.enqueue_indirect_dma source(%dma_start3A_216 : memref<100000x4x128xf32, #tpu.memory_space<hbm>>) target(%arg8 : memref<64x4x128xf32, #tpu.memory_space<vmem>>) offsets(%arg6 : memref<64xi32, #tpu.memory_space<vmem>>) semaphore(%arg12 : memref<!tpu.dma_semaphore, #tpu.memory_space<semaphore_mem>>)
      } else {
      }
      %dma_wait3A_145 = arith.constant 0 : i32
      %dma_wait3A_146 = arith.constant 0 : i32
      %dma_wait3A_147 = arith.constant 0 : i32
      %dma_wait3A_148 = tpu.memref_slice %arg2[%dma_wait3A_145, %dma_wait3A_146, %dma_wait3A_147] : memref<100000x4x128xf32, #tpu.memory_space<hbm>> -> memref<100000x4x128xf32, #tpu.memory_space<hbm>>
      tpu.wait_indirect_dma semaphore(%arg13 : memref<!tpu.dma_semaphore, #tpu.memory_space<semaphore_mem>>) src(%dma_wait3A_148 : memref<100000x4x128xf32, #tpu.memory_space<hbm>>) dst(%arg9 : memref<64x4x128xf32, #tpu.memory_space<vmem>>)
      %gt3A_149 = arith.constant 0 : i32
      %gt3A_150 = arith.cmpi sgt, %while3A_113, %gt3A_149 : i32
      %convert_element_type3A_151 = arith.extui %gt3A_150 : i1 to i32
      %cond3A_152 = arith.constant 0 : i32
      %cond3A_153 = arith.cmpi ne, %convert_element_type3A_151, %cond3A_152 : i32
      scf.if %cond3A_153 {
        %dma_wait3A_179 = arith.constant 0 : i32
        %dma_wait3A_180 = arith.constant 0 : i32
        %dma_wait3A_181 = tpu.memref_slice %arg4[%select_n3A_6, %dma_wait3A_179, %dma_wait3A_180] : memref<25600x4x128xf32, #tpu.memory_space<hbm>> -> memref<4x4x128xf32, #tpu.memory_space<hbm>>
        %dma_wait3A_182 = arith.constant 0 : i32
        %dma_wait3A_183 = arith.constant 0 : i32
        %dma_wait3A_184 = tpu.memref_slice %arg4[%select_n3A_6, %dma_wait3A_182, %dma_wait3A_183] : memref<25600x4x128xf32, #tpu.memory_space<hbm>> -> memref<4x4x128xf32, #tpu.memory_space<hbm>>
        tpu.wait_dma2 semaphore(%arg15 : memref<!tpu.dma_semaphore, #tpu.memory_space<semaphore_mem>>) src(%arg11 : memref<4x4x128xf32, #tpu.memory_space<vmem>>) dst(%dma_wait3A_184 : memref<4x4x128xf32, #tpu.memory_space<hbm>>)
      } else {
      }
      %scan3A_154 = arith.constant 0 : i32
      %scan3A_155 = arith.constant 0 : i32
      %scan3A_156 = arith.constant 32 : i32
      %scan3A_157 = arith.addi %scan3A_155, %scan3A_156 : i32
      %scan3A_158 = arith.constant 1 : i32
      %scan3A_159 = scf.for %scan3A_179 = %scan3A_155 to %scan3A_157 step %scan3A_158 iter_args(%scan3A_180 = %scan3A_154) -> (i32)  : i32 {
        %jit3A_181 = arith.constant 8 : i32
        %div3A_182 = arith.divsi %scan3A_179, %jit3A_181 : i32
        %sign3A_183 = arith.constant 0 : i32
        %sign3A_184 = arith.cmpi sgt, %scan3A_179, %sign3A_183 : i32
        %sign3A_185 = arith.extui %sign3A_184 : i1 to i32
        %sign3A_186 = arith.constant 0 : i32
        %sign3A_187 = arith.cmpi slt, %scan3A_179, %sign3A_186 : i32
        %sign3A_188 = arith.extui %sign3A_187 : i1 to i32
        %sign3A_189 = arith.subi %sign3A_185, %sign3A_188 : i32
        %sign3A_190 = arith.constant 0 : i32
        %sign3A_191 = arith.cmpi sgt, %jit3A_181, %sign3A_190 : i32
        %sign3A_192 = arith.extui %sign3A_191 : i1 to i32
        %sign3A_193 = arith.constant 0 : i32
        %sign3A_194 = arith.cmpi slt, %jit3A_181, %sign3A_193 : i32
        %sign3A_195 = arith.extui %sign3A_194 : i1 to i32
        %sign3A_196 = arith.subi %sign3A_192, %sign3A_195 : i32
        %ne3A_197 = arith.cmpi ne, %sign3A_189, %sign3A_196 : i32
        %rem3A_198 = arith.remsi %scan3A_179, %jit3A_181 : i32
        %ne3A_199 = arith.constant 0 : i32
        %ne3A_200 = arith.cmpi ne, %rem3A_198, %ne3A_199 : i32
        %and3A_201 = arith.andi %ne3A_197, %ne3A_200 : i1
        %sub3A_202 = arith.constant 1 : i32
        %sub3A_203 = arith.subi %div3A_182, %sub3A_202 : i32
        %select_n3A_204 = arith.select %and3A_201, %sub3A_203, %div3A_182 : i32
        %jit3A_205 = arith.constant 8 : i32
        %eq3A_206 = arith.constant 0 : i32
        %eq3A_207 = arith.cmpi eq, %jit3A_205, %eq3A_206 : i32
        %jit3A_208 = arith.constant 1 : i32
        %select_n3A_209 = arith.select %eq3A_207, %jit3A_208, %jit3A_205 : i32
        %rem3A_210 = arith.remsi %scan3A_179, %select_n3A_209 : i32
        %ne3A_211 = arith.constant 0 : i32
        %ne3A_212 = arith.cmpi ne, %rem3A_210, %ne3A_211 : i32
        %lt3A_213 = arith.constant 0 : i32
        %lt3A_214 = arith.cmpi slt, %rem3A_210, %lt3A_213 : i32
        %lt3A_215 = arith.constant 0 : i32
        %lt3A_216 = arith.cmpi slt, %select_n3A_209, %lt3A_215 : i32
        %ne3A_217 = arith.xori %lt3A_214, %lt3A_216 : i1
        %and3A_218 = arith.andi %ne3A_217, %ne3A_212 : i1
        %add3A_219 = arith.addi %rem3A_210, %select_n3A_209 : i32
        %select_n3A_220 = arith.select %and3A_218, %add3A_219, %rem3A_210 : i32
        %mul3A_221 = arith.constant 16 : i32
        %mul3A_222 = arith.muli %select_n3A_220, %mul3A_221 : i32
        %get3A_223 = arith.constant 0 : i32
        %get3A_224 = arith.index_cast %get3A_223 : i32 to index
        %get3A_225 = arith.index_cast %select_n3A_204 : i32 to index
        %get3A_226 = arith.index_cast %mul3A_222 : i32 to index
        %get3A_227 = tpu.vector_load %arg9[%get3A_224, %get3A_225, %get3A_226] {strides = array<i32>} : memref<64x4x128xf32, #tpu.memory_space<vmem>>, vector<16xf32>,
        %get3A_228 = arith.constant 1 : i32
        %get3A_229 = arith.index_cast %get3A_228 : i32 to index
        %get3A_230 = arith.index_cast %select_n3A_204 : i32 to index
        %get3A_231 = arith.index_cast %mul3A_222 : i32 to index
        %get3A_232 = tpu.vector_load %arg9[%get3A_229, %get3A_230, %get3A_231] {strides = array<i32>} : memref<64x4x128xf32, #tpu.memory_space<vmem>>, vector<16xf32>,
        %get3A_233 = arith.constant 2 : i32
        %get3A_234 = arith.index_cast %get3A_233 : i32 to index
        %get3A_235 = arith.index_cast %select_n3A_204 : i32 to index
        %get3A_236 = arith.index_cast %mul3A_222 : i32 to index
        %get3A_237 = tpu.vector_load %arg9[%get3A_234, %get3A_235, %get3A_236] {strides = array<i32>} : memref<64x4x128xf32, #tpu.memory_space<vmem>>, vector<16xf32>,
        %get3A_238 = arith.constant 3 : i32
        %get3A_239 = arith.index_cast %get3A_238 : i32 to index
        %get3A_240 = arith.index_cast %select_n3A_204 : i32 to index
        %get3A_241 = arith.index_cast %mul3A_222 : i32 to index
        %get3A_242 = tpu.vector_load %arg9[%get3A_239, %get3A_240, %get3A_241] {strides = array<i32>} : memref<64x4x128xf32, #tpu.memory_space<vmem>>, vector<16xf32>,
        %get3A_243 = arith.constant 4 : i32
        %get3A_244 = arith.index_cast %get3A_243 : i32 to index
        %get3A_245 = arith.index_cast %select_n3A_204 : i32 to index
        %get3A_246 = arith.index_cast %mul3A_222 : i32 to index
        %get3A_247 = tpu.vector_load %arg9[%get3A_244, %get3A_245, %get3A_246] {strides = array<i32>} : memref<64x4x128xf32, #tpu.memory_space<vmem>>, vector<16xf32>,
        %get3A_248 = arith.constant 5 : i32
        %get3A_249 = arith.index_cast %get3A_248 : i32 to index
        %get3A_250 = arith.index_cast %select_n3A_204 : i32 to index
        %get3A_251 = arith.index_cast %mul3A_222 : i32 to index
        %get3A_252 = tpu.vector_load %arg9[%get3A_249, %get3A_250, %get3A_251] {strides = array<i32>} : memref<64x4x128xf32, #tpu.memory_space<vmem>>, vector<16xf32>,
        %get3A_253 = arith.constant 6 : i32
        %get3A_254 = arith.index_cast %get3A_253 : i32 to index
        %get3A_255 = arith.index_cast %select_n3A_204 : i32 to index
        %get3A_256 = arith.index_cast %mul3A_222 : i32 to index
        %get3A_257 = tpu.vector_load %arg9[%get3A_254, %get3A_255, %get3A_256] {strides = array<i32>} : memref<64x4x128xf32, #tpu.memory_space<vmem>>, vector<16xf32>,
        %get3A_258 = arith.constant 7 : i32
        %get3A_259 = arith.index_cast %get3A_258 : i32 to index
        %get3A_260 = arith.index_cast %select_n3A_204 : i32 to index
        %get3A_261 = arith.index_cast %mul3A_222 : i32 to index
        %get3A_262 = tpu.vector_load %arg9[%get3A_259, %get3A_260, %get3A_261] {strides = array<i32>} : memref<64x4x128xf32, #tpu.memory_space<vmem>>, vector<16xf32>,
        %get3A_263 = arith.constant 8 : i32
        %get3A_264 = arith.index_cast %get3A_263 : i32 to index
        %get3A_265 = arith.index_cast %select_n3A_204 : i32 to index
        %get3A_266 = arith.index_cast %mul3A_222 : i32 to index
        %get3A_267 = tpu.vector_load %arg9[%get3A_264, %get3A_265, %get3A_266] {strides = array<i32>} : memref<64x4x128xf32, #tpu.memory_space<vmem>>, vector<16xf32>,
        %get3A_268 = arith.constant 9 : i32
        %get3A_269 = arith.index_cast %get3A_268 : i32 to index
        %get3A_270 = arith.index_cast %select_n3A_204 : i32 to index
        %get3A_271 = arith.index_cast %mul3A_222 : i32 to index
        %get3A_272 = tpu.vector_load %arg9[%get3A_269, %get3A_270, %get3A_271] {strides = array<i32>} : memref<64x4x128xf32, #tpu.memory_space<vmem>>, vector<16xf32>,
        %get3A_273 = arith.constant 10 : i32
        %get3A_274 = arith.index_cast %get3A_273 : i32 to index
        %get3A_275 = arith.index_cast %select_n3A_204 : i32 to index
        %get3A_276 = arith.index_cast %mul3A_222 : i32 to index
        %get3A_277 = tpu.vector_load %arg9[%get3A_274, %get3A_275, %get3A_276] {strides = array<i32>} : memref<64x4x128xf32, #tpu.memory_space<vmem>>, vector<16xf32>,
        %get3A_278 = arith.constant 11 : i32
        %get3A_279 = arith.index_cast %get3A_278 : i32 to index
        %get3A_280 = arith.index_cast %select_n3A_204 : i32 to index
        %get3A_281 = arith.index_cast %mul3A_222 : i32 to index
        %get3A_282 = tpu.vector_load %arg9[%get3A_279, %get3A_280, %get3A_281] {strides = array<i32>} : memref<64x4x128xf32, #tpu.memory_space<vmem>>, vector<16xf32>,
        %get3A_283 = arith.constant 12 : i32
        %get3A_284 = arith.index_cast %get3A_283 : i32 to index
        %get3A_285 = arith.index_cast %select_n3A_204 : i32 to index
        %get3A_286 = arith.index_cast %mul3A_222 : i32 to index
        %get3A_287 = tpu.vector_load %arg9[%get3A_284, %get3A_285, %get3A_286] {strides = array<i32>} : memref<64x4x128xf32, #tpu.memory_space<vmem>>, vector<16xf32>,
        %get3A_288 = arith.constant 13 : i32
        %get3A_289 = arith.index_cast %get3A_288 : i32 to index
        %get3A_290 = arith.index_cast %select_n3A_204 : i32 to index
        %get3A_291 = arith.index_cast %mul3A_222 : i32 to index
        %get3A_292 = tpu.vector_load %arg9[%get3A_289, %get3A_290, %get3A_291] {strides = array<i32>} : memref<64x4x128xf32, #tpu.memory_space<vmem>>, vector<16xf32>,
        %get3A_293 = arith.constant 14 : i32
        %get3A_294 = arith.index_cast %get3A_293 : i32 to index
        %get3A_295 = arith.index_cast %select_n3A_204 : i32 to index
        %get3A_296 = arith.index_cast %mul3A_222 : i32 to index
        %get3A_297 = tpu.vector_load %arg9[%get3A_294, %get3A_295, %get3A_296] {strides = array<i32>} : memref<64x4x128xf32, #tpu.memory_space<vmem>>, vector<16xf32>,
        %get3A_298 = arith.constant 15 : i32
        %get3A_299 = arith.index_cast %get3A_298 : i32 to index
        %get3A_300 = arith.index_cast %select_n3A_204 : i32 to index
        %get3A_301 = arith.index_cast %mul3A_222 : i32 to index
        %get3A_302 = tpu.vector_load %arg9[%get3A_299, %get3A_300, %get3A_301] {strides = array<i32>} : memref<64x4x128xf32, #tpu.memory_space<vmem>>, vector<16xf32>,
        %max3A = arith.maximumf %get3A_227, %get3A_232 : vector<16xf32>
        %max3A_303 = arith.maximumf %get3A_237, %get3A_242 : vector<16xf32>
        %max3A_304 = arith.maximumf %get3A_247, %get3A_252 : vector<16xf32>
        %max3A_305 = arith.maximumf %get3A_257, %get3A_262 : vector<16xf32>
        %max3A_306 = arith.maximumf %get3A_267, %get3A_272 : vector<16xf32>
        %max3A_307 = arith.maximumf %get3A_277, %get3A_282 : vector<16xf32>
        %max3A_308 = arith.maximumf %get3A_287, %get3A_292 : vector<16xf32>
        %max3A_309 = arith.maximumf %get3A_297, %get3A_302 : vector<16xf32>
        %max3A_310 = arith.maximumf %max3A, %max3A_303 : vector<16xf32>
        %max3A_311 = arith.maximumf %max3A_304, %max3A_305 : vector<16xf32>
        %max3A_312 = arith.maximumf %max3A_306, %max3A_307 : vector<16xf32>
        %max3A_313 = arith.maximumf %max3A_308, %max3A_309 : vector<16xf32>
        %max3A_314 = arith.maximumf %max3A_310, %max3A_311 : vector<16xf32>
        %max3A_315 = arith.maximumf %max3A_312, %max3A_313 : vector<16xf32>
        %max3A_316 = arith.maximumf %max3A_314, %max3A_315 : vector<16xf32>
        %swap3A_317 = arith.constant 0 : i32
        %swap3A_318 = arith.index_cast %swap3A_317 : i32 to index
        %swap3A_319 = arith.index_cast %select_n3A_204 : i32 to index
        %swap3A_320 = arith.index_cast %mul3A_222 : i32 to index
        %swap3A_321 = tpu.vector_load %arg11[%swap3A_318, %swap3A_319, %swap3A_320] {strides = array<i32>} : memref<4x4x128xf32, #tpu.memory_space<vmem>>, vector<16xf32>,
        tpu.vector_store %arg11[%swap3A_318, %swap3A_319, %swap3A_320], %max3A_316 {strides = array<i32>} : memref<4x4x128xf32, #tpu.memory_space<vmem>>, vector<16xf32>,
        %get3A_322 = arith.constant 16 : i32
        %get3A_323 = arith.index_cast %get3A_322 : i32 to index
        %get3A_324 = arith.index_cast %select_n3A_204 : i32 to index
        %get3A_325 = arith.index_cast %mul3A_222 : i32 to index
        %get3A_326 = tpu.vector_load %arg9[%get3A_323, %get3A_324, %get3A_325] {strides = array<i32>} : memref<64x4x128xf32, #tpu.memory_space<vmem>>, vector<16xf32>,
        %get3A_327 = arith.constant 17 : i32
        %get3A_328 = arith.index_cast %get3A_327 : i32 to index
        %get3A_329 = arith.index_cast %select_n3A_204 : i32 to index
        %get3A_330 = arith.index_cast %mul3A_222 : i32 to index
        %get3A_331 = tpu.vector_load %arg9[%get3A_328, %get3A_329, %get3A_330] {strides = array<i32>} : memref<64x4x128xf32, #tpu.memory_space<vmem>>, vector<16xf32>,
        %get3A_332 = arith.constant 18 : i32
        %get3A_333 = arith.index_cast %get3A_332 : i32 to index
        %get3A_334 = arith.index_cast %select_n3A_204 : i32 to index
        %get3A_335 = arith.index_cast %mul3A_222 : i32 to index
        %get3A_336 = tpu.vector_load %arg9[%get3A_333, %get3A_334, %get3A_335] {strides = array<i32>} : memref<64x4x128xf32, #tpu.memory_space<vmem>>, vector<16xf32>,
        %get3A_337 = arith.constant 19 : i32
        %get3A_338 = arith.index_cast %get3A_337 : i32 to index
        %get3A_339 = arith.index_cast %select_n3A_204 : i32 to index
        %get3A_340 = arith.index_cast %mul3A_222 : i32 to index
        %get3A_341 = tpu.vector_load %arg9[%get3A_338, %get3A_339, %get3A_340] {strides = array<i32>} : memref<64x4x128xf32, #tpu.memory_space<vmem>>, vector<16xf32>,
        %get3A_342 = arith.constant 20 : i32
        %get3A_343 = arith.index_cast %get3A_342 : i32 to index
        %get3A_344 = arith.index_cast %select_n3A_204 : i32 to index
        %get3A_345 = arith.index_cast %mul3A_222 : i32 to index
        %get3A_346 = tpu.vector_load %arg9[%get3A_343, %get3A_344, %get3A_345] {strides = array<i32>} : memref<64x4x128xf32, #tpu.memory_space<vmem>>, vector<16xf32>,
        %get3A_347 = arith.constant 21 : i32
        %get3A_348 = arith.index_cast %get3A_347 : i32 to index
        %get3A_349 = arith.index_cast %select_n3A_204 : i32 to index
        %get3A_350 = arith.index_cast %mul3A_222 : i32 to index
        %get3A_351 = tpu.vector_load %arg9[%get3A_348, %get3A_349, %get3A_350] {strides = array<i32>} : memref<64x4x128xf32, #tpu.memory_space<vmem>>, vector<16xf32>,
        %get3A_352 = arith.constant 22 : i32
        %get3A_353 = arith.index_cast %get3A_352 : i32 to index
        %get3A_354 = arith.index_cast %select_n3A_204 : i32 to index
        %get3A_355 = arith.index_cast %mul3A_222 : i32 to index
        %get3A_356 = tpu.vector_load %arg9[%get3A_353, %get3A_354, %get3A_355] {strides = array<i32>} : memref<64x4x128xf32, #tpu.memory_space<vmem>>, vector<16xf32>,
        %get3A_357 = arith.constant 23 : i32
        %get3A_358 = arith.index_cast %get3A_357 : i32 to index
        %get3A_359 = arith.index_cast %select_n3A_204 : i32 to index
        %get3A_360 = arith.index_cast %mul3A_222 : i32 to index
        %get3A_361 = tpu.vector_load %arg9[%get3A_358, %get3A_359, %get3A_360] {strides = array<i32>} : memref<64x4x128xf32, #tpu.memory_space<vmem>>, vector<16xf32>,
        %get3A_362 = arith.constant 24 : i32
        %get3A_363 = arith.index_cast %get3A_362 : i32 to index
        %get3A_364 = arith.index_cast %select_n3A_204 : i32 to index
        %get3A_365 = arith.index_cast %mul3A_222 : i32 to index
        %get3A_366 = tpu.vector_load %arg9[%get3A_363, %get3A_364, %get3A_365] {strides = array<i32>} : memref<64x4x128xf32, #tpu.memory_space<vmem>>, vector<16xf32>,
        %get3A_367 = arith.constant 25 : i32
        %get3A_368 = arith.index_cast %get3A_367 : i32 to index
        %get3A_369 = arith.index_cast %select_n3A_204 : i32 to index
        %get3A_370 = arith.index_cast %mul3A_222 : i32 to index
        %get3A_371 = tpu.vector_load %arg9[%get3A_368, %get3A_369, %get3A_370] {strides = array<i32>} : memref<64x4x128xf32, #tpu.memory_space<vmem>>, vector<16xf32>,
        %get3A_372 = arith.constant 26 : i32
        %get3A_373 = arith.index_cast %get3A_372 : i32 to index
        %get3A_374 = arith.index_cast %select_n3A_204 : i32 to index
        %get3A_375 = arith.index_cast %mul3A_222 : i32 to index
        %get3A_376 = tpu.vector_load %arg9[%get3A_373, %get3A_374, %get3A_375] {strides = array<i32>} : memref<64x4x128xf32, #tpu.memory_space<vmem>>, vector<16xf32>,
        %get3A_377 = arith.constant 27 : i32
        %get3A_378 = arith.index_cast %get3A_377 : i32 to index
        %get3A_379 = arith.index_cast %select_n3A_204 : i32 to index
        %get3A_380 = arith.index_cast %mul3A_222 : i32 to index
        %get3A_381 = tpu.vector_load %arg9[%get3A_378, %get3A_379, %get3A_380] {strides = array<i32>} : memref<64x4x128xf32, #tpu.memory_space<vmem>>, vector<16xf32>,
        %get3A_382 = arith.constant 28 : i32
        %get3A_383 = arith.index_cast %get3A_382 : i32 to index
        %get3A_384 = arith.index_cast %select_n3A_204 : i32 to index
        %get3A_385 = arith.index_cast %mul3A_222 : i32 to index
        %get3A_386 = tpu.vector_load %arg9[%get3A_383, %get3A_384, %get3A_385] {strides = array<i32>} : memref<64x4x128xf32, #tpu.memory_space<vmem>>, vector<16xf32>,
        %get3A_387 = arith.constant 29 : i32
        %get3A_388 = arith.index_cast %get3A_387 : i32 to index
        %get3A_389 = arith.index_cast %select_n3A_204 : i32 to index
        %get3A_390 = arith.index_cast %mul3A_222 : i32 to index
        %get3A_391 = tpu.vector_load %arg9[%get3A_388, %get3A_389, %get3A_390] {strides = array<i32>} : memref<64x4x128xf32, #tpu.memory_space<vmem>>, vector<16xf32>,
        %get3A_392 = arith.constant 30 : i32
        %get3A_393 = arith.index_cast %get3A_392 : i32 to index
        %get3A_394 = arith.index_cast %select_n3A_204 : i32 to index
        %get3A_395 = arith.index_cast %mul3A_222 : i32 to index
        %get3A_396 = tpu.vector_load %arg9[%get3A_393, %get3A_394, %get3A_395] {strides = array<i32>} : memref<64x4x128xf32, #tpu.memory_space<vmem>>, vector<16xf32>,
        %get3A_397 = arith.constant 31 : i32
        %get3A_398 = arith.index_cast %get3A_397 : i32 to index
        %get3A_399 = arith.index_cast %select_n3A_204 : i32 to index
        %get3A_400 = arith.index_cast %mul3A_222 : i32 to index
        %get3A_401 = tpu.vector_load %arg9[%get3A_398, %get3A_399, %get3A_400] {strides = array<i32>} : memref<64x4x128xf32, #tpu.memory_space<vmem>>, vector<16xf32>,
        %max3A_402 = arith.maximumf %get3A_326, %get3A_331 : vector<16xf32>
        %max3A_403 = arith.maximumf %get3A_336, %get3A_341 : vector<16xf32>
        %max3A_404 = arith.maximumf %get3A_346, %get3A_351 : vector<16xf32>
        %max3A_405 = arith.maximumf %get3A_356, %get3A_361 : vector<16xf32>
        %max3A_406 = arith.maximumf %get3A_366, %get3A_371 : vector<16xf32>
        %max3A_407 = arith.maximumf %get3A_376, %get3A_381 : vector<16xf32>
        %max3A_408 = arith.maximumf %get3A_386, %get3A_391 : vector<16xf32>
        %max3A_409 = arith.maximumf %get3A_396, %get3A_401 : vector<16xf32>
        %max3A_410 = arith.maximumf %max3A_402, %max3A_403 : vector<16xf32>
        %max3A_411 = arith.maximumf %max3A_404, %max3A_405 : vector<16xf32>
        %max3A_412 = arith.maximumf %max3A_406, %max3A_407 : vector<16xf32>
        %max3A_413 = arith.maximumf %max3A_408, %max3A_409 : vector<16xf32>
        %max3A_414 = arith.maximumf %max3A_410, %max3A_411 : vector<16xf32>
        %max3A_415 = arith.maximumf %max3A_412, %max3A_413 : vector<16xf32>
        %max3A_416 = arith.maximumf %max3A_414, %max3A_415 : vector<16xf32>
        %swap3A_417 = arith.constant 1 : i32
        %swap3A_418 = arith.index_cast %swap3A_417 : i32 to index
        %swap3A_419 = arith.index_cast %select_n3A_204 : i32 to index
        %swap3A_420 = arith.index_cast %mul3A_222 : i32 to index
        %swap3A_421 = tpu.vector_load %arg11[%swap3A_418, %swap3A_419, %swap3A_420] {strides = array<i32>} : memref<4x4x128xf32, #tpu.memory_space<vmem>>, vector<16xf32>,
        tpu.vector_store %arg11[%swap3A_418, %swap3A_419, %swap3A_420], %max3A_416 {strides = array<i32>} : memref<4x4x128xf32, #tpu.memory_space<vmem>>, vector<16xf32>,
        %get3A_422 = arith.constant 32 : i32
        %get3A_423 = arith.index_cast %get3A_422 : i32 to index
        %get3A_424 = arith.index_cast %select_n3A_204 : i32 to index
        %get3A_425 = arith.index_cast %mul3A_222 : i32 to index
        %get3A_426 = tpu.vector_load %arg9[%get3A_423, %get3A_424, %get3A_425] {strides = array<i32>} : memref<64x4x128xf32, #tpu.memory_space<vmem>>, vector<16xf32>,
        %get3A_427 = arith.constant 33 : i32
        %get3A_428 = arith.index_cast %get3A_427 : i32 to index
        %get3A_429 = arith.index_cast %select_n3A_204 : i32 to index
        %get3A_430 = arith.index_cast %mul3A_222 : i32 to index
        %get3A_431 = tpu.vector_load %arg9[%get3A_428, %get3A_429, %get3A_430] {strides = array<i32>} : memref<64x4x128xf32, #tpu.memory_space<vmem>>, vector<16xf32>,
        %get3A_432 = arith.constant 34 : i32
        %get3A_433 = arith.index_cast %get3A_432 : i32 to index
        %get3A_434 = arith.index_cast %select_n3A_204 : i32 to index
        %get3A_435 = arith.index_cast %mul3A_222 : i32 to index
        %get3A_436 = tpu.vector_load %arg9[%get3A_433, %get3A_434, %get3A_435] {strides = array<i32>} : memref<64x4x128xf32, #tpu.memory_space<vmem>>, vector<16xf32>,
        %get3A_437 = arith.constant 35 : i32
        %get3A_438 = arith.index_cast %get3A_437 : i32 to index
        %get3A_439 = arith.index_cast %select_n3A_204 : i32 to index
        %get3A_440 = arith.index_cast %mul3A_222 : i32 to index
        %get3A_441 = tpu.vector_load %arg9[%get3A_438, %get3A_439, %get3A_440] {strides = array<i32>} : memref<64x4x128xf32, #tpu.memory_space<vmem>>, vector<16xf32>,
        %get3A_442 = arith.constant 36 : i32
        %get3A_443 = arith.index_cast %get3A_442 : i32 to index
        %get3A_444 = arith.index_cast %select_n3A_204 : i32 to index
        %get3A_445 = arith.index_cast %mul3A_222 : i32 to index
        %get3A_446 = tpu.vector_load %arg9[%get3A_443, %get3A_444, %get3A_445] {strides = array<i32>} : memref<64x4x128xf32, #tpu.memory_space<vmem>>, vector<16xf32>,
        %get3A_447 = arith.constant 37 : i32
        %get3A_448 = arith.index_cast %get3A_447 : i32 to index
        %get3A_449 = arith.index_cast %select_n3A_204 : i32 to index
        %get3A_450 = arith.index_cast %mul3A_222 : i32 to index
        %get3A_451 = tpu.vector_load %arg9[%get3A_448, %get3A_449, %get3A_450] {strides = array<i32>} : memref<64x4x128xf32, #tpu.memory_space<vmem>>, vector<16xf32>,
        %get3A_452 = arith.constant 38 : i32
        %get3A_453 = arith.index_cast %get3A_452 : i32 to index
        %get3A_454 = arith.index_cast %select_n3A_204 : i32 to index
        %get3A_455 = arith.index_cast %mul3A_222 : i32 to index
        %get3A_456 = tpu.vector_load %arg9[%get3A_453, %get3A_454, %get3A_455] {strides = array<i32>} : memref<64x4x128xf32, #tpu.memory_space<vmem>>, vector<16xf32>,
        %get3A_457 = arith.constant 39 : i32
        %get3A_458 = arith.index_cast %get3A_457 : i32 to index
        %get3A_459 = arith.index_cast %select_n3A_204 : i32 to index
        %get3A_460 = arith.index_cast %mul3A_222 : i32 to index
        %get3A_461 = tpu.vector_load %arg9[%get3A_458, %get3A_459, %get3A_460] {strides = array<i32>} : memref<64x4x128xf32, #tpu.memory_space<vmem>>, vector<16xf32>,
        %get3A_462 = arith.constant 40 : i32
        %get3A_463 = arith.index_cast %get3A_462 : i32 to index
        %get3A_464 = arith.index_cast %select_n3A_204 : i32 to index
        %get3A_465 = arith.index_cast %mul3A_222 : i32 to index
        %get3A_466 = tpu.vector_load %arg9[%get3A_463, %get3A_464, %get3A_465] {strides = array<i32>} : memref<64x4x128xf32, #tpu.memory_space<vmem>>, vector<16xf32>,
        %get3A_467 = arith.constant 41 : i32
        %get3A_468 = arith.index_cast %get3A_467 : i32 to index
        %get3A_469 = arith.index_cast %select_n3A_204 : i32 to index
        %get3A_470 = arith.index_cast %mul3A_222 : i32 to index
        %get3A_471 = tpu.vector_load %arg9[%get3A_468, %get3A_469, %get3A_470] {strides = array<i32>} : memref<64x4x128xf32, #tpu.memory_space<vmem>>, vector<16xf32>,
        %get3A_472 = arith.constant 42 : i32
        %get3A_473 = arith.index_cast %get3A_472 : i32 to index
        %get3A_474 = arith.index_cast %select_n3A_204 : i32 to index
        %get3A_475 = arith.index_cast %mul3A_222 : i32 to index
        %get3A_476 = tpu.vector_load %arg9[%get3A_473, %get3A_474, %get3A_475] {strides = array<i32>} : memref<64x4x128xf32, #tpu.memory_space<vmem>>, vector<16xf32>,
        %get3A_477 = arith.constant 43 : i32
        %get3A_478 = arith.index_cast %get3A_477 : i32 to index
        %get3A_479 = arith.index_cast %select_n3A_204 : i32 to index
        %get3A_480 = arith.index_cast %mul3A_222 : i32 to index
        %get3A_481 = tpu.vector_load %arg9[%get3A_478, %get3A_479, %get3A_480] {strides = array<i32>} : memref<64x4x128xf32, #tpu.memory_space<vmem>>, vector<16xf32>,
        %get3A_482 = arith.constant 44 : i32
        %get3A_483 = arith.index_cast %get3A_482 : i32 to index
        %get3A_484 = arith.index_cast %select_n3A_204 : i32 to index
        %get3A_485 = arith.index_cast %mul3A_222 : i32 to index
        %get3A_486 = tpu.vector_load %arg9[%get3A_483, %get3A_484, %get3A_485] {strides = array<i32>} : memref<64x4x128xf32, #tpu.memory_space<vmem>>, vector<16xf32>,
        %get3A_487 = arith.constant 45 : i32
        %get3A_488 = arith.index_cast %get3A_487 : i32 to index
        %get3A_489 = arith.index_cast %select_n3A_204 : i32 to index
        %get3A_490 = arith.index_cast %mul3A_222 : i32 to index
        %get3A_491 = tpu.vector_load %arg9[%get3A_488, %get3A_489, %get3A_490] {strides = array<i32>} : memref<64x4x128xf32, #tpu.memory_space<vmem>>, vector<16xf32>,
        %get3A_492 = arith.constant 46 : i32
        %get3A_493 = arith.index_cast %get3A_492 : i32 to index
        %get3A_494 = arith.index_cast %select_n3A_204 : i32 to index
        %get3A_495 = arith.index_cast %mul3A_222 : i32 to index
        %get3A_496 = tpu.vector_load %arg9[%get3A_493, %get3A_494, %get3A_495] {strides = array<i32>} : memref<64x4x128xf32, #tpu.memory_space<vmem>>, vector<16xf32>,
        %get3A_497 = arith.constant 47 : i32
        %get3A_498 = arith.index_cast %get3A_497 : i32 to index
        %get3A_499 = arith.index_cast %select_n3A_204 : i32 to index
        %get3A_500 = arith.index_cast %mul3A_222 : i32 to index
        %get3A_501 = tpu.vector_load %arg9[%get3A_498, %get3A_499, %get3A_500] {strides = array<i32>} : memref<64x4x128xf32, #tpu.memory_space<vmem>>, vector<16xf32>,
        %max3A_502 = arith.maximumf %get3A_426, %get3A_431 : vector<16xf32>
        %max3A_503 = arith.maximumf %get3A_436, %get3A_441 : vector<16xf32>
        %max3A_504 = arith.maximumf %get3A_446, %get3A_451 : vector<16xf32>
        %max3A_505 = arith.maximumf %get3A_456, %get3A_461 : vector<16xf32>
        %max3A_506 = arith.maximumf %get3A_466, %get3A_471 : vector<16xf32>
        %max3A_507 = arith.maximumf %get3A_476, %get3A_481 : vector<16xf32>
        %max3A_508 = arith.maximumf %get3A_486, %get3A_491 : vector<16xf32>
        %max3A_509 = arith.maximumf %get3A_496, %get3A_501 : vector<16xf32>
        %max3A_510 = arith.maximumf %max3A_502, %max3A_503 : vector<16xf32>
        %max3A_511 = arith.maximumf %max3A_504, %max3A_505 : vector<16xf32>
        %max3A_512 = arith.maximumf %max3A_506, %max3A_507 : vector<16xf32>
        %max3A_513 = arith.maximumf %max3A_508, %max3A_509 : vector<16xf32>
        %max3A_514 = arith.maximumf %max3A_510, %max3A_511 : vector<16xf32>
        %max3A_515 = arith.maximumf %max3A_512, %max3A_513 : vector<16xf32>
        %max3A_516 = arith.maximumf %max3A_514, %max3A_515 : vector<16xf32>
        %swap3A_517 = arith.constant 2 : i32
        %swap3A_518 = arith.index_cast %swap3A_517 : i32 to index
        %swap3A_519 = arith.index_cast %select_n3A_204 : i32 to index
        %swap3A_520 = arith.index_cast %mul3A_222 : i32 to index
        %swap3A_521 = tpu.vector_load %arg11[%swap3A_518, %swap3A_519, %swap3A_520] {strides = array<i32>} : memref<4x4x128xf32, #tpu.memory_space<vmem>>, vector<16xf32>,
        tpu.vector_store %arg11[%swap3A_518, %swap3A_519, %swap3A_520], %max3A_516 {strides = array<i32>} : memref<4x4x128xf32, #tpu.memory_space<vmem>>, vector<16xf32>,
        %get3A_522 = arith.constant 48 : i32
        %get3A_523 = arith.index_cast %get3A_522 : i32 to index
        %get3A_524 = arith.index_cast %select_n3A_204 : i32 to index
        %get3A_525 = arith.index_cast %mul3A_222 : i32 to index
        %get3A_526 = tpu.vector_load %arg9[%get3A_523, %get3A_524, %get3A_525] {strides = array<i32>} : memref<64x4x128xf32, #tpu.memory_space<vmem>>, vector<16xf32>,
        %get3A_527 = arith.constant 49 : i32
        %get3A_528 = arith.index_cast %get3A_527 : i32 to index
        %get3A_529 = arith.index_cast %select_n3A_204 : i32 to index
        %get3A_530 = arith.index_cast %mul3A_222 : i32 to index
        %get3A_531 = tpu.vector_load %arg9[%get3A_528, %get3A_529, %get3A_530] {strides = array<i32>} : memref<64x4x128xf32, #tpu.memory_space<vmem>>, vector<16xf32>,
        %get3A_532 = arith.constant 50 : i32
        %get3A_533 = arith.index_cast %get3A_532 : i32 to index
        %get3A_534 = arith.index_cast %select_n3A_204 : i32 to index
        %get3A_535 = arith.index_cast %mul3A_222 : i32 to index
        %get3A_536 = tpu.vector_load %arg9[%get3A_533, %get3A_534, %get3A_535] {strides = array<i32>} : memref<64x4x128xf32, #tpu.memory_space<vmem>>, vector<16xf32>,
        %get3A_537 = arith.constant 51 : i32
        %get3A_538 = arith.index_cast %get3A_537 : i32 to index
        %get3A_539 = arith.index_cast %select_n3A_204 : i32 to index
        %get3A_540 = arith.index_cast %mul3A_222 : i32 to index
        %get3A_541 = tpu.vector_load %arg9[%get3A_538, %get3A_539, %get3A_540] {strides = array<i32>} : memref<64x4x128xf32, #tpu.memory_space<vmem>>, vector<16xf32>,
        %get3A_542 = arith.constant 52 : i32
        %get3A_543 = arith.index_cast %get3A_542 : i32 to index
        %get3A_544 = arith.index_cast %select_n3A_204 : i32 to index
        %get3A_545 = arith.index_cast %mul3A_222 : i32 to index
        %get3A_546 = tpu.vector_load %arg9[%get3A_543, %get3A_544, %get3A_545] {strides = array<i32>} : memref<64x4x128xf32, #tpu.memory_space<vmem>>, vector<16xf32>,
        %get3A_547 = arith.constant 53 : i32
        %get3A_548 = arith.index_cast %get3A_547 : i32 to index
        %get3A_549 = arith.index_cast %select_n3A_204 : i32 to index
        %get3A_550 = arith.index_cast %mul3A_222 : i32 to index
        %get3A_551 = tpu.vector_load %arg9[%get3A_548, %get3A_549, %get3A_550] {strides = array<i32>} : memref<64x4x128xf32, #tpu.memory_space<vmem>>, vector<16xf32>,
        %get3A_552 = arith.constant 54 : i32
        %get3A_553 = arith.index_cast %get3A_552 : i32 to index
        %get3A_554 = arith.index_cast %select_n3A_204 : i32 to index
        %get3A_555 = arith.index_cast %mul3A_222 : i32 to index
        %get3A_556 = tpu.vector_load %arg9[%get3A_553, %get3A_554, %get3A_555] {strides = array<i32>} : memref<64x4x128xf32, #tpu.memory_space<vmem>>, vector<16xf32>,
        %get3A_557 = arith.constant 55 : i32
        %get3A_558 = arith.index_cast %get3A_557 : i32 to index
        %get3A_559 = arith.index_cast %select_n3A_204 : i32 to index
        %get3A_560 = arith.index_cast %mul3A_222 : i32 to index
        %get3A_561 = tpu.vector_load %arg9[%get3A_558, %get3A_559, %get3A_560] {strides = array<i32>} : memref<64x4x128xf32, #tpu.memory_space<vmem>>, vector<16xf32>,
        %get3A_562 = arith.constant 56 : i32
        %get3A_563 = arith.index_cast %get3A_562 : i32 to index
        %get3A_564 = arith.index_cast %select_n3A_204 : i32 to index
        %get3A_565 = arith.index_cast %mul3A_222 : i32 to index
        %get3A_566 = tpu.vector_load %arg9[%get3A_563, %get3A_564, %get3A_565] {strides = array<i32>} : memref<64x4x128xf32, #tpu.memory_space<vmem>>, vector<16xf32>,
        %get3A_567 = arith.constant 57 : i32
        %get3A_568 = arith.index_cast %get3A_567 : i32 to index
        %get3A_569 = arith.index_cast %select_n3A_204 : i32 to index
        %get3A_570 = arith.index_cast %mul3A_222 : i32 to index
        %get3A_571 = tpu.vector_load %arg9[%get3A_568, %get3A_569, %get3A_570] {strides = array<i32>} : memref<64x4x128xf32, #tpu.memory_space<vmem>>, vector<16xf32>,
        %get3A_572 = arith.constant 58 : i32
        %get3A_573 = arith.index_cast %get3A_572 : i32 to index
        %get3A_574 = arith.index_cast %select_n3A_204 : i32 to index
        %get3A_575 = arith.index_cast %mul3A_222 : i32 to index
        %get3A_576 = tpu.vector_load %arg9[%get3A_573, %get3A_574, %get3A_575] {strides = array<i32>} : memref<64x4x128xf32, #tpu.memory_space<vmem>>, vector<16xf32>,
        %get3A_577 = arith.constant 59 : i32
        %get3A_578 = arith.index_cast %get3A_577 : i32 to index
        %get3A_579 = arith.index_cast %select_n3A_204 : i32 to index
        %get3A_580 = arith.index_cast %mul3A_222 : i32 to index
        %get3A_581 = tpu.vector_load %arg9[%get3A_578, %get3A_579, %get3A_580] {strides = array<i32>} : memref<64x4x128xf32, #tpu.memory_space<vmem>>, vector<16xf32>,
        %get3A_582 = arith.constant 60 : i32
        %get3A_583 = arith.index_cast %get3A_582 : i32 to index
        %get3A_584 = arith.index_cast %select_n3A_204 : i32 to index
        %get3A_585 = arith.index_cast %mul3A_222 : i32 to index
        %get3A_586 = tpu.vector_load %arg9[%get3A_583, %get3A_584, %get3A_585] {strides = array<i32>} : memref<64x4x128xf32, #tpu.memory_space<vmem>>, vector<16xf32>,
        %get3A_587 = arith.constant 61 : i32
        %get3A_588 = arith.index_cast %get3A_587 : i32 to index
        %get3A_589 = arith.index_cast %select_n3A_204 : i32 to index
        %get3A_590 = arith.index_cast %mul3A_222 : i32 to index
        %get3A_591 = tpu.vector_load %arg9[%get3A_588, %get3A_589, %get3A_590] {strides = array<i32>} : memref<64x4x128xf32, #tpu.memory_space<vmem>>, vector<16xf32>,
        %get3A_592 = arith.constant 62 : i32
        %get3A_593 = arith.index_cast %get3A_592 : i32 to index
        %get3A_594 = arith.index_cast %select_n3A_204 : i32 to index
        %get3A_595 = arith.index_cast %mul3A_222 : i32 to index
        %get3A_596 = tpu.vector_load %arg9[%get3A_593, %get3A_594, %get3A_595] {strides = array<i32>} : memref<64x4x128xf32, #tpu.memory_space<vmem>>, vector<16xf32>,
        %get3A_597 = arith.constant 63 : i32
        %get3A_598 = arith.index_cast %get3A_597 : i32 to index
        %get3A_599 = arith.index_cast %select_n3A_204 : i32 to index
        %get3A_600 = arith.index_cast %mul3A_222 : i32 to index
        %get3A_601 = tpu.vector_load %arg9[%get3A_598, %get3A_599, %get3A_600] {strides = array<i32>} : memref<64x4x128xf32, #tpu.memory_space<vmem>>, vector<16xf32>,
        %max3A_602 = arith.maximumf %get3A_526, %get3A_531 : vector<16xf32>
        %max3A_603 = arith.maximumf %get3A_536, %get3A_541 : vector<16xf32>
        %max3A_604 = arith.maximumf %get3A_546, %get3A_551 : vector<16xf32>
        %max3A_605 = arith.maximumf %get3A_556, %get3A_561 : vector<16xf32>
        %max3A_606 = arith.maximumf %get3A_566, %get3A_571 : vector<16xf32>
        %max3A_607 = arith.maximumf %get3A_576, %get3A_581 : vector<16xf32>
        %max3A_608 = arith.maximumf %get3A_586, %get3A_591 : vector<16xf32>
        %max3A_609 = arith.maximumf %get3A_596, %get3A_601 : vector<16xf32>
        %max3A_610 = arith.maximumf %max3A_602, %max3A_603 : vector<16xf32>
        %max3A_611 = arith.maximumf %max3A_604, %max3A_605 : vector<16xf32>
        %max3A_612 = arith.maximumf %max3A_606, %max3A_607 : vector<16xf32>
        %max3A_613 = arith.maximumf %max3A_608, %max3A_609 : vector<16xf32>
        %max3A_614 = arith.maximumf %max3A_610, %max3A_611 : vector<16xf32>
        %max3A_615 = arith.maximumf %max3A_612, %max3A_613 : vector<16xf32>
        %max3A_616 = arith.maximumf %max3A_614, %max3A_615 : vector<16xf32>
        %swap3A_617 = arith.constant 3 : i32
        %swap3A_618 = arith.index_cast %swap3A_617 : i32 to index
        %swap3A_619 = arith.index_cast %select_n3A_204 : i32 to index
        %swap3A_620 = arith.index_cast %mul3A_222 : i32 to index
        %swap3A_621 = tpu.vector_load %arg11[%swap3A_618, %swap3A_619, %swap3A_620] {strides = array<i32>} : memref<4x4x128xf32, #tpu.memory_space<vmem>>, vector<16xf32>,
        tpu.vector_store %arg11[%swap3A_618, %swap3A_619, %swap3A_620], %max3A_616 {strides = array<i32>} : memref<4x4x128xf32, #tpu.memory_space<vmem>>, vector<16xf32>,
        %scan3A_622 = arith.constant 0 : i32
        scf.yield %scan3A_622 : i32
      }
      %scan3A_160 = arith.constant 32 : i32
      %add3A_161 = arith.constant 1 : i32
      %add3A_162 = arith.addi %mul3A_116, %add3A_161 : i32
      %mul3A_163 = arith.constant 4 : i32
      %mul3A_164 = arith.muli %add3A_162, %mul3A_163 : i32
      %add3A_165 = arith.addi %select_n3A_6, %mul3A_164 : i32
      %dma_start3A_166 = arith.constant 0 : i32
      %dma_start3A_167 = arith.constant 0 : i32
      %dma_start3A_168 = tpu.memref_slice %arg4[%add3A_165, %dma_start3A_166, %dma_start3A_167] : memref<25600x4x128xf32, #tpu.memory_space<hbm>> -> memref<4x4x128xf32, #tpu.memory_space<hbm>>
      %dma_start3A_169 = arith.constant 0 : i32
      %dma_start3A_170 = arith.constant 0 : i32
      %dma_start3A_171 = tpu.memref_slice %arg4[%add3A_165, %dma_start3A_169, %dma_start3A_170] : memref<25600x4x128xf32, #tpu.memory_space<hbm>> -> memref<4x4x128xf32, #tpu.memory_space<hbm>>
      tpu.enqueue_dma source(%arg11 : memref<4x4x128xf32, #tpu.memory_space<vmem>>) target(%dma_start3A_171 : memref<4x4x128xf32, #tpu.memory_space<hbm>>) target_semaphore(%arg15 : memref<!tpu.dma_semaphore, #tpu.memory_space<semaphore_mem>>)
      %add3A_172 = arith.constant 3 : i32
      %add3A_173 = arith.addi %mul3A_116, %add3A_172 : i32
      %lt3A_174 = arith.cmpi slt, %add3A_173, %select_n3A_24 : i32
      %convert_element_type3A_175 = arith.extui %lt3A_174 : i1 to i32
      %cond3A_176 = arith.constant 0 : i32
      %cond3A_177 = arith.cmpi ne, %convert_element_type3A_175, %cond3A_176 : i32
      scf.if %cond3A_177 {
        %add3A_179 = arith.constant 3 : i32
        %add3A_180 = arith.addi %mul3A_116, %add3A_179 : i32
        %mul3A_181 = arith.constant 64 : i32
        %mul3A_182 = arith.muli %add3A_180, %mul3A_181 : i32
        %add3A_183 = arith.constant 0 : i32
        %add3A_184 = arith.addi %mul3A_182, %add3A_183 : i32
        %get3A_185 = arith.index_cast %add3A_184 : i32 to index
        %get3A_186 = tpu.vector_load %arg5[%get3A_185] {strides = array<i32>} : memref<16384xi32, #tpu.memory_space<vmem>>, vector<16xi32>,
        %swap3A_187 = arith.constant 0 : index
        %swap3A_188 = tpu.vector_load %arg7[%swap3A_187] {strides = array<i32>} : memref<64xi32, #tpu.memory_space<vmem>>, vector<16xi32>,
        tpu.vector_store %arg7[%swap3A_187], %get3A_186 {strides = array<i32>} : memref<64xi32, #tpu.memory_space<vmem>>, vector<16xi32>,
        %mul3A_189 = arith.constant 64 : i32
        %mul3A_190 = arith.muli %add3A_180, %mul3A_189 : i32
        %add3A_191 = arith.constant 16 : i32
        %add3A_192 = arith.addi %mul3A_190, %add3A_191 : i32
        %get3A_193 = arith.index_cast %add3A_192 : i32 to index
        %get3A_194 = tpu.vector_load %arg5[%get3A_193] {strides = array<i32>} : memref<16384xi32, #tpu.memory_space<vmem>>, vector<16xi32>,
        %swap3A_195 = arith.constant 16 : index
        %swap3A_196 = tpu.vector_load %arg7[%swap3A_195] {strides = array<i32>} : memref<64xi32, #tpu.memory_space<vmem>>, vector<16xi32>,
        tpu.vector_store %arg7[%swap3A_195], %get3A_194 {strides = array<i32>} : memref<64xi32, #tpu.memory_space<vmem>>, vector<16xi32>,
        %mul3A_197 = arith.constant 64 : i32
        %mul3A_198 = arith.muli %add3A_180, %mul3A_197 : i32
        %add3A_199 = arith.constant 32 : i32
        %add3A_200 = arith.addi %mul3A_198, %add3A_199 : i32
        %get3A_201 = arith.index_cast %add3A_200 : i32 to index
        %get3A_202 = tpu.vector_load %arg5[%get3A_201] {strides = array<i32>} : memref<16384xi32, #tpu.memory_space<vmem>>, vector<16xi32>,
        %swap3A_203 = arith.constant 32 : index
        %swap3A_204 = tpu.vector_load %arg7[%swap3A_203] {strides = array<i32>} : memref<64xi32, #tpu.memory_space<vmem>>, vector<16xi32>,
        tpu.vector_store %arg7[%swap3A_203], %get3A_202 {strides = array<i32>} : memref<64xi32, #tpu.memory_space<vmem>>, vector<16xi32>,
        %mul3A_205 = arith.constant 64 : i32
        %mul3A_206 = arith.muli %add3A_180, %mul3A_205 : i32
        %add3A_207 = arith.constant 48 : i32
        %add3A_208 = arith.addi %mul3A_206, %add3A_207 : i32
        %get3A_209 = arith.index_cast %add3A_208 : i32 to index
        %get3A_210 = tpu.vector_load %arg5[%get3A_209] {strides = array<i32>} : memref<16384xi32, #tpu.memory_space<vmem>>, vector<16xi32>,
        %swap3A_211 = arith.constant 48 : index
        %swap3A_212 = tpu.vector_load %arg7[%swap3A_211] {strides = array<i32>} : memref<64xi32, #tpu.memory_space<vmem>>, vector<16xi32>,
        tpu.vector_store %arg7[%swap3A_211], %get3A_210 {strides = array<i32>} : memref<64xi32, #tpu.memory_space<vmem>>, vector<16xi32>,
        %dma_start3A_213 = arith.constant 0 : i32
        %dma_start3A_214 = arith.constant 0 : i32
        %dma_start3A_215 = arith.constant 0 : i32
        %dma_start3A_216 = tpu.memref_slice %arg2[%dma_start3A_213, %dma_start3A_214, %dma_start3A_215] : memref<100000x4x128xf32, #tpu.memory_space<hbm>> -> memref<100000x4x128xf32, #tpu.memory_space<hbm>>
        tpu.enqueue_indirect_dma source(%dma_start3A_216 : memref<100000x4x128xf32, #tpu.memory_space<hbm>>) target(%arg9 : memref<64x4x128xf32, #tpu.memory_space<vmem>>) offsets(%arg7 : memref<64xi32, #tpu.memory_space<vmem>>) semaphore(%arg13 : memref<!tpu.dma_semaphore, #tpu.memory_space<semaphore_mem>>)
      } else {
      }
      %while3A_178 = arith.constant 0 : i32
      scf.yield %while3A_178 : i32
    }
    %while3A_100 = arith.constant 1 : i32
    %while3A_101 = scf.for %while3A_113 = %while3A_97 to %while3A_93 step %while3A_100 iter_args(%while3A_114 = %while3A_99) -> (i32)  : i32 {
      %mul3A_115 = arith.constant 2 : i32
      %mul3A_116 = arith.muli %mul3A_115, %while3A_113 : i32
      %dma_wait3A_117 = arith.constant 0 : i32
      %dma_wait3A_118 = arith.constant 0 : i32
      %dma_wait3A_119 = arith.constant 0 : i32
      %dma_wait3A_120 = tpu.memref_slice %arg2[%dma_wait3A_117, %dma_wait3A_118, %dma_wait3A_119] : memref<100000x4x128xf32, #tpu.memory_space<hbm>> -> memref<100000x4x128xf32, #tpu.memory_space<hbm>>
      tpu.wait_indirect_dma semaphore(%arg12 : memref<!tpu.dma_semaphore, #tpu.memory_space<semaphore_mem>>) src(%dma_wait3A_120 : memref<100000x4x128xf32, #tpu.memory_space<hbm>>) dst(%arg8 : memref<64x4x128xf32, #tpu.memory_space<vmem>>)
      %gt3A = arith.constant 0 : i32
      %gt3A_121 = arith.cmpi sgt, %while3A_113, %gt3A : i32
      %convert_element_type3A_122 = arith.extui %gt3A_121 : i1 to i32
      %cond3A_123 = arith.constant 0 : i32
      %cond3A_124 = arith.cmpi ne, %convert_element_type3A_122, %cond3A_123 : i32
      scf.if %cond3A_124 {
        %dma_wait3A_179 = arith.constant 0 : i32
        %dma_wait3A_180 = arith.constant 0 : i32
        %dma_wait3A_181 = tpu.memref_slice %arg4[%select_n3A_6, %dma_wait3A_179, %dma_wait3A_180] : memref<25600x4x128xf32, #tpu.memory_space<hbm>> -> memref<4x4x128xf32, #tpu.memory_space<hbm>>
        %dma_wait3A_182 = arith.constant 0 : i32
        %dma_wait3A_183 = arith.constant 0 : i32
        %dma_wait3A_184 = tpu.memref_slice %arg4[%select_n3A_6, %dma_wait3A_182, %dma_wait3A_183] : memref<25600x4x128xf32, #tpu.memory_space<hbm>> -> memref<4x4x128xf32, #tpu.memory_space<hbm>>
        tpu.wait_dma2 semaphore(%arg14 : memref<!tpu.dma_semaphore, #tpu.memory_space<semaphore_mem>>) src(%arg10 : memref<4x4x128xf32, #tpu.memory_space<vmem>>) dst(%dma_wait3A_184 : memref<4x4x128xf32, #tpu.memory_space<hbm>>)
      } else {
      }
      %scan3A = arith.constant 0 : i32
      %scan3A_125 = arith.constant 0 : i32
      %scan3A_126 = arith.constant 32 : i32
      %scan3A_127 = arith.addi %scan3A_125, %scan3A_126 : i32
      %scan3A_128 = arith.constant 1 : i32
      %scan3A_129 = scf.for %scan3A_179 = %scan3A_125 to %scan3A_127 step %scan3A_128 iter_args(%scan3A_180 = %scan3A) -> (i32)  : i32 {
        %jit3A_181 = arith.constant 8 : i32
        %div3A_182 = arith.divsi %scan3A_179, %jit3A_181 : i32
        %sign3A_183 = arith.constant 0 : i32
        %sign3A_184 = arith.cmpi sgt, %scan3A_179, %sign3A_183 : i32
        %sign3A_185 = arith.extui %sign3A_184 : i1 to i32
        %sign3A_186 = arith.constant 0 : i32
        %sign3A_187 = arith.cmpi slt, %scan3A_179, %sign3A_186 : i32
        %sign3A_188 = arith.extui %sign3A_187 : i1 to i32
        %sign3A_189 = arith.subi %sign3A_185, %sign3A_188 : i32
        %sign3A_190 = arith.constant 0 : i32
        %sign3A_191 = arith.cmpi sgt, %jit3A_181, %sign3A_190 : i32
        %sign3A_192 = arith.extui %sign3A_191 : i1 to i32
        %sign3A_193 = arith.constant 0 : i32
        %sign3A_194 = arith.cmpi slt, %jit3A_181, %sign3A_193 : i32
        %sign3A_195 = arith.extui %sign3A_194 : i1 to i32
        %sign3A_196 = arith.subi %sign3A_192, %sign3A_195 : i32
        %ne3A_197 = arith.cmpi ne, %sign3A_189, %sign3A_196 : i32
        %rem3A_198 = arith.remsi %scan3A_179, %jit3A_181 : i32
        %ne3A_199 = arith.constant 0 : i32
        %ne3A_200 = arith.cmpi ne, %rem3A_198, %ne3A_199 : i32
        %and3A_201 = arith.andi %ne3A_197, %ne3A_200 : i1
        %sub3A_202 = arith.constant 1 : i32
        %sub3A_203 = arith.subi %div3A_182, %sub3A_202 : i32
        %select_n3A_204 = arith.select %and3A_201, %sub3A_203, %div3A_182 : i32
        %jit3A_205 = arith.constant 8 : i32
        %eq3A_206 = arith.constant 0 : i32
        %eq3A_207 = arith.cmpi eq, %jit3A_205, %eq3A_206 : i32
        %jit3A_208 = arith.constant 1 : i32
        %select_n3A_209 = arith.select %eq3A_207, %jit3A_208, %jit3A_205 : i32
        %rem3A_210 = arith.remsi %scan3A_179, %select_n3A_209 : i32
        %ne3A_211 = arith.constant 0 : i32
        %ne3A_212 = arith.cmpi ne, %rem3A_210, %ne3A_211 : i32
        %lt3A_213 = arith.constant 0 : i32
        %lt3A_214 = arith.cmpi slt, %rem3A_210, %lt3A_213 : i32
        %lt3A_215 = arith.constant 0 : i32
        %lt3A_216 = arith.cmpi slt, %select_n3A_209, %lt3A_215 : i32
        %ne3A_217 = arith.xori %lt3A_214, %lt3A_216 : i1
        %and3A_218 = arith.andi %ne3A_217, %ne3A_212 : i1
        %add3A_219 = arith.addi %rem3A_210, %select_n3A_209 : i32
        %select_n3A_220 = arith.select %and3A_218, %add3A_219, %rem3A_210 : i32
        %mul3A_221 = arith.constant 16 : i32
        %mul3A_222 = arith.muli %select_n3A_220, %mul3A_221 : i32
        %get3A_223 = arith.constant 0 : i32
        %get3A_224 = arith.index_cast %get3A_223 : i32 to index
        %get3A_225 = arith.index_cast %select_n3A_204 : i32 to index
        %get3A_226 = arith.index_cast %mul3A_222 : i32 to index
        %get3A_227 = tpu.vector_load %arg8[%get3A_224, %get3A_225, %get3A_226] {strides = array<i32>} : memref<64x4x128xf32, #tpu.memory_space<vmem>>, vector<16xf32>,
        %get3A_228 = arith.constant 1 : i32
        %get3A_229 = arith.index_cast %get3A_228 : i32 to index
        %get3A_230 = arith.index_cast %select_n3A_204 : i32 to index
        %get3A_231 = arith.index_cast %mul3A_222 : i32 to index
        %get3A_232 = tpu.vector_load %arg8[%get3A_229, %get3A_230, %get3A_231] {strides = array<i32>} : memref<64x4x128xf32, #tpu.memory_space<vmem>>, vector<16xf32>,
        %get3A_233 = arith.constant 2 : i32
        %get3A_234 = arith.index_cast %get3A_233 : i32 to index
        %get3A_235 = arith.index_cast %select_n3A_204 : i32 to index
        %get3A_236 = arith.index_cast %mul3A_222 : i32 to index
        %get3A_237 = tpu.vector_load %arg8[%get3A_234, %get3A_235, %get3A_236] {strides = array<i32>} : memref<64x4x128xf32, #tpu.memory_space<vmem>>, vector<16xf32>,
        %get3A_238 = arith.constant 3 : i32
        %get3A_239 = arith.index_cast %get3A_238 : i32 to index
        %get3A_240 = arith.index_cast %select_n3A_204 : i32 to index
        %get3A_241 = arith.index_cast %mul3A_222 : i32 to index
        %get3A_242 = tpu.vector_load %arg8[%get3A_239, %get3A_240, %get3A_241] {strides = array<i32>} : memref<64x4x128xf32, #tpu.memory_space<vmem>>, vector<16xf32>,
        %get3A_243 = arith.constant 4 : i32
        %get3A_244 = arith.index_cast %get3A_243 : i32 to index
        %get3A_245 = arith.index_cast %select_n3A_204 : i32 to index
        %get3A_246 = arith.index_cast %mul3A_222 : i32 to index
        %get3A_247 = tpu.vector_load %arg8[%get3A_244, %get3A_245, %get3A_246] {strides = array<i32>} : memref<64x4x128xf32, #tpu.memory_space<vmem>>, vector<16xf32>,
        %get3A_248 = arith.constant 5 : i32
        %get3A_249 = arith.index_cast %get3A_248 : i32 to index
        %get3A_250 = arith.index_cast %select_n3A_204 : i32 to index
        %get3A_251 = arith.index_cast %mul3A_222 : i32 to index
        %get3A_252 = tpu.vector_load %arg8[%get3A_249, %get3A_250, %get3A_251] {strides = array<i32>} : memref<64x4x128xf32, #tpu.memory_space<vmem>>, vector<16xf32>,
        %get3A_253 = arith.constant 6 : i32
        %get3A_254 = arith.index_cast %get3A_253 : i32 to index
        %get3A_255 = arith.index_cast %select_n3A_204 : i32 to index
        %get3A_256 = arith.index_cast %mul3A_222 : i32 to index
        %get3A_257 = tpu.vector_load %arg8[%get3A_254, %get3A_255, %get3A_256] {strides = array<i32>} : memref<64x4x128xf32, #tpu.memory_space<vmem>>, vector<16xf32>,
        %get3A_258 = arith.constant 7 : i32
        %get3A_259 = arith.index_cast %get3A_258 : i32 to index
        %get3A_260 = arith.index_cast %select_n3A_204 : i32 to index
        %get3A_261 = arith.index_cast %mul3A_222 : i32 to index
        %get3A_262 = tpu.vector_load %arg8[%get3A_259, %get3A_260, %get3A_261] {strides = array<i32>} : memref<64x4x128xf32, #tpu.memory_space<vmem>>, vector<16xf32>,
        %get3A_263 = arith.constant 8 : i32
        %get3A_264 = arith.index_cast %get3A_263 : i32 to index
        %get3A_265 = arith.index_cast %select_n3A_204 : i32 to index
        %get3A_266 = arith.index_cast %mul3A_222 : i32 to index
        %get3A_267 = tpu.vector_load %arg8[%get3A_264, %get3A_265, %get3A_266] {strides = array<i32>} : memref<64x4x128xf32, #tpu.memory_space<vmem>>, vector<16xf32>,
        %get3A_268 = arith.constant 9 : i32
        %get3A_269 = arith.index_cast %get3A_268 : i32 to index
        %get3A_270 = arith.index_cast %select_n3A_204 : i32 to index
        %get3A_271 = arith.index_cast %mul3A_222 : i32 to index
        %get3A_272 = tpu.vector_load %arg8[%get3A_269, %get3A_270, %get3A_271] {strides = array<i32>} : memref<64x4x128xf32, #tpu.memory_space<vmem>>, vector<16xf32>,
        %get3A_273 = arith.constant 10 : i32
        %get3A_274 = arith.index_cast %get3A_273 : i32 to index
        %get3A_275 = arith.index_cast %select_n3A_204 : i32 to index
        %get3A_276 = arith.index_cast %mul3A_222 : i32 to index
        %get3A_277 = tpu.vector_load %arg8[%get3A_274, %get3A_275, %get3A_276] {strides = array<i32>} : memref<64x4x128xf32, #tpu.memory_space<vmem>>, vector<16xf32>,
        %get3A_278 = arith.constant 11 : i32
        %get3A_279 = arith.index_cast %get3A_278 : i32 to index
        %get3A_280 = arith.index_cast %select_n3A_204 : i32 to index
        %get3A_281 = arith.index_cast %mul3A_222 : i32 to index
        %get3A_282 = tpu.vector_load %arg8[%get3A_279, %get3A_280, %get3A_281] {strides = array<i32>} : memref<64x4x128xf32, #tpu.memory_space<vmem>>, vector<16xf32>,
        %get3A_283 = arith.constant 12 : i32
        %get3A_284 = arith.index_cast %get3A_283 : i32 to index
        %get3A_285 = arith.index_cast %select_n3A_204 : i32 to index
        %get3A_286 = arith.index_cast %mul3A_222 : i32 to index
        %get3A_287 = tpu.vector_load %arg8[%get3A_284, %get3A_285, %get3A_286] {strides = array<i32>} : memref<64x4x128xf32, #tpu.memory_space<vmem>>, vector<16xf32>,
        %get3A_288 = arith.constant 13 : i32
        %get3A_289 = arith.index_cast %get3A_288 : i32 to index
        %get3A_290 = arith.index_cast %select_n3A_204 : i32 to index
        %get3A_291 = arith.index_cast %mul3A_222 : i32 to index
        %get3A_292 = tpu.vector_load %arg8[%get3A_289, %get3A_290, %get3A_291] {strides = array<i32>} : memref<64x4x128xf32, #tpu.memory_space<vmem>>, vector<16xf32>,
        %get3A_293 = arith.constant 14 : i32
        %get3A_294 = arith.index_cast %get3A_293 : i32 to index
        %get3A_295 = arith.index_cast %select_n3A_204 : i32 to index
        %get3A_296 = arith.index_cast %mul3A_222 : i32 to index
        %get3A_297 = tpu.vector_load %arg8[%get3A_294, %get3A_295, %get3A_296] {strides = array<i32>} : memref<64x4x128xf32, #tpu.memory_space<vmem>>, vector<16xf32>,
        %get3A_298 = arith.constant 15 : i32
        %get3A_299 = arith.index_cast %get3A_298 : i32 to index
        %get3A_300 = arith.index_cast %select_n3A_204 : i32 to index
        %get3A_301 = arith.index_cast %mul3A_222 : i32 to index
        %get3A_302 = tpu.vector_load %arg8[%get3A_299, %get3A_300, %get3A_301] {strides = array<i32>} : memref<64x4x128xf32, #tpu.memory_space<vmem>>, vector<16xf32>,
        %max3A = arith.maximumf %get3A_227, %get3A_232 : vector<16xf32>
        %max3A_303 = arith.maximumf %get3A_237, %get3A_242 : vector<16xf32>
        %max3A_304 = arith.maximumf %get3A_247, %get3A_252 : vector<16xf32>
        %max3A_305 = arith.maximumf %get3A_257, %get3A_262 : vector<16xf32>
        %max3A_306 = arith.maximumf %get3A_267, %get3A_272 : vector<16xf32>
        %max3A_307 = arith.maximumf %get3A_277, %get3A_282 : vector<16xf32>
        %max3A_308 = arith.maximumf %get3A_287, %get3A_292 : vector<16xf32>
        %max3A_309 = arith.maximumf %get3A_297, %get3A_302 : vector<16xf32>
        %max3A_310 = arith.maximumf %max3A, %max3A_303 : vector<16xf32>
        %max3A_311 = arith.maximumf %max3A_304, %max3A_305 : vector<16xf32>
        %max3A_312 = arith.maximumf %max3A_306, %max3A_307 : vector<16xf32>
        %max3A_313 = arith.maximumf %max3A_308, %max3A_309 : vector<16xf32>
        %max3A_314 = arith.maximumf %max3A_310, %max3A_311 : vector<16xf32>
        %max3A_315 = arith.maximumf %max3A_312, %max3A_313 : vector<16xf32>
        %max3A_316 = arith.maximumf %max3A_314, %max3A_315 : vector<16xf32>
        %swap3A_317 = arith.constant 0 : i32
        %swap3A_318 = arith.index_cast %swap3A_317 : i32 to index
        %swap3A_319 = arith.index_cast %select_n3A_204 : i32 to index
        %swap3A_320 = arith.index_cast %mul3A_222 : i32 to index
        %swap3A_321 = tpu.vector_load %arg10[%swap3A_318, %swap3A_319, %swap3A_320] {strides = array<i32>} : memref<4x4x128xf32, #tpu.memory_space<vmem>>, vector<16xf32>,
        tpu.vector_store %arg10[%swap3A_318, %swap3A_319, %swap3A_320], %max3A_316 {strides = array<i32>} : memref<4x4x128xf32, #tpu.memory_space<vmem>>, vector<16xf32>,
        %get3A_322 = arith.constant 16 : i32
        %get3A_323 = arith.index_cast %get3A_322 : i32 to index
        %get3A_324 = arith.index_cast %select_n3A_204 : i32 to index
        %get3A_325 = arith.index_cast %mul3A_222 : i32 to index
        %get3A_326 = tpu.vector_load %arg8[%get3A_323, %get3A_324, %get3A_325] {strides = array<i32>} : memref<64x4x128xf32, #tpu.memory_space<vmem>>, vector<16xf32>,
        %get3A_327 = arith.constant 17 : i32
        %get3A_328 = arith.index_cast %get3A_327 : i32 to index
        %get3A_329 = arith.index_cast %select_n3A_204 : i32 to index
        %get3A_330 = arith.index_cast %mul3A_222 : i32 to index
        %get3A_331 = tpu.vector_load %arg8[%get3A_328, %get3A_329, %get3A_330] {strides = array<i32>} : memref<64x4x128xf32, #tpu.memory_space<vmem>>, vector<16xf32>,
        %get3A_332 = arith.constant 18 : i32
        %get3A_333 = arith.index_cast %get3A_332 : i32 to index
        %get3A_334 = arith.index_cast %select_n3A_204 : i32 to index
        %get3A_335 = arith.index_cast %mul3A_222 : i32 to index
        %get3A_336 = tpu.vector_load %arg8[%get3A_333, %get3A_334, %get3A_335] {strides = array<i32>} : memref<64x4x128xf32, #tpu.memory_space<vmem>>, vector<16xf32>,
        %get3A_337 = arith.constant 19 : i32
        %get3A_338 = arith.index_cast %get3A_337 : i32 to index
        %get3A_339 = arith.index_cast %select_n3A_204 : i32 to index
        %get3A_340 = arith.index_cast %mul3A_222 : i32 to index
        %get3A_341 = tpu.vector_load %arg8[%get3A_338, %get3A_339, %get3A_340] {strides = array<i32>} : memref<64x4x128xf32, #tpu.memory_space<vmem>>, vector<16xf32>,
        %get3A_342 = arith.constant 20 : i32
        %get3A_343 = arith.index_cast %get3A_342 : i32 to index
        %get3A_344 = arith.index_cast %select_n3A_204 : i32 to index
        %get3A_345 = arith.index_cast %mul3A_222 : i32 to index
        %get3A_346 = tpu.vector_load %arg8[%get3A_343, %get3A_344, %get3A_345] {strides = array<i32>} : memref<64x4x128xf32, #tpu.memory_space<vmem>>, vector<16xf32>,
        %get3A_347 = arith.constant 21 : i32
        %get3A_348 = arith.index_cast %get3A_347 : i32 to index
        %get3A_349 = arith.index_cast %select_n3A_204 : i32 to index
        %get3A_350 = arith.index_cast %mul3A_222 : i32 to index
        %get3A_351 = tpu.vector_load %arg8[%get3A_348, %get3A_349, %get3A_350] {strides = array<i32>} : memref<64x4x128xf32, #tpu.memory_space<vmem>>, vector<16xf32>,
        %get3A_352 = arith.constant 22 : i32
        %get3A_353 = arith.index_cast %get3A_352 : i32 to index
        %get3A_354 = arith.index_cast %select_n3A_204 : i32 to index
        %get3A_355 = arith.index_cast %mul3A_222 : i32 to index
        %get3A_356 = tpu.vector_load %arg8[%get3A_353, %get3A_354, %get3A_355] {strides = array<i32>} : memref<64x4x128xf32, #tpu.memory_space<vmem>>, vector<16xf32>,
        %get3A_357 = arith.constant 23 : i32
        %get3A_358 = arith.index_cast %get3A_357 : i32 to index
        %get3A_359 = arith.index_cast %select_n3A_204 : i32 to index
        %get3A_360 = arith.index_cast %mul3A_222 : i32 to index
        %get3A_361 = tpu.vector_load %arg8[%get3A_358, %get3A_359, %get3A_360] {strides = array<i32>} : memref<64x4x128xf32, #tpu.memory_space<vmem>>, vector<16xf32>,
        %get3A_362 = arith.constant 24 : i32
        %get3A_363 = arith.index_cast %get3A_362 : i32 to index
        %get3A_364 = arith.index_cast %select_n3A_204 : i32 to index
        %get3A_365 = arith.index_cast %mul3A_222 : i32 to index
        %get3A_366 = tpu.vector_load %arg8[%get3A_363, %get3A_364, %get3A_365] {strides = array<i32>} : memref<64x4x128xf32, #tpu.memory_space<vmem>>, vector<16xf32>,
        %get3A_367 = arith.constant 25 : i32
        %get3A_368 = arith.index_cast %get3A_367 : i32 to index
        %get3A_369 = arith.index_cast %select_n3A_204 : i32 to index
        %get3A_370 = arith.index_cast %mul3A_222 : i32 to index
        %get3A_371 = tpu.vector_load %arg8[%get3A_368, %get3A_369, %get3A_370] {strides = array<i32>} : memref<64x4x128xf32, #tpu.memory_space<vmem>>, vector<16xf32>,
        %get3A_372 = arith.constant 26 : i32
        %get3A_373 = arith.index_cast %get3A_372 : i32 to index
        %get3A_374 = arith.index_cast %select_n3A_204 : i32 to index
        %get3A_375 = arith.index_cast %mul3A_222 : i32 to index
        %get3A_376 = tpu.vector_load %arg8[%get3A_373, %get3A_374, %get3A_375] {strides = array<i32>} : memref<64x4x128xf32, #tpu.memory_space<vmem>>, vector<16xf32>,
        %get3A_377 = arith.constant 27 : i32
        %get3A_378 = arith.index_cast %get3A_377 : i32 to index
        %get3A_379 = arith.index_cast %select_n3A_204 : i32 to index
        %get3A_380 = arith.index_cast %mul3A_222 : i32 to index
        %get3A_381 = tpu.vector_load %arg8[%get3A_378, %get3A_379, %get3A_380] {strides = array<i32>} : memref<64x4x128xf32, #tpu.memory_space<vmem>>, vector<16xf32>,
        %get3A_382 = arith.constant 28 : i32
        %get3A_383 = arith.index_cast %get3A_382 : i32 to index
        %get3A_384 = arith.index_cast %select_n3A_204 : i32 to index
        %get3A_385 = arith.index_cast %mul3A_222 : i32 to index
        %get3A_386 = tpu.vector_load %arg8[%get3A_383, %get3A_384, %get3A_385] {strides = array<i32>} : memref<64x4x128xf32, #tpu.memory_space<vmem>>, vector<16xf32>,
        %get3A_387 = arith.constant 29 : i32
        %get3A_388 = arith.index_cast %get3A_387 : i32 to index
        %get3A_389 = arith.index_cast %select_n3A_204 : i32 to index
        %get3A_390 = arith.index_cast %mul3A_222 : i32 to index
        %get3A_391 = tpu.vector_load %arg8[%get3A_388, %get3A_389, %get3A_390] {strides = array<i32>} : memref<64x4x128xf32, #tpu.memory_space<vmem>>, vector<16xf32>,
        %get3A_392 = arith.constant 30 : i32
        %get3A_393 = arith.index_cast %get3A_392 : i32 to index
        %get3A_394 = arith.index_cast %select_n3A_204 : i32 to index
        %get3A_395 = arith.index_cast %mul3A_222 : i32 to index
        %get3A_396 = tpu.vector_load %arg8[%get3A_393, %get3A_394, %get3A_395] {strides = array<i32>} : memref<64x4x128xf32, #tpu.memory_space<vmem>>, vector<16xf32>,
        %get3A_397 = arith.constant 31 : i32
        %get3A_398 = arith.index_cast %get3A_397 : i32 to index
        %get3A_399 = arith.index_cast %select_n3A_204 : i32 to index
        %get3A_400 = arith.index_cast %mul3A_222 : i32 to index
        %get3A_401 = tpu.vector_load %arg8[%get3A_398, %get3A_399, %get3A_400] {strides = array<i32>} : memref<64x4x128xf32, #tpu.memory_space<vmem>>, vector<16xf32>,
        %max3A_402 = arith.maximumf %get3A_326, %get3A_331 : vector<16xf32>
        %max3A_403 = arith.maximumf %get3A_336, %get3A_341 : vector<16xf32>
        %max3A_404 = arith.maximumf %get3A_346, %get3A_351 : vector<16xf32>
        %max3A_405 = arith.maximumf %get3A_356, %get3A_361 : vector<16xf32>
        %max3A_406 = arith.maximumf %get3A_366, %get3A_371 : vector<16xf32>
        %max3A_407 = arith.maximumf %get3A_376, %get3A_381 : vector<16xf32>
        %max3A_408 = arith.maximumf %get3A_386, %get3A_391 : vector<16xf32>
        %max3A_409 = arith.maximumf %get3A_396, %get3A_401 : vector<16xf32>
        %max3A_410 = arith.maximumf %max3A_402, %max3A_403 : vector<16xf32>
        %max3A_411 = arith.maximumf %max3A_404, %max3A_405 : vector<16xf32>
        %max3A_412 = arith.maximumf %max3A_406, %max3A_407 : vector<16xf32>
        %max3A_413 = arith.maximumf %max3A_408, %max3A_409 : vector<16xf32>
        %max3A_414 = arith.maximumf %max3A_410, %max3A_411 : vector<16xf32>
        %max3A_415 = arith.maximumf %max3A_412, %max3A_413 : vector<16xf32>
        %max3A_416 = arith.maximumf %max3A_414, %max3A_415 : vector<16xf32>
        %swap3A_417 = arith.constant 1 : i32
        %swap3A_418 = arith.index_cast %swap3A_417 : i32 to index
        %swap3A_419 = arith.index_cast %select_n3A_204 : i32 to index
        %swap3A_420 = arith.index_cast %mul3A_222 : i32 to index
        %swap3A_421 = tpu.vector_load %arg10[%swap3A_418, %swap3A_419, %swap3A_420] {strides = array<i32>} : memref<4x4x128xf32, #tpu.memory_space<vmem>>, vector<16xf32>,
        tpu.vector_store %arg10[%swap3A_418, %swap3A_419, %swap3A_420], %max3A_416 {strides = array<i32>} : memref<4x4x128xf32, #tpu.memory_space<vmem>>, vector<16xf32>,
        %get3A_422 = arith.constant 32 : i32
        %get3A_423 = arith.index_cast %get3A_422 : i32 to index
        %get3A_424 = arith.index_cast %select_n3A_204 : i32 to index
        %get3A_425 = arith.index_cast %mul3A_222 : i32 to index
        %get3A_426 = tpu.vector_load %arg8[%get3A_423, %get3A_424, %get3A_425] {strides = array<i32>} : memref<64x4x128xf32, #tpu.memory_space<vmem>>, vector<16xf32>,
        %get3A_427 = arith.constant 33 : i32
        %get3A_428 = arith.index_cast %get3A_427 : i32 to index
        %get3A_429 = arith.index_cast %select_n3A_204 : i32 to index
        %get3A_430 = arith.index_cast %mul3A_222 : i32 to index
        %get3A_431 = tpu.vector_load %arg8[%get3A_428, %get3A_429, %get3A_430] {strides = array<i32>} : memref<64x4x128xf32, #tpu.memory_space<vmem>>, vector<16xf32>,
        %get3A_432 = arith.constant 34 : i32
        %get3A_433 = arith.index_cast %get3A_432 : i32 to index
        %get3A_434 = arith.index_cast %select_n3A_204 : i32 to index
        %get3A_435 = arith.index_cast %mul3A_222 : i32 to index
        %get3A_436 = tpu.vector_load %arg8[%get3A_433, %get3A_434, %get3A_435] {strides = array<i32>} : memref<64x4x128xf32, #tpu.memory_space<vmem>>, vector<16xf32>,
        %get3A_437 = arith.constant 35 : i32
        %get3A_438 = arith.index_cast %get3A_437 : i32 to index
        %get3A_439 = arith.index_cast %select_n3A_204 : i32 to index
        %get3A_440 = arith.index_cast %mul3A_222 : i32 to index
        %get3A_441 = tpu.vector_load %arg8[%get3A_438, %get3A_439, %get3A_440] {strides = array<i32>} : memref<64x4x128xf32, #tpu.memory_space<vmem>>, vector<16xf32>,
        %get3A_442 = arith.constant 36 : i32
        %get3A_443 = arith.index_cast %get3A_442 : i32 to index
        %get3A_444 = arith.index_cast %select_n3A_204 : i32 to index
        %get3A_445 = arith.index_cast %mul3A_222 : i32 to index
        %get3A_446 = tpu.vector_load %arg8[%get3A_443, %get3A_444, %get3A_445] {strides = array<i32>} : memref<64x4x128xf32, #tpu.memory_space<vmem>>, vector<16xf32>,
        %get3A_447 = arith.constant 37 : i32
        %get3A_448 = arith.index_cast %get3A_447 : i32 to index
        %get3A_449 = arith.index_cast %select_n3A_204 : i32 to index
        %get3A_450 = arith.index_cast %mul3A_222 : i32 to index
        %get3A_451 = tpu.vector_load %arg8[%get3A_448, %get3A_449, %get3A_450] {strides = array<i32>} : memref<64x4x128xf32, #tpu.memory_space<vmem>>, vector<16xf32>,
        %get3A_452 = arith.constant 38 : i32
        %get3A_453 = arith.index_cast %get3A_452 : i32 to index
        %get3A_454 = arith.index_cast %select_n3A_204 : i32 to index
        %get3A_455 = arith.index_cast %mul3A_222 : i32 to index
        %get3A_456 = tpu.vector_load %arg8[%get3A_453, %get3A_454, %get3A_455] {strides = array<i32>} : memref<64x4x128xf32, #tpu.memory_space<vmem>>, vector<16xf32>,
        %get3A_457 = arith.constant 39 : i32
        %get3A_458 = arith.index_cast %get3A_457 : i32 to index
        %get3A_459 = arith.index_cast %select_n3A_204 : i32 to index
        %get3A_460 = arith.index_cast %mul3A_222 : i32 to index
        %get3A_461 = tpu.vector_load %arg8[%get3A_458, %get3A_459, %get3A_460] {strides = array<i32>} : memref<64x4x128xf32, #tpu.memory_space<vmem>>, vector<16xf32>,
        %get3A_462 = arith.constant 40 : i32
        %get3A_463 = arith.index_cast %get3A_462 : i32 to index
        %get3A_464 = arith.index_cast %select_n3A_204 : i32 to index
        %get3A_465 = arith.index_cast %mul3A_222 : i32 to index
        %get3A_466 = tpu.vector_load %arg8[%get3A_463, %get3A_464, %get3A_465] {strides = array<i32>} : memref<64x4x128xf32, #tpu.memory_space<vmem>>, vector<16xf32>,
        %get3A_467 = arith.constant 41 : i32
        %get3A_468 = arith.index_cast %get3A_467 : i32 to index
        %get3A_469 = arith.index_cast %select_n3A_204 : i32 to index
        %get3A_470 = arith.index_cast %mul3A_222 : i32 to index
        %get3A_471 = tpu.vector_load %arg8[%get3A_468, %get3A_469, %get3A_470] {strides = array<i32>} : memref<64x4x128xf32, #tpu.memory_space<vmem>>, vector<16xf32>,
        %get3A_472 = arith.constant 42 : i32
        %get3A_473 = arith.index_cast %get3A_472 : i32 to index
        %get3A_474 = arith.index_cast %select_n3A_204 : i32 to index
        %get3A_475 = arith.index_cast %mul3A_222 : i32 to index
        %get3A_476 = tpu.vector_load %arg8[%get3A_473, %get3A_474, %get3A_475] {strides = array<i32>} : memref<64x4x128xf32, #tpu.memory_space<vmem>>, vector<16xf32>,
        %get3A_477 = arith.constant 43 : i32
        %get3A_478 = arith.index_cast %get3A_477 : i32 to index
        %get3A_479 = arith.index_cast %select_n3A_204 : i32 to index
        %get3A_480 = arith.index_cast %mul3A_222 : i32 to index
        %get3A_481 = tpu.vector_load %arg8[%get3A_478, %get3A_479, %get3A_480] {strides = array<i32>} : memref<64x4x128xf32, #tpu.memory_space<vmem>>, vector<16xf32>,
        %get3A_482 = arith.constant 44 : i32
        %get3A_483 = arith.index_cast %get3A_482 : i32 to index
        %get3A_484 = arith.index_cast %select_n3A_204 : i32 to index
        %get3A_485 = arith.index_cast %mul3A_222 : i32 to index
        %get3A_486 = tpu.vector_load %arg8[%get3A_483, %get3A_484, %get3A_485] {strides = array<i32>} : memref<64x4x128xf32, #tpu.memory_space<vmem>>, vector<16xf32>,
        %get3A_487 = arith.constant 45 : i32
        %get3A_488 = arith.index_cast %get3A_487 : i32 to index
        %get3A_489 = arith.index_cast %select_n3A_204 : i32 to index
        %get3A_490 = arith.index_cast %mul3A_222 : i32 to index
        %get3A_491 = tpu.vector_load %arg8[%get3A_488, %get3A_489, %get3A_490] {strides = array<i32>} : memref<64x4x128xf32, #tpu.memory_space<vmem>>, vector<16xf32>,
        %get3A_492 = arith.constant 46 : i32
        %get3A_493 = arith.index_cast %get3A_492 : i32 to index
        %get3A_494 = arith.index_cast %select_n3A_204 : i32 to index
        %get3A_495 = arith.index_cast %mul3A_222 : i32 to index
        %get3A_496 = tpu.vector_load %arg8[%get3A_493, %get3A_494, %get3A_495] {strides = array<i32>} : memref<64x4x128xf32, #tpu.memory_space<vmem>>, vector<16xf32>,
        %get3A_497 = arith.constant 47 : i32
        %get3A_498 = arith.index_cast %get3A_497 : i32 to index
        %get3A_499 = arith.index_cast %select_n3A_204 : i32 to index
        %get3A_500 = arith.index_cast %mul3A_222 : i32 to index
        %get3A_501 = tpu.vector_load %arg8[%get3A_498, %get3A_499, %get3A_500] {strides = array<i32>} : memref<64x4x128xf32, #tpu.memory_space<vmem>>, vector<16xf32>,
        %max3A_502 = arith.maximumf %get3A_426, %get3A_431 : vector<16xf32>
        %max3A_503 = arith.maximumf %get3A_436, %get3A_441 : vector<16xf32>
        %max3A_504 = arith.maximumf %get3A_446, %get3A_451 : vector<16xf32>
        %max3A_505 = arith.maximumf %get3A_456, %get3A_461 : vector<16xf32>
        %max3A_506 = arith.maximumf %get3A_466, %get3A_471 : vector<16xf32>
        %max3A_507 = arith.maximumf %get3A_476, %get3A_481 : vector<16xf32>
        %max3A_508 = arith.maximumf %get3A_486, %get3A_491 : vector<16xf32>
        %max3A_509 = arith.maximumf %get3A_496, %get3A_501 : vector<16xf32>
        %max3A_510 = arith.maximumf %max3A_502, %max3A_503 : vector<16xf32>
        %max3A_511 = arith.maximumf %max3A_504, %max3A_505 : vector<16xf32>
        %max3A_512 = arith.maximumf %max3A_506, %max3A_507 : vector<16xf32>
        %max3A_513 = arith.maximumf %max3A_508, %max3A_509 : vector<16xf32>
        %max3A_514 = arith.maximumf %max3A_510, %max3A_511 : vector<16xf32>
        %max3A_515 = arith.maximumf %max3A_512, %max3A_513 : vector<16xf32>
        %max3A_516 = arith.maximumf %max3A_514, %max3A_515 : vector<16xf32>
        %swap3A_517 = arith.constant 2 : i32
        %swap3A_518 = arith.index_cast %swap3A_517 : i32 to index
        %swap3A_519 = arith.index_cast %select_n3A_204 : i32 to index
        %swap3A_520 = arith.index_cast %mul3A_222 : i32 to index
        %swap3A_521 = tpu.vector_load %arg10[%swap3A_518, %swap3A_519, %swap3A_520] {strides = array<i32>} : memref<4x4x128xf32, #tpu.memory_space<vmem>>, vector<16xf32>,
        tpu.vector_store %arg10[%swap3A_518, %swap3A_519, %swap3A_520], %max3A_516 {strides = array<i32>} : memref<4x4x128xf32, #tpu.memory_space<vmem>>, vector<16xf32>,
        %get3A_522 = arith.constant 48 : i32
        %get3A_523 = arith.index_cast %get3A_522 : i32 to index
        %get3A_524 = arith.index_cast %select_n3A_204 : i32 to index
        %get3A_525 = arith.index_cast %mul3A_222 : i32 to index
        %get3A_526 = tpu.vector_load %arg8[%get3A_523, %get3A_524, %get3A_525] {strides = array<i32>} : memref<64x4x128xf32, #tpu.memory_space<vmem>>, vector<16xf32>,
        %get3A_527 = arith.constant 49 : i32
        %get3A_528 = arith.index_cast %get3A_527 : i32 to index
        %get3A_529 = arith.index_cast %select_n3A_204 : i32 to index
        %get3A_530 = arith.index_cast %mul3A_222 : i32 to index
        %get3A_531 = tpu.vector_load %arg8[%get3A_528, %get3A_529, %get3A_530] {strides = array<i32>} : memref<64x4x128xf32, #tpu.memory_space<vmem>>, vector<16xf32>,
        %get3A_532 = arith.constant 50 : i32
        %get3A_533 = arith.index_cast %get3A_532 : i32 to index
        %get3A_534 = arith.index_cast %select_n3A_204 : i32 to index
        %get3A_535 = arith.index_cast %mul3A_222 : i32 to index
        %get3A_536 = tpu.vector_load %arg8[%get3A_533, %get3A_534, %get3A_535] {strides = array<i32>} : memref<64x4x128xf32, #tpu.memory_space<vmem>>, vector<16xf32>,
        %get3A_537 = arith.constant 51 : i32
        %get3A_538 = arith.index_cast %get3A_537 : i32 to index
        %get3A_539 = arith.index_cast %select_n3A_204 : i32 to index
        %get3A_540 = arith.index_cast %mul3A_222 : i32 to index
        %get3A_541 = tpu.vector_load %arg8[%get3A_538, %get3A_539, %get3A_540] {strides = array<i32>} : memref<64x4x128xf32, #tpu.memory_space<vmem>>, vector<16xf32>,
        %get3A_542 = arith.constant 52 : i32
        %get3A_543 = arith.index_cast %get3A_542 : i32 to index
        %get3A_544 = arith.index_cast %select_n3A_204 : i32 to index
        %get3A_545 = arith.index_cast %mul3A_222 : i32 to index
        %get3A_546 = tpu.vector_load %arg8[%get3A_543, %get3A_544, %get3A_545] {strides = array<i32>} : memref<64x4x128xf32, #tpu.memory_space<vmem>>, vector<16xf32>,
        %get3A_547 = arith.constant 53 : i32
        %get3A_548 = arith.index_cast %get3A_547 : i32 to index
        %get3A_549 = arith.index_cast %select_n3A_204 : i32 to index
        %get3A_550 = arith.index_cast %mul3A_222 : i32 to index
        %get3A_551 = tpu.vector_load %arg8[%get3A_548, %get3A_549, %get3A_550] {strides = array<i32>} : memref<64x4x128xf32, #tpu.memory_space<vmem>>, vector<16xf32>,
        %get3A_552 = arith.constant 54 : i32
        %get3A_553 = arith.index_cast %get3A_552 : i32 to index
        %get3A_554 = arith.index_cast %select_n3A_204 : i32 to index
        %get3A_555 = arith.index_cast %mul3A_222 : i32 to index
        %get3A_556 = tpu.vector_load %arg8[%get3A_553, %get3A_554, %get3A_555] {strides = array<i32>} : memref<64x4x128xf32, #tpu.memory_space<vmem>>, vector<16xf32>,
        %get3A_557 = arith.constant 55 : i32
        %get3A_558 = arith.index_cast %get3A_557 : i32 to index
        %get3A_559 = arith.index_cast %select_n3A_204 : i32 to index
        %get3A_560 = arith.index_cast %mul3A_222 : i32 to index
        %get3A_561 = tpu.vector_load %arg8[%get3A_558, %get3A_559, %get3A_560] {strides = array<i32>} : memref<64x4x128xf32, #tpu.memory_space<vmem>>, vector<16xf32>,
        %get3A_562 = arith.constant 56 : i32
        %get3A_563 = arith.index_cast %get3A_562 : i32 to index
        %get3A_564 = arith.index_cast %select_n3A_204 : i32 to index
        %get3A_565 = arith.index_cast %mul3A_222 : i32 to index
        %get3A_566 = tpu.vector_load %arg8[%get3A_563, %get3A_564, %get3A_565] {strides = array<i32>} : memref<64x4x128xf32, #tpu.memory_space<vmem>>, vector<16xf32>,
        %get3A_567 = arith.constant 57 : i32
        %get3A_568 = arith.index_cast %get3A_567 : i32 to index
        %get3A_569 = arith.index_cast %select_n3A_204 : i32 to index
        %get3A_570 = arith.index_cast %mul3A_222 : i32 to index
        %get3A_571 = tpu.vector_load %arg8[%get3A_568, %get3A_569, %get3A_570] {strides = array<i32>} : memref<64x4x128xf32, #tpu.memory_space<vmem>>, vector<16xf32>,
        %get3A_572 = arith.constant 58 : i32
        %get3A_573 = arith.index_cast %get3A_572 : i32 to index
        %get3A_574 = arith.index_cast %select_n3A_204 : i32 to index
        %get3A_575 = arith.index_cast %mul3A_222 : i32 to index
        %get3A_576 = tpu.vector_load %arg8[%get3A_573, %get3A_574, %get3A_575] {strides = array<i32>} : memref<64x4x128xf32, #tpu.memory_space<vmem>>, vector<16xf32>,
        %get3A_577 = arith.constant 59 : i32
        %get3A_578 = arith.index_cast %get3A_577 : i32 to index
        %get3A_579 = arith.index_cast %select_n3A_204 : i32 to index
        %get3A_580 = arith.index_cast %mul3A_222 : i32 to index
        %get3A_581 = tpu.vector_load %arg8[%get3A_578, %get3A_579, %get3A_580] {strides = array<i32>} : memref<64x4x128xf32, #tpu.memory_space<vmem>>, vector<16xf32>,
        %get3A_582 = arith.constant 60 : i32
        %get3A_583 = arith.index_cast %get3A_582 : i32 to index
        %get3A_584 = arith.index_cast %select_n3A_204 : i32 to index
        %get3A_585 = arith.index_cast %mul3A_222 : i32 to index
        %get3A_586 = tpu.vector_load %arg8[%get3A_583, %get3A_584, %get3A_585] {strides = array<i32>} : memref<64x4x128xf32, #tpu.memory_space<vmem>>, vector<16xf32>,
        %get3A_587 = arith.constant 61 : i32
        %get3A_588 = arith.index_cast %get3A_587 : i32 to index
        %get3A_589 = arith.index_cast %select_n3A_204 : i32 to index
        %get3A_590 = arith.index_cast %mul3A_222 : i32 to index
        %get3A_591 = tpu.vector_load %arg8[%get3A_588, %get3A_589, %get3A_590] {strides = array<i32>} : memref<64x4x128xf32, #tpu.memory_space<vmem>>, vector<16xf32>,
        %get3A_592 = arith.constant 62 : i32
        %get3A_593 = arith.index_cast %get3A_592 : i32 to index
        %get3A_594 = arith.index_cast %select_n3A_204 : i32 to index
        %get3A_595 = arith.index_cast %mul3A_222 : i32 to index
        %get3A_596 = tpu.vector_load %arg8[%get3A_593, %get3A_594, %get3A_595] {strides = array<i32>} : memref<64x4x128xf32, #tpu.memory_space<vmem>>, vector<16xf32>,
        %get3A_597 = arith.constant 63 : i32
        %get3A_598 = arith.index_cast %get3A_597 : i32 to index
        %get3A_599 = arith.index_cast %select_n3A_204 : i32 to index
        %get3A_600 = arith.index_cast %mul3A_222 : i32 to index
        %get3A_601 = tpu.vector_load %arg8[%get3A_598, %get3A_599, %get3A_600] {strides = array<i32>} : memref<64x4x128xf32, #tpu.memory_space<vmem>>, vector<16xf32>,
        %max3A_602 = arith.maximumf %get3A_526, %get3A_531 : vector<16xf32>
        %max3A_603 = arith.maximumf %get3A_536, %get3A_541 : vector<16xf32>
        %max3A_604 = arith.maximumf %get3A_546, %get3A_551 : vector<16xf32>
        %max3A_605 = arith.maximumf %get3A_556, %get3A_561 : vector<16xf32>
        %max3A_606 = arith.maximumf %get3A_566, %get3A_571 : vector<16xf32>
        %max3A_607 = arith.maximumf %get3A_576, %get3A_581 : vector<16xf32>
        %max3A_608 = arith.maximumf %get3A_586, %get3A_591 : vector<16xf32>
        %max3A_609 = arith.maximumf %get3A_596, %get3A_601 : vector<16xf32>
        %max3A_610 = arith.maximumf %max3A_602, %max3A_603 : vector<16xf32>
        %max3A_611 = arith.maximumf %max3A_604, %max3A_605 : vector<16xf32>
        %max3A_612 = arith.maximumf %max3A_606, %max3A_607 : vector<16xf32>
        %max3A_613 = arith.maximumf %max3A_608, %max3A_609 : vector<16xf32>
        %max3A_614 = arith.maximumf %max3A_610, %max3A_611 : vector<16xf32>
        %max3A_615 = arith.maximumf %max3A_612, %max3A_613 : vector<16xf32>
        %max3A_616 = arith.maximumf %max3A_614, %max3A_615 : vector<16xf32>
        %swap3A_617 = arith.constant 3 : i32
        %swap3A_618 = arith.index_cast %swap3A_617 : i32 to index
        %swap3A_619 = arith.index_cast %select_n3A_204 : i32 to index
        %swap3A_620 = arith.index_cast %mul3A_222 : i32 to index
        %swap3A_621 = tpu.vector_load %arg10[%swap3A_618, %swap3A_619, %swap3A_620] {strides = array<i32>} : memref<4x4x128xf32, #tpu.memory_space<vmem>>, vector<16xf32>,
        tpu.vector_store %arg10[%swap3A_618, %swap3A_619, %swap3A_620], %max3A_616 {strides = array<i32>} : memref<4x4x128xf32, #tpu.memory_space<vmem>>, vector<16xf32>,
        %scan3A_622 = arith.constant 0 : i32
        scf.yield %scan3A_622 : i32
      }
      %scan3A_130 = arith.constant 32 : i32
      %mul3A_131 = arith.constant 4 : i32
      %mul3A_132 = arith.muli %mul3A_116, %mul3A_131 : i32
      %add3A_133 = arith.addi %select_n3A_6, %mul3A_132 : i32
      %dma_start3A_134 = arith.constant 0 : i32
      %dma_start3A_135 = arith.constant 0 : i32
      %dma_start3A_136 = tpu.memref_slice %arg4[%add3A_133, %dma_start3A_134, %dma_start3A_135] : memref<25600x4x128xf32, #tpu.memory_space<hbm>> -> memref<4x4x128xf32, #tpu.memory_space<hbm>>
      %dma_start3A_137 = arith.constant 0 : i32
      %dma_start3A_138 = arith.constant 0 : i32
      %dma_start3A_139 = tpu.memref_slice %arg4[%add3A_133, %dma_start3A_137, %dma_start3A_138] : memref<25600x4x128xf32, #tpu.memory_space<hbm>> -> memref<4x4x128xf32, #tpu.memory_space<hbm>>
      tpu.enqueue_dma source(%arg10 : memref<4x4x128xf32, #tpu.memory_space<vmem>>) target(%dma_start3A_139 : memref<4x4x128xf32, #tpu.memory_space<hbm>>) target_semaphore(%arg14 : memref<!tpu.dma_semaphore, #tpu.memory_space<semaphore_mem>>)
      %add3A_140 = arith.constant 2 : i32
      %add3A_141 = arith.addi %mul3A_116, %add3A_140 : i32
      %lt3A = arith.cmpi slt, %add3A_141, %select_n3A_24 : i32
      %convert_element_type3A_142 = arith.extui %lt3A : i1 to i32
      %cond3A_143 = arith.constant 0 : i32
      %cond3A_144 = arith.cmpi ne, %convert_element_type3A_142, %cond3A_143 : i32
      scf.if %cond3A_144 {
        %add3A_179 = arith.constant 2 : i32
        %add3A_180 = arith.addi %mul3A_116, %add3A_179 : i32
        %mul3A_181 = arith.constant 64 : i32
        %mul3A_182 = arith.muli %add3A_180, %mul3A_181 : i32
        %add3A_183 = arith.constant 0 : i32
        %add3A_184 = arith.addi %mul3A_182, %add3A_183 : i32
        %get3A_185 = arith.index_cast %add3A_184 : i32 to index
        %get3A_186 = tpu.vector_load %arg5[%get3A_185] {strides = array<i32>} : memref<16384xi32, #tpu.memory_space<vmem>>, vector<16xi32>,
        %swap3A_187 = arith.constant 0 : index
        %swap3A_188 = tpu.vector_load %arg6[%swap3A_187] {strides = array<i32>} : memref<64xi32, #tpu.memory_space<vmem>>, vector<16xi32>,
        tpu.vector_store %arg6[%swap3A_187], %get3A_186 {strides = array<i32>} : memref<64xi32, #tpu.memory_space<vmem>>, vector<16xi32>,
        %mul3A_189 = arith.constant 64 : i32
        %mul3A_190 = arith.muli %add3A_180, %mul3A_189 : i32
        %add3A_191 = arith.constant 16 : i32
        %add3A_192 = arith.addi %mul3A_190, %add3A_191 : i32
        %get3A_193 = arith.index_cast %add3A_192 : i32 to index
        %get3A_194 = tpu.vector_load %arg5[%get3A_193] {strides = array<i32>} : memref<16384xi32, #tpu.memory_space<vmem>>, vector<16xi32>,
        %swap3A_195 = arith.constant 16 : index
        %swap3A_196 = tpu.vector_load %arg6[%swap3A_195] {strides = array<i32>} : memref<64xi32, #tpu.memory_space<vmem>>, vector<16xi32>,
        tpu.vector_store %arg6[%swap3A_195], %get3A_194 {strides = array<i32>} : memref<64xi32, #tpu.memory_space<vmem>>, vector<16xi32>,
        %mul3A_197 = arith.constant 64 : i32
        %mul3A_198 = arith.muli %add3A_180, %mul3A_197 : i32
        %add3A_199 = arith.constant 32 : i32
        %add3A_200 = arith.addi %mul3A_198, %add3A_199 : i32
        %get3A_201 = arith.index_cast %add3A_200 : i32 to index
        %get3A_202 = tpu.vector_load %arg5[%get3A_201] {strides = array<i32>} : memref<16384xi32, #tpu.memory_space<vmem>>, vector<16xi32>,
        %swap3A_203 = arith.constant 32 : index
        %swap3A_204 = tpu.vector_load %arg6[%swap3A_203] {strides = array<i32>} : memref<64xi32, #tpu.memory_space<vmem>>, vector<16xi32>,
        tpu.vector_store %arg6[%swap3A_203], %get3A_202 {strides = array<i32>} : memref<64xi32, #tpu.memory_space<vmem>>, vector<16xi32>,
        %mul3A_205 = arith.constant 64 : i32
        %mul3A_206 = arith.muli %add3A_180, %mul3A_205 : i32
        %add3A_207 = arith.constant 48 : i32
        %add3A_208 = arith.addi %mul3A_206, %add3A_207 : i32
        %get3A_209 = arith.index_cast %add3A_208 : i32 to index
        %get3A_210 = tpu.vector_load %arg5[%get3A_209] {strides = array<i32>} : memref<16384xi32, #tpu.memory_space<vmem>>, vector<16xi32>,
        %swap3A_211 = arith.constant 48 : index
        %swap3A_212 = tpu.vector_load %arg6[%swap3A_211] {strides = array<i32>} : memref<64xi32, #tpu.memory_space<vmem>>, vector<16xi32>,
        tpu.vector_store %arg6[%swap3A_211], %get3A_210 {strides = array<i32>} : memref<64xi32, #tpu.memory_space<vmem>>, vector<16xi32>,
        %dma_start3A_213 = arith.constant 0 : i32
        %dma_start3A_214 = arith.constant 0 : i32
        %dma_start3A_215 = arith.constant 0 : i32
        %dma_start3A_216 = tpu.memref_slice %arg2[%dma_start3A_213, %dma_start3A_214, %dma_start3A_215] : memref<100000x4x128xf32, #tpu.memory_space<hbm>> -> memref<100000x4x128xf32, #tpu.memory_space<hbm>>
        tpu.enqueue_indirect_dma source(%dma_start3A_216 : memref<100000x4x128xf32, #tpu.memory_space<hbm>>) target(%arg8 : memref<64x4x128xf32, #tpu.memory_space<vmem>>) offsets(%arg6 : memref<64xi32, #tpu.memory_space<vmem>>) semaphore(%arg12 : memref<!tpu.dma_semaphore, #tpu.memory_space<semaphore_mem>>)
      } else {
      }
      %dma_wait3A_145 = arith.constant 0 : i32
      %dma_wait3A_146 = arith.constant 0 : i32
      %dma_wait3A_147 = arith.constant 0 : i32
      %dma_wait3A_148 = tpu.memref_slice %arg2[%dma_wait3A_145, %dma_wait3A_146, %dma_wait3A_147] : memref<100000x4x128xf32, #tpu.memory_space<hbm>> -> memref<100000x4x128xf32, #tpu.memory_space<hbm>>
      tpu.wait_indirect_dma semaphore(%arg13 : memref<!tpu.dma_semaphore, #tpu.memory_space<semaphore_mem>>) src(%dma_wait3A_148 : memref<100000x4x128xf32, #tpu.memory_space<hbm>>) dst(%arg9 : memref<64x4x128xf32, #tpu.memory_space<vmem>>)
      %gt3A_149 = arith.constant 0 : i32
      %gt3A_150 = arith.cmpi sgt, %while3A_113, %gt3A_149 : i32
      %convert_element_type3A_151 = arith.extui %gt3A_150 : i1 to i32
      %cond3A_152 = arith.constant 0 : i32
      %cond3A_153 = arith.cmpi ne, %convert_element_type3A_151, %cond3A_152 : i32
      scf.if %cond3A_153 {
        %dma_wait3A_179 = arith.constant 0 : i32
        %dma_wait3A_180 = arith.constant 0 : i32
        %dma_wait3A_181 = tpu.memref_slice %arg4[%select_n3A_6, %dma_wait3A_179, %dma_wait3A_180] : memref<25600x4x128xf32, #tpu.memory_space<hbm>> -> memref<4x4x128xf32, #tpu.memory_space<hbm>>
        %dma_wait3A_182 = arith.constant 0 : i32
        %dma_wait3A_183 = arith.constant 0 : i32
        %dma_wait3A_184 = tpu.memref_slice %arg4[%select_n3A_6, %dma_wait3A_182, %dma_wait3A_183] : memref<25600x4x128xf32, #tpu.memory_space<hbm>> -> memref<4x4x128xf32, #tpu.memory_space<hbm>>
        tpu.wait_dma2 semaphore(%arg15 : memref<!tpu.dma_semaphore, #tpu.memory_space<semaphore_mem>>) src(%arg11 : memref<4x4x128xf32, #tpu.memory_space<vmem>>) dst(%dma_wait3A_184 : memref<4x4x128xf32, #tpu.memory_space<hbm>>)
      } else {
      }
      %scan3A_154 = arith.constant 0 : i32
      %scan3A_155 = arith.constant 0 : i32
      %scan3A_156 = arith.constant 32 : i32
      %scan3A_157 = arith.addi %scan3A_155, %scan3A_156 : i32
      %scan3A_158 = arith.constant 1 : i32
      %scan3A_159 = scf.for %scan3A_179 = %scan3A_155 to %scan3A_157 step %scan3A_158 iter_args(%scan3A_180 = %scan3A_154) -> (i32)  : i32 {
        %jit3A_181 = arith.constant 8 : i32
        %div3A_182 = arith.divsi %scan3A_179, %jit3A_181 : i32
        %sign3A_183 = arith.constant 0 : i32
        %sign3A_184 = arith.cmpi sgt, %scan3A_179, %sign3A_183 : i32
        %sign3A_185 = arith.extui %sign3A_184 : i1 to i32
        %sign3A_186 = arith.constant 0 : i32
        %sign3A_187 = arith.cmpi slt, %scan3A_179, %sign3A_186 : i32
        %sign3A_188 = arith.extui %sign3A_187 : i1 to i32
        %sign3A_189 = arith.subi %sign3A_185, %sign3A_188 : i32
        %sign3A_190 = arith.constant 0 : i32
        %sign3A_191 = arith.cmpi sgt, %jit3A_181, %sign3A_190 : i32
        %sign3A_192 = arith.extui %sign3A_191 : i1 to i32
        %sign3A_193 = arith.constant 0 : i32
        %sign3A_194 = arith.cmpi slt, %jit3A_181, %sign3A_193 : i32
        %sign3A_195 = arith.extui %sign3A_194 : i1 to i32
        %sign3A_196 = arith.subi %sign3A_192, %sign3A_195 : i32
        %ne3A_197 = arith.cmpi ne, %sign3A_189, %sign3A_196 : i32
        %rem3A_198 = arith.remsi %scan3A_179, %jit3A_181 : i32
        %ne3A_199 = arith.constant 0 : i32
        %ne3A_200 = arith.cmpi ne, %rem3A_198, %ne3A_199 : i32
        %and3A_201 = arith.andi %ne3A_197, %ne3A_200 : i1
        %sub3A_202 = arith.constant 1 : i32
        %sub3A_203 = arith.subi %div3A_182, %sub3A_202 : i32
        %select_n3A_204 = arith.select %and3A_201, %sub3A_203, %div3A_182 : i32
        %jit3A_205 = arith.constant 8 : i32
        %eq3A_206 = arith.constant 0 : i32
        %eq3A_207 = arith.cmpi eq, %jit3A_205, %eq3A_206 : i32
        %jit3A_208 = arith.constant 1 : i32
        %select_n3A_209 = arith.select %eq3A_207, %jit3A_208, %jit3A_205 : i32
        %rem3A_210 = arith.remsi %scan3A_179, %select_n3A_209 : i32
        %ne3A_211 = arith.constant 0 : i32
        %ne3A_212 = arith.cmpi ne, %rem3A_210, %ne3A_211 : i32
        %lt3A_213 = arith.constant 0 : i32
        %lt3A_214 = arith.cmpi slt, %rem3A_210, %lt3A_213 : i32
        %lt3A_215 = arith.constant 0 : i32
        %lt3A_216 = arith.cmpi slt, %select_n3A_209, %lt3A_215 : i32
        %ne3A_217 = arith.xori %lt3A_214, %lt3A_216 : i1
        %and3A_218 = arith.andi %ne3A_217, %ne3A_212 : i1
        %add3A_219 = arith.addi %rem3A_210, %select_n3A_209 : i32
        %select_n3A_220 = arith.select %and3A_218, %add3A_219, %rem3A_210 : i32
        %mul3A_221 = arith.constant 16 : i32
        %mul3A_222 = arith.muli %select_n3A_220, %mul3A_221 : i32
        %get3A_223 = arith.constant 0 : i32
        %get3A_224 = arith.index_cast %get3A_223 : i32 to index
        %get3A_225 = arith.index_cast %select_n3A_204 : i32 to index
        %get3A_226 = arith.index_cast %mul3A_222 : i32 to index
        %get3A_227 = tpu.vector_load %arg9[%get3A_224, %get3A_225, %get3A_226] {strides = array<i32>} : memref<64x4x128xf32, #tpu.memory_space<vmem>>, vector<16xf32>,
        %get3A_228 = arith.constant 1 : i32
        %get3A_229 = arith.index_cast %get3A_228 : i32 to index
        %get3A_230 = arith.index_cast %select_n3A_204 : i32 to index
        %get3A_231 = arith.index_cast %mul3A_222 : i32 to index
        %get3A_232 = tpu.vector_load %arg9[%get3A_229, %get3A_230, %get3A_231] {strides = array<i32>} : memref<64x4x128xf32, #tpu.memory_space<vmem>>, vector<16xf32>,
        %get3A_233 = arith.constant 2 : i32
        %get3A_234 = arith.index_cast %get3A_233 : i32 to index
        %get3A_235 = arith.index_cast %select_n3A_204 : i32 to index
        %get3A_236 = arith.index_cast %mul3A_222 : i32 to index
        %get3A_237 = tpu.vector_load %arg9[%get3A_234, %get3A_235, %get3A_236] {strides = array<i32>} : memref<64x4x128xf32, #tpu.memory_space<vmem>>, vector<16xf32>,
        %get3A_238 = arith.constant 3 : i32
        %get3A_239 = arith.index_cast %get3A_238 : i32 to index
        %get3A_240 = arith.index_cast %select_n3A_204 : i32 to index
        %get3A_241 = arith.index_cast %mul3A_222 : i32 to index
        %get3A_242 = tpu.vector_load %arg9[%get3A_239, %get3A_240, %get3A_241] {strides = array<i32>} : memref<64x4x128xf32, #tpu.memory_space<vmem>>, vector<16xf32>,
        %get3A_243 = arith.constant 4 : i32
        %get3A_244 = arith.index_cast %get3A_243 : i32 to index
        %get3A_245 = arith.index_cast %select_n3A_204 : i32 to index
        %get3A_246 = arith.index_cast %mul3A_222 : i32 to index
        %get3A_247 = tpu.vector_load %arg9[%get3A_244, %get3A_245, %get3A_246] {strides = array<i32>} : memref<64x4x128xf32, #tpu.memory_space<vmem>>, vector<16xf32>,
        %get3A_248 = arith.constant 5 : i32
        %get3A_249 = arith.index_cast %get3A_248 : i32 to index
        %get3A_250 = arith.index_cast %select_n3A_204 : i32 to index
        %get3A_251 = arith.index_cast %mul3A_222 : i32 to index
        %get3A_252 = tpu.vector_load %arg9[%get3A_249, %get3A_250, %get3A_251] {strides = array<i32>} : memref<64x4x128xf32, #tpu.memory_space<vmem>>, vector<16xf32>,
        %get3A_253 = arith.constant 6 : i32
        %get3A_254 = arith.index_cast %get3A_253 : i32 to index
        %get3A_255 = arith.index_cast %select_n3A_204 : i32 to index
        %get3A_256 = arith.index_cast %mul3A_222 : i32 to index
        %get3A_257 = tpu.vector_load %arg9[%get3A_254, %get3A_255, %get3A_256] {strides = array<i32>} : memref<64x4x128xf32, #tpu.memory_space<vmem>>, vector<16xf32>,
        %get3A_258 = arith.constant 7 : i32
        %get3A_259 = arith.index_cast %get3A_258 : i32 to index
        %get3A_260 = arith.index_cast %select_n3A_204 : i32 to index
        %get3A_261 = arith.index_cast %mul3A_222 : i32 to index
        %get3A_262 = tpu.vector_load %arg9[%get3A_259, %get3A_260, %get3A_261] {strides = array<i32>} : memref<64x4x128xf32, #tpu.memory_space<vmem>>, vector<16xf32>,
        %get3A_263 = arith.constant 8 : i32
        %get3A_264 = arith.index_cast %get3A_263 : i32 to index
        %get3A_265 = arith.index_cast %select_n3A_204 : i32 to index
        %get3A_266 = arith.index_cast %mul3A_222 : i32 to index
        %get3A_267 = tpu.vector_load %arg9[%get3A_264, %get3A_265, %get3A_266] {strides = array<i32>} : memref<64x4x128xf32, #tpu.memory_space<vmem>>, vector<16xf32>,
        %get3A_268 = arith.constant 9 : i32
        %get3A_269 = arith.index_cast %get3A_268 : i32 to index
        %get3A_270 = arith.index_cast %select_n3A_204 : i32 to index
        %get3A_271 = arith.index_cast %mul3A_222 : i32 to index
        %get3A_272 = tpu.vector_load %arg9[%get3A_269, %get3A_270, %get3A_271] {strides = array<i32>} : memref<64x4x128xf32, #tpu.memory_space<vmem>>, vector<16xf32>,
        %get3A_273 = arith.constant 10 : i32
        %get3A_274 = arith.index_cast %get3A_273 : i32 to index
        %get3A_275 = arith.index_cast %select_n3A_204 : i32 to index
        %get3A_276 = arith.index_cast %mul3A_222 : i32 to index
        %get3A_277 = tpu.vector_load %arg9[%get3A_274, %get3A_275, %get3A_276] {strides = array<i32>} : memref<64x4x128xf32, #tpu.memory_space<vmem>>, vector<16xf32>,
        %get3A_278 = arith.constant 11 : i32
        %get3A_279 = arith.index_cast %get3A_278 : i32 to index
        %get3A_280 = arith.index_cast %select_n3A_204 : i32 to index
        %get3A_281 = arith.index_cast %mul3A_222 : i32 to index
        %get3A_282 = tpu.vector_load %arg9[%get3A_279, %get3A_280, %get3A_281] {strides = array<i32>} : memref<64x4x128xf32, #tpu.memory_space<vmem>>, vector<16xf32>,
        %get3A_283 = arith.constant 12 : i32
        %get3A_284 = arith.index_cast %get3A_283 : i32 to index
        %get3A_285 = arith.index_cast %select_n3A_204 : i32 to index
        %get3A_286 = arith.index_cast %mul3A_222 : i32 to index
        %get3A_287 = tpu.vector_load %arg9[%get3A_284, %get3A_285, %get3A_286] {strides = array<i32>} : memref<64x4x128xf32, #tpu.memory_space<vmem>>, vector<16xf32>,
        %get3A_288 = arith.constant 13 : i32
        %get3A_289 = arith.index_cast %get3A_288 : i32 to index
        %get3A_290 = arith.index_cast %select_n3A_204 : i32 to index
        %get3A_291 = arith.index_cast %mul3A_222 : i32 to index
        %get3A_292 = tpu.vector_load %arg9[%get3A_289, %get3A_290, %get3A_291] {strides = array<i32>} : memref<64x4x128xf32, #tpu.memory_space<vmem>>, vector<16xf32>,
        %get3A_293 = arith.constant 14 : i32
        %get3A_294 = arith.index_cast %get3A_293 : i32 to index
        %get3A_295 = arith.index_cast %select_n3A_204 : i32 to index
        %get3A_296 = arith.index_cast %mul3A_222 : i32 to index
        %get3A_297 = tpu.vector_load %arg9[%get3A_294, %get3A_295, %get3A_296] {strides = array<i32>} : memref<64x4x128xf32, #tpu.memory_space<vmem>>, vector<16xf32>,
        %get3A_298 = arith.constant 15 : i32
        %get3A_299 = arith.index_cast %get3A_298 : i32 to index
        %get3A_300 = arith.index_cast %select_n3A_204 : i32 to index
        %get3A_301 = arith.index_cast %mul3A_222 : i32 to index
        %get3A_302 = tpu.vector_load %arg9[%get3A_299, %get3A_300, %get3A_301] {strides = array<i32>} : memref<64x4x128xf32, #tpu.memory_space<vmem>>, vector<16xf32>,
        %max3A = arith.maximumf %get3A_227, %get3A_232 : vector<16xf32>
        %max3A_303 = arith.maximumf %get3A_237, %get3A_242 : vector<16xf32>
        %max3A_304 = arith.maximumf %get3A_247, %get3A_252 : vector<16xf32>
        %max3A_305 = arith.maximumf %get3A_257, %get3A_262 : vector<16xf32>
        %max3A_306 = arith.maximumf %get3A_267, %get3A_272 : vector<16xf32>
        %max3A_307 = arith.maximumf %get3A_277, %get3A_282 : vector<16xf32>
        %max3A_308 = arith.maximumf %get3A_287, %get3A_292 : vector<16xf32>
        %max3A_309 = arith.maximumf %get3A_297, %get3A_302 : vector<16xf32>
        %max3A_310 = arith.maximumf %max3A, %max3A_303 : vector<16xf32>
        %max3A_311 = arith.maximumf %max3A_304, %max3A_305 : vector<16xf32>
        %max3A_312 = arith.maximumf %max3A_306, %max3A_307 : vector<16xf32>
        %max3A_313 = arith.maximumf %max3A_308, %max3A_309 : vector<16xf32>
        %max3A_314 = arith.maximumf %max3A_310, %max3A_311 : vector<16xf32>
        %max3A_315 = arith.maximumf %max3A_312, %max3A_313 : vector<16xf32>
        %max3A_316 = arith.maximumf %max3A_314, %max3A_315 : vector<16xf32>
        %swap3A_317 = arith.constant 0 : i32
        %swap3A_318 = arith.index_cast %swap3A_317 : i32 to index
        %swap3A_319 = arith.index_cast %select_n3A_204 : i32 to index
        %swap3A_320 = arith.index_cast %mul3A_222 : i32 to index
        %swap3A_321 = tpu.vector_load %arg11[%swap3A_318, %swap3A_319, %swap3A_320] {strides = array<i32>} : memref<4x4x128xf32, #tpu.memory_space<vmem>>, vector<16xf32>,
        tpu.vector_store %arg11[%swap3A_318, %swap3A_319, %swap3A_320], %max3A_316 {strides = array<i32>} : memref<4x4x128xf32, #tpu.memory_space<vmem>>, vector<16xf32>,
        %get3A_322 = arith.constant 16 : i32
        %get3A_323 = arith.index_cast %get3A_322 : i32 to index
        %get3A_324 = arith.index_cast %select_n3A_204 : i32 to index
        %get3A_325 = arith.index_cast %mul3A_222 : i32 to index
        %get3A_326 = tpu.vector_load %arg9[%get3A_323, %get3A_324, %get3A_325] {strides = array<i32>} : memref<64x4x128xf32, #tpu.memory_space<vmem>>, vector<16xf32>,
        %get3A_327 = arith.constant 17 : i32
        %get3A_328 = arith.index_cast %get3A_327 : i32 to index
        %get3A_329 = arith.index_cast %select_n3A_204 : i32 to index
        %get3A_330 = arith.index_cast %mul3A_222 : i32 to index
        %get3A_331 = tpu.vector_load %arg9[%get3A_328, %get3A_329, %get3A_330] {strides = array<i32>} : memref<64x4x128xf32, #tpu.memory_space<vmem>>, vector<16xf32>,
        %get3A_332 = arith.constant 18 : i32
        %get3A_333 = arith.index_cast %get3A_332 : i32 to index
        %get3A_334 = arith.index_cast %select_n3A_204 : i32 to index
        %get3A_335 = arith.index_cast %mul3A_222 : i32 to index
        %get3A_336 = tpu.vector_load %arg9[%get3A_333, %get3A_334, %get3A_335] {strides = array<i32>} : memref<64x4x128xf32, #tpu.memory_space<vmem>>, vector<16xf32>,
        %get3A_337 = arith.constant 19 : i32
        %get3A_338 = arith.index_cast %get3A_337 : i32 to index
        %get3A_339 = arith.index_cast %select_n3A_204 : i32 to index
        %get3A_340 = arith.index_cast %mul3A_222 : i32 to index
        %get3A_341 = tpu.vector_load %arg9[%get3A_338, %get3A_339, %get3A_340] {strides = array<i32>} : memref<64x4x128xf32, #tpu.memory_space<vmem>>, vector<16xf32>,
        %get3A_342 = arith.constant 20 : i32
        %get3A_343 = arith.index_cast %get3A_342 : i32 to index
        %get3A_344 = arith.index_cast %select_n3A_204 : i32 to index
        %get3A_345 = arith.index_cast %mul3A_222 : i32 to index
        %get3A_346 = tpu.vector_load %arg9[%get3A_343, %get3A_344, %get3A_345] {strides = array<i32>} : memref<64x4x128xf32, #tpu.memory_space<vmem>>, vector<16xf32>,
        %get3A_347 = arith.constant 21 : i32
        %get3A_348 = arith.index_cast %get3A_347 : i32 to index
        %get3A_349 = arith.index_cast %select_n3A_204 : i32 to index
        %get3A_350 = arith.index_cast %mul3A_222 : i32 to index
        %get3A_351 = tpu.vector_load %arg9[%get3A_348, %get3A_349, %get3A_350] {strides = array<i32>} : memref<64x4x128xf32, #tpu.memory_space<vmem>>, vector<16xf32>,
        %get3A_352 = arith.constant 22 : i32
        %get3A_353 = arith.index_cast %get3A_352 : i32 to index
        %get3A_354 = arith.index_cast %select_n3A_204 : i32 to index
        %get3A_355 = arith.index_cast %mul3A_222 : i32 to index
        %get3A_356 = tpu.vector_load %arg9[%get3A_353, %get3A_354, %get3A_355] {strides = array<i32>} : memref<64x4x128xf32, #tpu.memory_space<vmem>>, vector<16xf32>,
        %get3A_357 = arith.constant 23 : i32
        %get3A_358 = arith.index_cast %get3A_357 : i32 to index
        %get3A_359 = arith.index_cast %select_n3A_204 : i32 to index
        %get3A_360 = arith.index_cast %mul3A_222 : i32 to index
        %get3A_361 = tpu.vector_load %arg9[%get3A_358, %get3A_359, %get3A_360] {strides = array<i32>} : memref<64x4x128xf32, #tpu.memory_space<vmem>>, vector<16xf32>,
        %get3A_362 = arith.constant 24 : i32
        %get3A_363 = arith.index_cast %get3A_362 : i32 to index
        %get3A_364 = arith.index_cast %select_n3A_204 : i32 to index
        %get3A_365 = arith.index_cast %mul3A_222 : i32 to index
        %get3A_366 = tpu.vector_load %arg9[%get3A_363, %get3A_364, %get3A_365] {strides = array<i32>} : memref<64x4x128xf32, #tpu.memory_space<vmem>>, vector<16xf32>,
        %get3A_367 = arith.constant 25 : i32
        %get3A_368 = arith.index_cast %get3A_367 : i32 to index
        %get3A_369 = arith.index_cast %select_n3A_204 : i32 to index
        %get3A_370 = arith.index_cast %mul3A_222 : i32 to index
        %get3A_371 = tpu.vector_load %arg9[%get3A_368, %get3A_369, %get3A_370] {strides = array<i32>} : memref<64x4x128xf32, #tpu.memory_space<vmem>>, vector<16xf32>,
        %get3A_372 = arith.constant 26 : i32
        %get3A_373 = arith.index_cast %get3A_372 : i32 to index
        %get3A_374 = arith.index_cast %select_n3A_204 : i32 to index
        %get3A_375 = arith.index_cast %mul3A_222 : i32 to index
        %get3A_376 = tpu.vector_load %arg9[%get3A_373, %get3A_374, %get3A_375] {strides = array<i32>} : memref<64x4x128xf32, #tpu.memory_space<vmem>>, vector<16xf32>,
        %get3A_377 = arith.constant 27 : i32
        %get3A_378 = arith.index_cast %get3A_377 : i32 to index
        %get3A_379 = arith.index_cast %select_n3A_204 : i32 to index
        %get3A_380 = arith.index_cast %mul3A_222 : i32 to index
        %get3A_381 = tpu.vector_load %arg9[%get3A_378, %get3A_379, %get3A_380] {strides = array<i32>} : memref<64x4x128xf32, #tpu.memory_space<vmem>>, vector<16xf32>,
        %get3A_382 = arith.constant 28 : i32
        %get3A_383 = arith.index_cast %get3A_382 : i32 to index
        %get3A_384 = arith.index_cast %select_n3A_204 : i32 to index
        %get3A_385 = arith.index_cast %mul3A_222 : i32 to index
        %get3A_386 = tpu.vector_load %arg9[%get3A_383, %get3A_384, %get3A_385] {strides = array<i32>} : memref<64x4x128xf32, #tpu.memory_space<vmem>>, vector<16xf32>,
        %get3A_387 = arith.constant 29 : i32
        %get3A_388 = arith.index_cast %get3A_387 : i32 to index
        %get3A_389 = arith.index_cast %select_n3A_204 : i32 to index
        %get3A_390 = arith.index_cast %mul3A_222 : i32 to index
        %get3A_391 = tpu.vector_load %arg9[%get3A_388, %get3A_389, %get3A_390] {strides = array<i32>} : memref<64x4x128xf32, #tpu.memory_space<vmem>>, vector<16xf32>,
        %get3A_392 = arith.constant 30 : i32
        %get3A_393 = arith.index_cast %get3A_392 : i32 to index
        %get3A_394 = arith.index_cast %select_n3A_204 : i32 to index
        %get3A_395 = arith.index_cast %mul3A_222 : i32 to index
        %get3A_396 = tpu.vector_load %arg9[%get3A_393, %get3A_394, %get3A_395] {strides = array<i32>} : memref<64x4x128xf32, #tpu.memory_space<vmem>>, vector<16xf32>,
        %get3A_397 = arith.constant 31 : i32
        %get3A_398 = arith.index_cast %get3A_397 : i32 to index
        %get3A_399 = arith.index_cast %select_n3A_204 : i32 to index
        %get3A_400 = arith.index_cast %mul3A_222 : i32 to index
        %get3A_401 = tpu.vector_load %arg9[%get3A_398, %get3A_399, %get3A_400] {strides = array<i32>} : memref<64x4x128xf32, #tpu.memory_space<vmem>>, vector<16xf32>,
        %max3A_402 = arith.maximumf %get3A_326, %get3A_331 : vector<16xf32>
        %max3A_403 = arith.maximumf %get3A_336, %get3A_341 : vector<16xf32>
        %max3A_404 = arith.maximumf %get3A_346, %get3A_351 : vector<16xf32>
        %max3A_405 = arith.maximumf %get3A_356, %get3A_361 : vector<16xf32>
        %max3A_406 = arith.maximumf %get3A_366, %get3A_371 : vector<16xf32>
        %max3A_407 = arith.maximumf %get3A_376, %get3A_381 : vector<16xf32>
        %max3A_408 = arith.maximumf %get3A_386, %get3A_391 : vector<16xf32>
        %max3A_409 = arith.maximumf %get3A_396, %get3A_401 : vector<16xf32>
        %max3A_410 = arith.maximumf %max3A_402, %max3A_403 : vector<16xf32>
        %max3A_411 = arith.maximumf %max3A_404, %max3A_405 : vector<16xf32>
        %max3A_412 = arith.maximumf %max3A_406, %max3A_407 : vector<16xf32>
        %max3A_413 = arith.maximumf %max3A_408, %max3A_409 : vector<16xf32>
        %max3A_414 = arith.maximumf %max3A_410, %max3A_411 : vector<16xf32>
        %max3A_415 = arith.maximumf %max3A_412, %max3A_413 : vector<16xf32>
        %max3A_416 = arith.maximumf %max3A_414, %max3A_415 : vector<16xf32>
        %swap3A_417 = arith.constant 1 : i32
        %swap3A_418 = arith.index_cast %swap3A_417 : i32 to index
        %swap3A_419 = arith.index_cast %select_n3A_204 : i32 to index
        %swap3A_420 = arith.index_cast %mul3A_222 : i32 to index
        %swap3A_421 = tpu.vector_load %arg11[%swap3A_418, %swap3A_419, %swap3A_420] {strides = array<i32>} : memref<4x4x128xf32, #tpu.memory_space<vmem>>, vector<16xf32>,
        tpu.vector_store %arg11[%swap3A_418, %swap3A_419, %swap3A_420], %max3A_416 {strides = array<i32>} : memref<4x4x128xf32, #tpu.memory_space<vmem>>, vector<16xf32>,
        %get3A_422 = arith.constant 32 : i32
        %get3A_423 = arith.index_cast %get3A_422 : i32 to index
        %get3A_424 = arith.index_cast %select_n3A_204 : i32 to index
        %get3A_425 = arith.index_cast %mul3A_222 : i32 to index
        %get3A_426 = tpu.vector_load %arg9[%get3A_423, %get3A_424, %get3A_425] {strides = array<i32>} : memref<64x4x128xf32, #tpu.memory_space<vmem>>, vector<16xf32>,
        %get3A_427 = arith.constant 33 : i32
        %get3A_428 = arith.index_cast %get3A_427 : i32 to index
        %get3A_429 = arith.index_cast %select_n3A_204 : i32 to index
        %get3A_430 = arith.index_cast %mul3A_222 : i32 to index
        %get3A_431 = tpu.vector_load %arg9[%get3A_428, %get3A_429, %get3A_430] {strides = array<i32>} : memref<64x4x128xf32, #tpu.memory_space<vmem>>, vector<16xf32>,
        %get3A_432 = arith.constant 34 : i32
        %get3A_433 = arith.index_cast %get3A_432 : i32 to index
        %get3A_434 = arith.index_cast %select_n3A_204 : i32 to index
        %get3A_435 = arith.index_cast %mul3A_222 : i32 to index
        %get3A_436 = tpu.vector_load %arg9[%get3A_433, %get3A_434, %get3A_435] {strides = array<i32>} : memref<64x4x128xf32, #tpu.memory_space<vmem>>, vector<16xf32>,
        %get3A_437 = arith.constant 35 : i32
        %get3A_438 = arith.index_cast %get3A_437 : i32 to index
        %get3A_439 = arith.index_cast %select_n3A_204 : i32 to index
        %get3A_440 = arith.index_cast %mul3A_222 : i32 to index
        %get3A_441 = tpu.vector_load %arg9[%get3A_438, %get3A_439, %get3A_440] {strides = array<i32>} : memref<64x4x128xf32, #tpu.memory_space<vmem>>, vector<16xf32>,
        %get3A_442 = arith.constant 36 : i32
        %get3A_443 = arith.index_cast %get3A_442 : i32 to index
        %get3A_444 = arith.index_cast %select_n3A_204 : i32 to index
        %get3A_445 = arith.index_cast %mul3A_222 : i32 to index
        %get3A_446 = tpu.vector_load %arg9[%get3A_443, %get3A_444, %get3A_445] {strides = array<i32>} : memref<64x4x128xf32, #tpu.memory_space<vmem>>, vector<16xf32>,
        %get3A_447 = arith.constant 37 : i32
        %get3A_448 = arith.index_cast %get3A_447 : i32 to index
        %get3A_449 = arith.index_cast %select_n3A_204 : i32 to index
        %get3A_450 = arith.index_cast %mul3A_222 : i32 to index
        %get3A_451 = tpu.vector_load %arg9[%get3A_448, %get3A_449, %get3A_450] {strides = array<i32>} : memref<64x4x128xf32, #tpu.memory_space<vmem>>, vector<16xf32>,
        %get3A_452 = arith.constant 38 : i32
        %get3A_453 = arith.index_cast %get3A_452 : i32 to index
        %get3A_454 = arith.index_cast %select_n3A_204 : i32 to index
        %get3A_455 = arith.index_cast %mul3A_222 : i32 to index
        %get3A_456 = tpu.vector_load %arg9[%get3A_453, %get3A_454, %get3A_455] {strides = array<i32>} : memref<64x4x128xf32, #tpu.memory_space<vmem>>, vector<16xf32>,
        %get3A_457 = arith.constant 39 : i32
        %get3A_458 = arith.index_cast %get3A_457 : i32 to index
        %get3A_459 = arith.index_cast %select_n3A_204 : i32 to index
        %get3A_460 = arith.index_cast %mul3A_222 : i32 to index
        %get3A_461 = tpu.vector_load %arg9[%get3A_458, %get3A_459, %get3A_460] {strides = array<i32>} : memref<64x4x128xf32, #tpu.memory_space<vmem>>, vector<16xf32>,
        %get3A_462 = arith.constant 40 : i32
        %get3A_463 = arith.index_cast %get3A_462 : i32 to index
        %get3A_464 = arith.index_cast %select_n3A_204 : i32 to index
        %get3A_465 = arith.index_cast %mul3A_222 : i32 to index
        %get3A_466 = tpu.vector_load %arg9[%get3A_463, %get3A_464, %get3A_465] {strides = array<i32>} : memref<64x4x128xf32, #tpu.memory_space<vmem>>, vector<16xf32>,
        %get3A_467 = arith.constant 41 : i32
        %get3A_468 = arith.index_cast %get3A_467 : i32 to index
        %get3A_469 = arith.index_cast %select_n3A_204 : i32 to index
        %get3A_470 = arith.index_cast %mul3A_222 : i32 to index
        %get3A_471 = tpu.vector_load %arg9[%get3A_468, %get3A_469, %get3A_470] {strides = array<i32>} : memref<64x4x128xf32, #tpu.memory_space<vmem>>, vector<16xf32>,
        %get3A_472 = arith.constant 42 : i32
        %get3A_473 = arith.index_cast %get3A_472 : i32 to index
        %get3A_474 = arith.index_cast %select_n3A_204 : i32 to index
        %get3A_475 = arith.index_cast %mul3A_222 : i32 to index
        %get3A_476 = tpu.vector_load %arg9[%get3A_473, %get3A_474, %get3A_475] {strides = array<i32>} : memref<64x4x128xf32, #tpu.memory_space<vmem>>, vector<16xf32>,
        %get3A_477 = arith.constant 43 : i32
        %get3A_478 = arith.index_cast %get3A_477 : i32 to index
        %get3A_479 = arith.index_cast %select_n3A_204 : i32 to index
        %get3A_480 = arith.index_cast %mul3A_222 : i32 to index
        %get3A_481 = tpu.vector_load %arg9[%get3A_478, %get3A_479, %get3A_480] {strides = array<i32>} : memref<64x4x128xf32, #tpu.memory_space<vmem>>, vector<16xf32>,
        %get3A_482 = arith.constant 44 : i32
        %get3A_483 = arith.index_cast %get3A_482 : i32 to index
        %get3A_484 = arith.index_cast %select_n3A_204 : i32 to index
        %get3A_485 = arith.index_cast %mul3A_222 : i32 to index
        %get3A_486 = tpu.vector_load %arg9[%get3A_483, %get3A_484, %get3A_485] {strides = array<i32>} : memref<64x4x128xf32, #tpu.memory_space<vmem>>, vector<16xf32>,
        %get3A_487 = arith.constant 45 : i32
        %get3A_488 = arith.index_cast %get3A_487 : i32 to index
        %get3A_489 = arith.index_cast %select_n3A_204 : i32 to index
        %get3A_490 = arith.index_cast %mul3A_222 : i32 to index
        %get3A_491 = tpu.vector_load %arg9[%get3A_488, %get3A_489, %get3A_490] {strides = array<i32>} : memref<64x4x128xf32, #tpu.memory_space<vmem>>, vector<16xf32>,
        %get3A_492 = arith.constant 46 : i32
        %get3A_493 = arith.index_cast %get3A_492 : i32 to index
        %get3A_494 = arith.index_cast %select_n3A_204 : i32 to index
        %get3A_495 = arith.index_cast %mul3A_222 : i32 to index
        %get3A_496 = tpu.vector_load %arg9[%get3A_493, %get3A_494, %get3A_495] {strides = array<i32>} : memref<64x4x128xf32, #tpu.memory_space<vmem>>, vector<16xf32>,
        %get3A_497 = arith.constant 47 : i32
        %get3A_498 = arith.index_cast %get3A_497 : i32 to index
        %get3A_499 = arith.index_cast %select_n3A_204 : i32 to index
        %get3A_500 = arith.index_cast %mul3A_222 : i32 to index
        %get3A_501 = tpu.vector_load %arg9[%get3A_498, %get3A_499, %get3A_500] {strides = array<i32>} : memref<64x4x128xf32, #tpu.memory_space<vmem>>, vector<16xf32>,
        %max3A_502 = arith.maximumf %get3A_426, %get3A_431 : vector<16xf32>
        %max3A_503 = arith.maximumf %get3A_436, %get3A_441 : vector<16xf32>
        %max3A_504 = arith.maximumf %get3A_446, %get3A_451 : vector<16xf32>
        %max3A_505 = arith.maximumf %get3A_456, %get3A_461 : vector<16xf32>
        %max3A_506 = arith.maximumf %get3A_466, %get3A_471 : vector<16xf32>
        %max3A_507 = arith.maximumf %get3A_476, %get3A_481 : vector<16xf32>
        %max3A_508 = arith.maximumf %get3A_486, %get3A_491 : vector<16xf32>
        %max3A_509 = arith.maximumf %get3A_496, %get3A_501 : vector<16xf32>
        %max3A_510 = arith.maximumf %max3A_502, %max3A_503 : vector<16xf32>
        %max3A_511 = arith.maximumf %max3A_504, %max3A_505 : vector<16xf32>
        %max3A_512 = arith.maximumf %max3A_506, %max3A_507 : vector<16xf32>
        %max3A_513 = arith.maximumf %max3A_508, %max3A_509 : vector<16xf32>
        %max3A_514 = arith.maximumf %max3A_510, %max3A_511 : vector<16xf32>
        %max3A_515 = arith.maximumf %max3A_512, %max3A_513 : vector<16xf32>
        %max3A_516 = arith.maximumf %max3A_514, %max3A_515 : vector<16xf32>
        %swap3A_517 = arith.constant 2 : i32
        %swap3A_518 = arith.index_cast %swap3A_517 : i32 to index
        %swap3A_519 = arith.index_cast %select_n3A_204 : i32 to index
        %swap3A_520 = arith.index_cast %mul3A_222 : i32 to index
        %swap3A_521 = tpu.vector_load %arg11[%swap3A_518, %swap3A_519, %swap3A_520] {strides = array<i32>} : memref<4x4x128xf32, #tpu.memory_space<vmem>>, vector<16xf32>,
        tpu.vector_store %arg11[%swap3A_518, %swap3A_519, %swap3A_520], %max3A_516 {strides = array<i32>} : memref<4x4x128xf32, #tpu.memory_space<vmem>>, vector<16xf32>,
        %get3A_522 = arith.constant 48 : i32
        %get3A_523 = arith.index_cast %get3A_522 : i32 to index
        %get3A_524 = arith.index_cast %select_n3A_204 : i32 to index
        %get3A_525 = arith.index_cast %mul3A_222 : i32 to index
        %get3A_526 = tpu.vector_load %arg9[%get3A_523, %get3A_524, %get3A_525] {strides = array<i32>} : memref<64x4x128xf32, #tpu.memory_space<vmem>>, vector<16xf32>,
        %get3A_527 = arith.constant 49 : i32
        %get3A_528 = arith.index_cast %get3A_527 : i32 to index
        %get3A_529 = arith.index_cast %select_n3A_204 : i32 to index
        %get3A_530 = arith.index_cast %mul3A_222 : i32 to index
        %get3A_531 = tpu.vector_load %arg9[%get3A_528, %get3A_529, %get3A_530] {strides = array<i32>} : memref<64x4x128xf32, #tpu.memory_space<vmem>>, vector<16xf32>,
        %get3A_532 = arith.constant 50 : i32
        %get3A_533 = arith.index_cast %get3A_532 : i32 to index
        %get3A_534 = arith.index_cast %select_n3A_204 : i32 to index
        %get3A_535 = arith.index_cast %mul3A_222 : i32 to index
        %get3A_536 = tpu.vector_load %arg9[%get3A_533, %get3A_534, %get3A_535] {strides = array<i32>} : memref<64x4x128xf32, #tpu.memory_space<vmem>>, vector<16xf32>,
        %get3A_537 = arith.constant 51 : i32
        %get3A_538 = arith.index_cast %get3A_537 : i32 to index
        %get3A_539 = arith.index_cast %select_n3A_204 : i32 to index
        %get3A_540 = arith.index_cast %mul3A_222 : i32 to index
        %get3A_541 = tpu.vector_load %arg9[%get3A_538, %get3A_539, %get3A_540] {strides = array<i32>} : memref<64x4x128xf32, #tpu.memory_space<vmem>>, vector<16xf32>,
        %get3A_542 = arith.constant 52 : i32
        %get3A_543 = arith.index_cast %get3A_542 : i32 to index
        %get3A_544 = arith.index_cast %select_n3A_204 : i32 to index
        %get3A_545 = arith.index_cast %mul3A_222 : i32 to index
        %get3A_546 = tpu.vector_load %arg9[%get3A_543, %get3A_544, %get3A_545] {strides = array<i32>} : memref<64x4x128xf32, #tpu.memory_space<vmem>>, vector<16xf32>,
        %get3A_547 = arith.constant 53 : i32
        %get3A_548 = arith.index_cast %get3A_547 : i32 to index
        %get3A_549 = arith.index_cast %select_n3A_204 : i32 to index
        %get3A_550 = arith.index_cast %mul3A_222 : i32 to index
        %get3A_551 = tpu.vector_load %arg9[%get3A_548, %get3A_549, %get3A_550] {strides = array<i32>} : memref<64x4x128xf32, #tpu.memory_space<vmem>>, vector<16xf32>,
        %get3A_552 = arith.constant 54 : i32
        %get3A_553 = arith.index_cast %get3A_552 : i32 to index
        %get3A_554 = arith.index_cast %select_n3A_204 : i32 to index
        %get3A_555 = arith.index_cast %mul3A_222 : i32 to index
        %get3A_556 = tpu.vector_load %arg9[%get3A_553, %get3A_554, %get3A_555] {strides = array<i32>} : memref<64x4x128xf32, #tpu.memory_space<vmem>>, vector<16xf32>,
        %get3A_557 = arith.constant 55 : i32
        %get3A_558 = arith.index_cast %get3A_557 : i32 to index
        %get3A_559 = arith.index_cast %select_n3A_204 : i32 to index
        %get3A_560 = arith.index_cast %mul3A_222 : i32 to index
        %get3A_561 = tpu.vector_load %arg9[%get3A_558, %get3A_559, %get3A_560] {strides = array<i32>} : memref<64x4x128xf32, #tpu.memory_space<vmem>>, vector<16xf32>,
        %get3A_562 = arith.constant 56 : i32
        %get3A_563 = arith.index_cast %get3A_562 : i32 to index
        %get3A_564 = arith.index_cast %select_n3A_204 : i32 to index
        %get3A_565 = arith.index_cast %mul3A_222 : i32 to index
        %get3A_566 = tpu.vector_load %arg9[%get3A_563, %get3A_564, %get3A_565] {strides = array<i32>} : memref<64x4x128xf32, #tpu.memory_space<vmem>>, vector<16xf32>,
        %get3A_567 = arith.constant 57 : i32
        %get3A_568 = arith.index_cast %get3A_567 : i32 to index
        %get3A_569 = arith.index_cast %select_n3A_204 : i32 to index
        %get3A_570 = arith.index_cast %mul3A_222 : i32 to index
        %get3A_571 = tpu.vector_load %arg9[%get3A_568, %get3A_569, %get3A_570] {strides = array<i32>} : memref<64x4x128xf32, #tpu.memory_space<vmem>>, vector<16xf32>,
        %get3A_572 = arith.constant 58 : i32
        %get3A_573 = arith.index_cast %get3A_572 : i32 to index
        %get3A_574 = arith.index_cast %select_n3A_204 : i32 to index
        %get3A_575 = arith.index_cast %mul3A_222 : i32 to index
        %get3A_576 = tpu.vector_load %arg9[%get3A_573, %get3A_574, %get3A_575] {strides = array<i32>} : memref<64x4x128xf32, #tpu.memory_space<vmem>>, vector<16xf32>,
        %get3A_577 = arith.constant 59 : i32
        %get3A_578 = arith.index_cast %get3A_577 : i32 to index
        %get3A_579 = arith.index_cast %select_n3A_204 : i32 to index
        %get3A_580 = arith.index_cast %mul3A_222 : i32 to index
        %get3A_581 = tpu.vector_load %arg9[%get3A_578, %get3A_579, %get3A_580] {strides = array<i32>} : memref<64x4x128xf32, #tpu.memory_space<vmem>>, vector<16xf32>,
        %get3A_582 = arith.constant 60 : i32
        %get3A_583 = arith.index_cast %get3A_582 : i32 to index
        %get3A_584 = arith.index_cast %select_n3A_204 : i32 to index
        %get3A_585 = arith.index_cast %mul3A_222 : i32 to index
        %get3A_586 = tpu.vector_load %arg9[%get3A_583, %get3A_584, %get3A_585] {strides = array<i32>} : memref<64x4x128xf32, #tpu.memory_space<vmem>>, vector<16xf32>,
        %get3A_587 = arith.constant 61 : i32
        %get3A_588 = arith.index_cast %get3A_587 : i32 to index
        %get3A_589 = arith.index_cast %select_n3A_204 : i32 to index
        %get3A_590 = arith.index_cast %mul3A_222 : i32 to index
        %get3A_591 = tpu.vector_load %arg9[%get3A_588, %get3A_589, %get3A_590] {strides = array<i32>} : memref<64x4x128xf32, #tpu.memory_space<vmem>>, vector<16xf32>,
        %get3A_592 = arith.constant 62 : i32
        %get3A_593 = arith.index_cast %get3A_592 : i32 to index
        %get3A_594 = arith.index_cast %select_n3A_204 : i32 to index
        %get3A_595 = arith.index_cast %mul3A_222 : i32 to index
        %get3A_596 = tpu.vector_load %arg9[%get3A_593, %get3A_594, %get3A_595] {strides = array<i32>} : memref<64x4x128xf32, #tpu.memory_space<vmem>>, vector<16xf32>,
        %get3A_597 = arith.constant 63 : i32
        %get3A_598 = arith.index_cast %get3A_597 : i32 to index
        %get3A_599 = arith.index_cast %select_n3A_204 : i32 to index
        %get3A_600 = arith.index_cast %mul3A_222 : i32 to index
        %get3A_601 = tpu.vector_load %arg9[%get3A_598, %get3A_599, %get3A_600] {strides = array<i32>} : memref<64x4x128xf32, #tpu.memory_space<vmem>>, vector<16xf32>,
        %max3A_602 = arith.maximumf %get3A_526, %get3A_531 : vector<16xf32>
        %max3A_603 = arith.maximumf %get3A_536, %get3A_541 : vector<16xf32>
        %max3A_604 = arith.maximumf %get3A_546, %get3A_551 : vector<16xf32>
        %max3A_605 = arith.maximumf %get3A_556, %get3A_561 : vector<16xf32>
        %max3A_606 = arith.maximumf %get3A_566, %get3A_571 : vector<16xf32>
        %max3A_607 = arith.maximumf %get3A_576, %get3A_581 : vector<16xf32>
        %max3A_608 = arith.maximumf %get3A_586, %get3A_591 : vector<16xf32>
        %max3A_609 = arith.maximumf %get3A_596, %get3A_601 : vector<16xf32>
        %max3A_610 = arith.maximumf %max3A_602, %max3A_603 : vector<16xf32>
        %max3A_611 = arith.maximumf %max3A_604, %max3A_605 : vector<16xf32>
        %max3A_612 = arith.maximumf %max3A_606, %max3A_607 : vector<16xf32>
        %max3A_613 = arith.maximumf %max3A_608, %max3A_609 : vector<16xf32>
        %max3A_614 = arith.maximumf %max3A_610, %max3A_611 : vector<16xf32>
        %max3A_615 = arith.maximumf %max3A_612, %max3A_613 : vector<16xf32>
        %max3A_616 = arith.maximumf %max3A_614, %max3A_615 : vector<16xf32>
        %swap3A_617 = arith.constant 3 : i32
        %swap3A_618 = arith.index_cast %swap3A_617 : i32 to index
        %swap3A_619 = arith.index_cast %select_n3A_204 : i32 to index
        %swap3A_620 = arith.index_cast %mul3A_222 : i32 to index
        %swap3A_621 = tpu.vector_load %arg11[%swap3A_618, %swap3A_619, %swap3A_620] {strides = array<i32>} : memref<4x4x128xf32, #tpu.memory_space<vmem>>, vector<16xf32>,
        tpu.vector_store %arg11[%swap3A_618, %swap3A_619, %swap3A_620], %max3A_616 {strides = array<i32>} : memref<4x4x128xf32, #tpu.memory_space<vmem>>, vector<16xf32>,
        %scan3A_622 = arith.constant 0 : i32
        scf.yield %scan3A_622 : i32
      }
      %scan3A_160 = arith.constant 32 : i32
      %add3A_161 = arith.constant 1 : i32
      %add3A_162 = arith.addi %mul3A_116, %add3A_161 : i32
      %mul3A_163 = arith.constant 4 : i32
      %mul3A_164 = arith.muli %add3A_162, %mul3A_163 : i32
      %add3A_165 = arith.addi %select_n3A_6, %mul3A_164 : i32
      %dma_start3A_166 = arith.constant 0 : i32
      %dma_start3A_167 = arith.constant 0 : i32
      %dma_start3A_168 = tpu.memref_slice %arg4[%add3A_165, %dma_start3A_166, %dma_start3A_167] : memref<25600x4x128xf32, #tpu.memory_space<hbm>> -> memref<4x4x128xf32, #tpu.memory_space<hbm>>
      %dma_start3A_169 = arith.constant 0 : i32
      %dma_start3A_170 = arith.constant 0 : i32
      %dma_start3A_171 = tpu.memref_slice %arg4[%add3A_165, %dma_start3A_169, %dma_start3A_170] : memref<25600x4x128xf32, #tpu.memory_space<hbm>> -> memref<4x4x128xf32, #tpu.memory_space<hbm>>
      tpu.enqueue_dma source(%arg11 : memref<4x4x128xf32, #tpu.memory_space<vmem>>) target(%dma_start3A_171 : memref<4x4x128xf32, #tpu.memory_space<hbm>>) target_semaphore(%arg15 : memref<!tpu.dma_semaphore, #tpu.memory_space<semaphore_mem>>)
      %add3A_172 = arith.constant 3 : i32
      %add3A_173 = arith.addi %mul3A_116, %add3A_172 : i32
      %lt3A_174 = arith.cmpi slt, %add3A_173, %select_n3A_24 : i32
      %convert_element_type3A_175 = arith.extui %lt3A_174 : i1 to i32
      %cond3A_176 = arith.constant 0 : i32
      %cond3A_177 = arith.cmpi ne, %convert_element_type3A_175, %cond3A_176 : i32
      scf.if %cond3A_177 {
        %add3A_179 = arith.constant 3 : i32
        %add3A_180 = arith.addi %mul3A_116, %add3A_179 : i32
        %mul3A_181 = arith.constant 64 : i32
        %mul3A_182 = arith.muli %add3A_180, %mul3A_181 : i32
        %add3A_183 = arith.constant 0 : i32
        %add3A_184 = arith.addi %mul3A_182, %add3A_183 : i32
        %get3A_185 = arith.index_cast %add3A_184 : i32 to index
        %get3A_186 = tpu.vector_load %arg5[%get3A_185] {strides = array<i32>} : memref<16384xi32, #tpu.memory_space<vmem>>, vector<16xi32>,
        %swap3A_187 = arith.constant 0 : index
        %swap3A_188 = tpu.vector_load %arg7[%swap3A_187] {strides = array<i32>} : memref<64xi32, #tpu.memory_space<vmem>>, vector<16xi32>,
        tpu.vector_store %arg7[%swap3A_187], %get3A_186 {strides = array<i32>} : memref<64xi32, #tpu.memory_space<vmem>>, vector<16xi32>,
        %mul3A_189 = arith.constant 64 : i32
        %mul3A_190 = arith.muli %add3A_180, %mul3A_189 : i32
        %add3A_191 = arith.constant 16 : i32
        %add3A_192 = arith.addi %mul3A_190, %add3A_191 : i32
        %get3A_193 = arith.index_cast %add3A_192 : i32 to index
        %get3A_194 = tpu.vector_load %arg5[%get3A_193] {strides = array<i32>} : memref<16384xi32, #tpu.memory_space<vmem>>, vector<16xi32>,
        %swap3A_195 = arith.constant 16 : index
        %swap3A_196 = tpu.vector_load %arg7[%swap3A_195] {strides = array<i32>} : memref<64xi32, #tpu.memory_space<vmem>>, vector<16xi32>,
        tpu.vector_store %arg7[%swap3A_195], %get3A_194 {strides = array<i32>} : memref<64xi32, #tpu.memory_space<vmem>>, vector<16xi32>,
        %mul3A_197 = arith.constant 64 : i32
        %mul3A_198 = arith.muli %add3A_180, %mul3A_197 : i32
        %add3A_199 = arith.constant 32 : i32
        %add3A_200 = arith.addi %mul3A_198, %add3A_199 : i32
        %get3A_201 = arith.index_cast %add3A_200 : i32 to index
        %get3A_202 = tpu.vector_load %arg5[%get3A_201] {strides = array<i32>} : memref<16384xi32, #tpu.memory_space<vmem>>, vector<16xi32>,
        %swap3A_203 = arith.constant 32 : index
        %swap3A_204 = tpu.vector_load %arg7[%swap3A_203] {strides = array<i32>} : memref<64xi32, #tpu.memory_space<vmem>>, vector<16xi32>,
        tpu.vector_store %arg7[%swap3A_203], %get3A_202 {strides = array<i32>} : memref<64xi32, #tpu.memory_space<vmem>>, vector<16xi32>,
        %mul3A_205 = arith.constant 64 : i32
        %mul3A_206 = arith.muli %add3A_180, %mul3A_205 : i32
        %add3A_207 = arith.constant 48 : i32
        %add3A_208 = arith.addi %mul3A_206, %add3A_207 : i32
        %get3A_209 = arith.index_cast %add3A_208 : i32 to index
        %get3A_210 = tpu.vector_load %arg5[%get3A_209] {strides = array<i32>} : memref<16384xi32, #tpu.memory_space<vmem>>, vector<16xi32>,
        %swap3A_211 = arith.constant 48 : index
        %swap3A_212 = tpu.vector_load %arg7[%swap3A_211] {strides = array<i32>} : memref<64xi32, #tpu.memory_space<vmem>>, vector<16xi32>,
        tpu.vector_store %arg7[%swap3A_211], %get3A_210 {strides = array<i32>} : memref<64xi32, #tpu.memory_space<vmem>>, vector<16xi32>,
        %dma_start3A_213 = arith.constant 0 : i32
        %dma_start3A_214 = arith.constant 0 : i32
        %dma_start3A_215 = arith.constant 0 : i32
        %dma_start3A_216 = tpu.memref_slice %arg2[%dma_start3A_213, %dma_start3A_214, %dma_start3A_215] : memref<100000x4x128xf32, #tpu.memory_space<hbm>> -> memref<100000x4x128xf32, #tpu.memory_space<hbm>>
        tpu.enqueue_indirect_dma source(%dma_start3A_216 : memref<100000x4x128xf32, #tpu.memory_space<hbm>>) target(%arg9 : memref<64x4x128xf32, #tpu.memory_space<vmem>>) offsets(%arg7 : memref<64xi32, #tpu.memory_space<vmem>>) semaphore(%arg13 : memref<!tpu.dma_semaphore, #tpu.memory_space<semaphore_mem>>)
      } else {
      }
      %while3A_178 = arith.constant 0 : i32
      scf.yield %while3A_178 : i32
    }
    %dma_wait3A = arith.constant 0 : i32
    %dma_wait3A_102 = arith.constant 0 : i32
    %dma_wait3A_103 = tpu.memref_slice %arg4[%select_n3A_6, %dma_wait3A, %dma_wait3A_102] : memref<25600x4x128xf32, #tpu.memory_space<hbm>> -> memref<4x4x128xf32, #tpu.memory_space<hbm>>
    %dma_wait3A_104 = arith.constant 0 : i32
    %dma_wait3A_105 = arith.constant 0 : i32
    %dma_wait3A_106 = tpu.memref_slice %arg4[%select_n3A_6, %dma_wait3A_104, %dma_wait3A_105] : memref<25600x4x128xf32, #tpu.memory_space<hbm>> -> memref<4x4x128xf32, #tpu.memory_space<hbm>>
    tpu.wait_dma2 semaphore(%arg14 : memref<!tpu.dma_semaphore, #tpu.memory_space<semaphore_mem>>) src(%arg10 : memref<4x4x128xf32, #tpu.memory_space<vmem>>) dst(%dma_wait3A_106 : memref<4x4x128xf32, #tpu.memory_space<hbm>>)
    %dma_wait3A_107 = arith.constant 0 : i32
    %dma_wait3A_108 = arith.constant 0 : i32
    %dma_wait3A_109 = tpu.memref_slice %arg4[%select_n3A_6, %dma_wait3A_107, %dma_wait3A_108] : memref<25600x4x128xf32, #tpu.memory_space<hbm>> -> memref<4x4x128xf32, #tpu.memory_space<hbm>>
    %dma_wait3A_110 = arith.constant 0 : i32
    %dma_wait3A_111 = arith.constant 0 : i32
    %dma_wait3A_112 = tpu.memref_slice %arg4[%select_n3A_6, %dma_wait3A_110, %dma_wait3A_111] : memref<25600x4x128xf32, #tpu.memory_space<hbm>> -> memref<4x4x128xf32, #tpu.memory_space<hbm>>
    tpu.wait_dma2 semaphore(%arg15 : memref<!tpu.dma_semaphore, #tpu.memory_space<semaphore_mem>>) src(%arg11 : memref<4x4x128xf32, #tpu.memory_space<vmem>>) dst(%dma_wait3A_112 : memref<4x4x128xf32, #tpu.memory_space<hbm>>)
    return
  }
}

module attributes {stable_mosaic.version = 14 : i64} {
  func.func @_mulT_body(%arg0: i32, %arg1: memref<4x1024x128xf32, #tpu.memory_space<vmem>>, %arg2: memref<1024x128xf32, #tpu.memory_space<vmem>>, %arg3: memref<1024x4x128xf32, #tpu.memory_space<vmem>>) attributes {dimension_semantics = [#tpu.dimension_semantics<arbitrary>], iteration_bounds = array<i64: 98>, scalar_prefetch = 0 : i64, scratch_operands = 0 : i64, tpu.core_type = #tpu.core_type<tc>, window_params = [{transform_indices = @transform_0, window_bounds = array<i64: 4, 1024, 128>}, {transform_indices = @transform_1, window_bounds = array<i64: 1024, 128>}, {transform_indices = @transform_2, window_bounds = array<i64: 1024, 4, 128>}]} {
    %get3A = arith.constant 0 : index
    %get3A_0 = arith.constant 0 : index
    %get3A_1 = vector.load %arg2[%get3A, %get3A_0] : memref<1024x128xf32, #tpu.memory_space<vmem>>, vector<1024x128xf32>
    %get3A_2 = arith.constant 0 : index
    %get3A_3 = arith.constant 0 : index
    %get3A_4 = arith.constant 0 : index
    %get3A_5 = vector.load %arg1[%get3A_2, %get3A_3, %get3A_4] : memref<4x1024x128xf32, #tpu.memory_space<vmem>>, vector<1x1024x128xf32>
    %get3A_6 = vector.shape_cast %get3A_5 : vector<1x1024x128xf32> to vector<1024x128xf32>
    %mul3A = arith.mulf %get3A_6, %get3A_1 : vector<1024x128xf32>
    %swap3A = arith.constant 0 : index
    %swap3A_7 = arith.constant 0 : index
    %swap3A_8 = arith.constant 0 : index
    %swap3A_9 = vector.load %arg3[%swap3A, %swap3A_7, %swap3A_8] : memref<1024x4x128xf32, #tpu.memory_space<vmem>>, vector<1024x1x128xf32>
    %swap3A_10 = vector.shape_cast %swap3A_9 : vector<1024x1x128xf32> to vector<1024x128xf32>
    %swap3A_11 = vector.shape_cast %mul3A : vector<1024x128xf32> to vector<1024x1x128xf32>
    tpu.vector_store %arg3[%swap3A, %swap3A_7, %swap3A_8], %swap3A_11 {strides = array<i32>} : memref<1024x4x128xf32, #tpu.memory_space<vmem>>, vector<1024x1x128xf32>,
    %get3A_12 = arith.constant 1 : index
    %get3A_13 = arith.constant 0 : index
    %get3A_14 = arith.constant 0 : index
    %get3A_15 = vector.load %arg1[%get3A_12, %get3A_13, %get3A_14] : memref<4x1024x128xf32, #tpu.memory_space<vmem>>, vector<1x1024x128xf32>
    %get3A_16 = vector.shape_cast %get3A_15 : vector<1x1024x128xf32> to vector<1024x128xf32>
    %mul3A_17 = arith.mulf %get3A_16, %get3A_1 : vector<1024x128xf32>
    %swap3A_18 = arith.constant 0 : index
    %swap3A_19 = arith.constant 1 : index
    %swap3A_20 = arith.constant 0 : index
    %swap3A_21 = vector.load %arg3[%swap3A_18, %swap3A_19, %swap3A_20] : memref<1024x4x128xf32, #tpu.memory_space<vmem>>, vector<1024x1x128xf32>
    %swap3A_22 = vector.shape_cast %swap3A_21 : vector<1024x1x128xf32> to vector<1024x128xf32>
    %swap3A_23 = vector.shape_cast %mul3A_17 : vector<1024x128xf32> to vector<1024x1x128xf32>
    tpu.vector_store %arg3[%swap3A_18, %swap3A_19, %swap3A_20], %swap3A_23 {strides = array<i32>} : memref<1024x4x128xf32, #tpu.memory_space<vmem>>, vector<1024x1x128xf32>,
    %get3A_24 = arith.constant 2 : index
    %get3A_25 = arith.constant 0 : index
    %get3A_26 = arith.constant 0 : index
    %get3A_27 = vector.load %arg1[%get3A_24, %get3A_25, %get3A_26] : memref<4x1024x128xf32, #tpu.memory_space<vmem>>, vector<1x1024x128xf32>
    %get3A_28 = vector.shape_cast %get3A_27 : vector<1x1024x128xf32> to vector<1024x128xf32>
    %mul3A_29 = arith.mulf %get3A_28, %get3A_1 : vector<1024x128xf32>
    %swap3A_30 = arith.constant 0 : index
    %swap3A_31 = arith.constant 2 : index
    %swap3A_32 = arith.constant 0 : index
    %swap3A_33 = vector.load %arg3[%swap3A_30, %swap3A_31, %swap3A_32] : memref<1024x4x128xf32, #tpu.memory_space<vmem>>, vector<1024x1x128xf32>
    %swap3A_34 = vector.shape_cast %swap3A_33 : vector<1024x1x128xf32> to vector<1024x128xf32>
    %swap3A_35 = vector.shape_cast %mul3A_29 : vector<1024x128xf32> to vector<1024x1x128xf32>
    tpu.vector_store %arg3[%swap3A_30, %swap3A_31, %swap3A_32], %swap3A_35 {strides = array<i32>} : memref<1024x4x128xf32, #tpu.memory_space<vmem>>, vector<1024x1x128xf32>,
    %get3A_36 = arith.constant 3 : index
    %get3A_37 = arith.constant 0 : index
    %get3A_38 = arith.constant 0 : index
    %get3A_39 = vector.load %arg1[%get3A_36, %get3A_37, %get3A_38] : memref<4x1024x128xf32, #tpu.memory_space<vmem>>, vector<1x1024x128xf32>
    %get3A_40 = vector.shape_cast %get3A_39 : vector<1x1024x128xf32> to vector<1024x128xf32>
    %mul3A_41 = arith.mulf %get3A_40, %get3A_1 : vector<1024x128xf32>
    %swap3A_42 = arith.constant 0 : index
    %swap3A_43 = arith.constant 3 : index
    %swap3A_44 = arith.constant 0 : index
    %swap3A_45 = vector.load %arg3[%swap3A_42, %swap3A_43, %swap3A_44] : memref<1024x4x128xf32, #tpu.memory_space<vmem>>, vector<1024x1x128xf32>
    %swap3A_46 = vector.shape_cast %swap3A_45 : vector<1024x1x128xf32> to vector<1024x128xf32>
    %swap3A_47 = vector.shape_cast %mul3A_41 : vector<1024x128xf32> to vector<1024x1x128xf32>
    tpu.vector_store %arg3[%swap3A_42, %swap3A_43, %swap3A_44], %swap3A_47 {strides = array<i32>} : memref<1024x4x128xf32, #tpu.memory_space<vmem>>, vector<1024x1x128xf32>,
    return
  }
  func.func @transform_0(%arg0: i32) -> (i32, i32, i32) {
    %c0_i32 = arith.constant 0 : i32
    %c0_i32_0 = arith.constant 0 : i32
    %c0_i32_1 = arith.constant 0 : i32
    return %c0_i32, %arg0, %c0_i32_0 : i32, i32, i32
  }
  func.func @transform_1(%arg0: i32) -> (i32, i32) {
    %c0_i32 = arith.constant 0 : i32
    %c0_i32_0 = arith.constant 0 : i32
    return %arg0, %c0_i32 : i32, i32
  }
  func.func @transform_2(%arg0: i32) -> (i32, i32, i32) {
    %c0_i32 = arith.constant 0 : i32
    %c0_i32_0 = arith.constant 0 : i32
    %c0_i32_1 = arith.constant 0 : i32
    return %arg0, %c0_i32, %c0_i32_0 : i32, i32, i32
  }
}

module attributes {stable_mosaic.version = 14 : i64} {
  func.func @_dot_body(%arg0: i32, %arg1: memref<1024x4x128xf32, #tpu.memory_space<vmem>>, %arg2: memref<128x128xf32, #tpu.memory_space<vmem>>, %arg3: memref<1x1024x128xf32, #tpu.memory_space<vmem>>, %arg4: memref<4x1024x128xf32, #tpu.memory_space<vmem>>) attributes {dimension_semantics = [#tpu.dimension_semantics<arbitrary>], iteration_bounds = array<i64: 25>, scalar_prefetch = 0 : i64, scratch_operands = 0 : i64, tpu.core_type = #tpu.core_type<tc>, window_params = [{transform_indices = @transform_0, window_bounds = array<i64: 1024, 4, 128>}, {pipeline_mode = #tpu.pipeline_mode<synchronous>, transform_indices = @transform_1, window_bounds = array<i64: 128, 128>}, {transform_indices = @transform_2, window_bounds = array<i64: 1, 1024, 128>}, {transform_indices = @transform_3, window_bounds = array<i64: 4, 1024, 128>}]} {
    %get3A = arith.constant 0 : index
    %get3A_0 = arith.constant 0 : index
    %get3A_1 = arith.constant 0 : index
    %get3A_2 = vector.load %arg3[%get3A, %get3A_0, %get3A_1] : memref<1x1024x128xf32, #tpu.memory_space<vmem>>, vector<1x1024x128xf32>
    %get3A_3 = vector.shape_cast %get3A_2 : vector<1x1024x128xf32> to vector<1024x128xf32>
    %get3A_4 = arith.constant 0 : index
    %get3A_5 = arith.constant 0 : index
    %get3A_6 = arith.constant 0 : index
    %get3A_7 = vector.load %arg1[%get3A_4, %get3A_5, %get3A_6] : memref<1024x4x128xf32, #tpu.memory_space<vmem>>, vector<1024x1x128xf32>
    %get3A_8 = vector.shape_cast %get3A_7 : vector<1024x1x128xf32> to vector<1024x128xf32>
    %get3A_9 = arith.constant 0 : index
    %get3A_10 = arith.constant 0 : index
    %get3A_11 = vector.load %arg2[%get3A_9, %get3A_10] : memref<128x128xf32, #tpu.memory_space<vmem>>, vector<128x128xf32>
    %dot_general3A = arith.constant dense<0.000000e+00> : vector<1024x128xf32>
    %dot_general3A_12 = tpu.matmul %get3A_8, %get3A_11, %dot_general3A {dimension_numbers = #tpu.dot_dimension_numbers<[1], [0], [0], [1], [0, 0, 1, 1], [], []>, transpose_lhs_hint = false} : vector<1024x128xf32>, vector<128x128xf32>, vector<1024x128xf32> -> vector<1024x128xf32>
    %add3A = arith.addf %dot_general3A_12, %get3A_3 : vector<1024x128xf32>
    %swap3A = arith.constant 0 : index
    %swap3A_13 = arith.constant 0 : index
    %swap3A_14 = arith.constant 0 : index
    %swap3A_15 = vector.load %arg4[%swap3A, %swap3A_13, %swap3A_14] : memref<4x1024x128xf32, #tpu.memory_space<vmem>>, vector<1x1024x128xf32>
    %swap3A_16 = vector.shape_cast %swap3A_15 : vector<1x1024x128xf32> to vector<1024x128xf32>
    %swap3A_17 = vector.shape_cast %add3A : vector<1024x128xf32> to vector<1x1024x128xf32>
    tpu.vector_store %arg4[%swap3A, %swap3A_13, %swap3A_14], %swap3A_17 {strides = array<i32>} : memref<4x1024x128xf32, #tpu.memory_space<vmem>>, vector<1x1024x128xf32>,
    %get3A_18 = arith.constant 0 : index
    %get3A_19 = arith.constant 1 : index
    %get3A_20 = arith.constant 0 : index
    %get3A_21 = vector.load %arg1[%get3A_18, %get3A_19, %get3A_20] : memref<1024x4x128xf32, #tpu.memory_space<vmem>>, vector<1024x1x128xf32>
    %get3A_22 = vector.shape_cast %get3A_21 : vector<1024x1x128xf32> to vector<1024x128xf32>
    %get3A_23 = arith.constant 0 : index
    %get3A_24 = arith.constant 0 : index
    %get3A_25 = vector.load %arg2[%get3A_23, %get3A_24] : memref<128x128xf32, #tpu.memory_space<vmem>>, vector<128x128xf32>
    %dot_general3A_26 = arith.constant dense<0.000000e+00> : vector<1024x128xf32>
    %dot_general3A_27 = tpu.matmul %get3A_22, %get3A_25, %dot_general3A_26 {dimension_numbers = #tpu.dot_dimension_numbers<[1], [0], [0], [1], [0, 0, 1, 1], [], []>, transpose_lhs_hint = false} : vector<1024x128xf32>, vector<128x128xf32>, vector<1024x128xf32> -> vector<1024x128xf32>
    %add3A_28 = arith.addf %dot_general3A_27, %get3A_3 : vector<1024x128xf32>
    %swap3A_29 = arith.constant 1 : index
    %swap3A_30 = arith.constant 0 : index
    %swap3A_31 = arith.constant 0 : index
    %swap3A_32 = vector.load %arg4[%swap3A_29, %swap3A_30, %swap3A_31] : memref<4x1024x128xf32, #tpu.memory_space<vmem>>, vector<1x1024x128xf32>
    %swap3A_33 = vector.shape_cast %swap3A_32 : vector<1x1024x128xf32> to vector<1024x128xf32>
    %swap3A_34 = vector.shape_cast %add3A_28 : vector<1024x128xf32> to vector<1x1024x128xf32>
    tpu.vector_store %arg4[%swap3A_29, %swap3A_30, %swap3A_31], %swap3A_34 {strides = array<i32>} : memref<4x1024x128xf32, #tpu.memory_space<vmem>>, vector<1x1024x128xf32>,
    %get3A_35 = arith.constant 0 : index
    %get3A_36 = arith.constant 2 : index
    %get3A_37 = arith.constant 0 : index
    %get3A_38 = vector.load %arg1[%get3A_35, %get3A_36, %get3A_37] : memref<1024x4x128xf32, #tpu.memory_space<vmem>>, vector<1024x1x128xf32>
    %get3A_39 = vector.shape_cast %get3A_38 : vector<1024x1x128xf32> to vector<1024x128xf32>
    %get3A_40 = arith.constant 0 : index
    %get3A_41 = arith.constant 0 : index
    %get3A_42 = vector.load %arg2[%get3A_40, %get3A_41] : memref<128x128xf32, #tpu.memory_space<vmem>>, vector<128x128xf32>
    %dot_general3A_43 = arith.constant dense<0.000000e+00> : vector<1024x128xf32>
    %dot_general3A_44 = tpu.matmul %get3A_39, %get3A_42, %dot_general3A_43 {dimension_numbers = #tpu.dot_dimension_numbers<[1], [0], [0], [1], [0, 0, 1, 1], [], []>, transpose_lhs_hint = false} : vector<1024x128xf32>, vector<128x128xf32>, vector<1024x128xf32> -> vector<1024x128xf32>
    %add3A_45 = arith.addf %dot_general3A_44, %get3A_3 : vector<1024x128xf32>
    %swap3A_46 = arith.constant 2 : index
    %swap3A_47 = arith.constant 0 : index
    %swap3A_48 = arith.constant 0 : index
    %swap3A_49 = vector.load %arg4[%swap3A_46, %swap3A_47, %swap3A_48] : memref<4x1024x128xf32, #tpu.memory_space<vmem>>, vector<1x1024x128xf32>
    %swap3A_50 = vector.shape_cast %swap3A_49 : vector<1x1024x128xf32> to vector<1024x128xf32>
    %swap3A_51 = vector.shape_cast %add3A_45 : vector<1024x128xf32> to vector<1x1024x128xf32>
    tpu.vector_store %arg4[%swap3A_46, %swap3A_47, %swap3A_48], %swap3A_51 {strides = array<i32>} : memref<4x1024x128xf32, #tpu.memory_space<vmem>>, vector<1x1024x128xf32>,
    %get3A_52 = arith.constant 0 : index
    %get3A_53 = arith.constant 3 : index
    %get3A_54 = arith.constant 0 : index
    %get3A_55 = vector.load %arg1[%get3A_52, %get3A_53, %get3A_54] : memref<1024x4x128xf32, #tpu.memory_space<vmem>>, vector<1024x1x128xf32>
    %get3A_56 = vector.shape_cast %get3A_55 : vector<1024x1x128xf32> to vector<1024x128xf32>
    %get3A_57 = arith.constant 0 : index
    %get3A_58 = arith.constant 0 : index
    %get3A_59 = vector.load %arg2[%get3A_57, %get3A_58] : memref<128x128xf32, #tpu.memory_space<vmem>>, vector<128x128xf32>
    %dot_general3A_60 = arith.constant dense<0.000000e+00> : vector<1024x128xf32>
    %dot_general3A_61 = tpu.matmul %get3A_56, %get3A_59, %dot_general3A_60 {dimension_numbers = #tpu.dot_dimension_numbers<[1], [0], [0], [1], [0, 0, 1, 1], [], []>, transpose_lhs_hint = false} : vector<1024x128xf32>, vector<128x128xf32>, vector<1024x128xf32> -> vector<1024x128xf32>
    %add3A_62 = arith.addf %dot_general3A_61, %get3A_3 : vector<1024x128xf32>
    %swap3A_63 = arith.constant 3 : index
    %swap3A_64 = arith.constant 0 : index
    %swap3A_65 = arith.constant 0 : index
    %swap3A_66 = vector.load %arg4[%swap3A_63, %swap3A_64, %swap3A_65] : memref<4x1024x128xf32, #tpu.memory_space<vmem>>, vector<1x1024x128xf32>
    %swap3A_67 = vector.shape_cast %swap3A_66 : vector<1x1024x128xf32> to vector<1024x128xf32>
    %swap3A_68 = vector.shape_cast %add3A_62 : vector<1024x128xf32> to vector<1x1024x128xf32>
    tpu.vector_store %arg4[%swap3A_63, %swap3A_64, %swap3A_65], %swap3A_68 {strides = array<i32>} : memref<4x1024x128xf32, #tpu.memory_space<vmem>>, vector<1x1024x128xf32>,
    return
  }
  func.func @transform_0(%arg0: i32) -> (i32, i32, i32) {
    %c0_i32 = arith.constant 0 : i32
    %c0_i32_0 = arith.constant 0 : i32
    %c0_i32_1 = arith.constant 0 : i32
    return %arg0, %c0_i32, %c0_i32_0 : i32, i32, i32
  }
  func.func @transform_1(%arg0: i32) -> (i32, i32) {
    %c0_i32 = arith.constant 0 : i32
    %c0_i32_0 = arith.constant 0 : i32
    %c0_i32_1 = arith.constant 0 : i32
    return %c0_i32, %c0_i32_0 : i32, i32
  }
  func.func @transform_2(%arg0: i32) -> (i32, i32, i32) {
    %c0_i32 = arith.constant 0 : i32
    %c0_i32_0 = arith.constant 0 : i32
    %c0_i32_1 = arith.constant 0 : i32
    return %c0_i32, %arg0, %c0_i32_0 : i32, i32, i32
  }
  func.func @transform_3(%arg0: i32) -> (i32, i32, i32) {
    %c0_i32 = arith.constant 0 : i32
    %c0_i32_0 = arith.constant 0 : i32
    %c0_i32_1 = arith.constant 0 : i32
    return %c0_i32, %arg0, %c0_i32_0 : i32, i32, i32
  }
}

</mosaic_0001>

<sc_bundles>
// kernel: kernel.5.cloned.1.call-start
scs
__scs_entry_jumppad:
0x0: {  	(pc) =	sbr.rel $0x88, $3  }
0x1: {  	(tag) =	ssettag $0x0;
	lr =	simm.s32 $0x1  }
0x2: {  	[smem:$0x3F9C] =	sst lr;
	_ =	strace $0xD0000000  }
0x3: {  	_ = 	snop  }
0x4: {  	_ = 	snop  }
0x5: {  	_ = 	snop  }
0x6: {  	_ = 	snop  }
0x7: {  	_ = 	snop  }
__scs_overlays_trampoline_lowered:
0x8: {  	[smem:$0x3FAB] =	sst s0  }
0x9: {  	[smem:$0x3FAC] =	sst s1  }
0xa: {  	[smem:$0x3FAD] =	sst s2  }
0xb: {  	[smem:$0x3FAE] =	sst s3  }
0xc: {  	[smem:$0x3FAF] =	sst s4  }
0xd: {  	[smem:$0x3FB0] =	sst s5  }
0xe: {  	[smem:$0x3FB1] =	sst s6  }
0xf: {  	[smem:$0x3FB2] =	sst s7  }
0x10: {  	[smem:$0x3FB3] =	sst s8  }
0x11: {  	[smem:$0x3FB4] =	sst s9;
	s0 =	simm.s32 @!p0 $0x0  }
0x12: {  	s1 =	sld [smem:$0x3F9A];
	s0 =	simm.s32 @p0 $0x1  }
0x13: {  	[smem:$0x3FB5] =	sst s0;
	s0 =	simm.s32 @!p1 $0x0  }
0x14: {  	s2 =	sld [smem:$0x3F99];
	s0 =	simm.s32 @p1 $0x1  }
0x15: {  	[smem:$0x3FB6] =	sst s0;
	s0 =	simm.s32 @!p2 $0x0  }
0x16: {  	s3 =	sld [smem:$0x3FDB];
	s0 =	simm.s32 @p2 $0x1  }
0x17: {  	s4 =	simm.s32 $0x1BF5;
	[smem:$0x3FB8] =	sst s0  }
0x18: {  	s0 =	sld [smem:$0x3F9B];
	_ =	swait.ge [sflag:s4], $0x0  }
0x19: {  	s7 =	sld [smem:$0x3F9C]  }
0x1a: {  	s8 =	sadd.s32 $0xFFFFE003, lr  }
0x1b: {  	s9 =	sadd.s32 $0xFFFFFEF7, lr;
	s5 =	simm.s32 $0xFFFFFFFF;
	p2 =	slt.u32 s8, $0xFFFFF086  }
0x1c: {  	p1 =	slt.u32 s9, $0xF7A;
	s5 =	simm.s32 @!p2 $0x0  }
0x1d: {  	s5 =	simm.s32 @p1 $0x1;
	p0 =	seq.s32 s7, s2  }
0x1e: {  	s7 =	smul.u32 @!p0 $0xF7A, s2;
	p2 =	seq.s32 @!p0 s5, $0x0  }
0x1f: {  	s9 =	smul.u32 $0xF7A, s1;
	s8 =	simm.s32 @!p0 $0x1BF5;
	p2 =	por !p2, p0  }
0x20: {  	[sflag:s8] =	ssyncset.s32 @!p0 $0xFFFFF086;
	s6 =	sadd.s32 @!p0 s3, s7;
	s7 =	simm.s32 @!p0 $0x108  }
0x21: {  	s3 =	sadd.s32 s3, s9;
	s6 =	sadd.s32 @!p0 $0x88, s6;
	s7 =	simm.s32 @p2 $0x1082  }
0x22: {  	[simem:s7], [sflag:s8] =	dma.local @!p0 [hbm:s6], $0xF7A  }
0x23: {  	s9 =	sor.u32 $0xD0000000, s2;
	s6 =	simm.s32 $0x108;
	_ =	swait.ge @!p0 [sflag:s8], $0x0  }
0x24: {  	s3 =	sadd.s32 $0x88, s3;
	s6 =	simm.s32 @!p1 $0x1082;
	[sflag:s4] =	ssyncset.s32 $0xFFFFF086  }
0x25: {  	[simem:s6], [sflag:s4] =	dma.local [hbm:s3], $0xF7A  }
0x26: {  	[smem:$0x3F9C] =	sst s1;
	(tag) =	ssettag s2;
	_ =	strace s9  }
0x27: {  	s1 =	sld [smem:$0x3FAC]  }
0x28: {  	s2 =	sld [smem:$0x3FAD]  }
0x29: {  	s4 =	sld [smem:$0x3FAF]  }
0x2a: {  	p0 =	seq.s32 s5, $0x0;
	s5 =	sld [smem:$0x3FB0]  }
0x2b: {  	s6 =	sld [smem:$0x3FB1]  }
0x2c: {  	s7 =	sld [smem:$0x3FB2]  }
0x2d: {  	s3 =	simm.s32 $0x108;
	s8 =	sld [smem:$0x3FB3]  }
0x2e: {  	s3 =	simm.s32 @!p0 $0x1082;
	s9 =	sld [smem:$0x3FB4]  }
0x2f: {  	lr =	sadd.s32 s0, s3;
	s0 =	sld [smem:$0x3FAB]  }
0x30: {  	s3 =	sld [smem:$0x3FAE]  }
0x31: {  	[smem:$0x3FB7] =	sst s10  }
0x32: {  	s10 =	sld [smem:$0x3FB5];
	_ =	sdelay $0x3  }
0x33: {  	p0 =	seq.s32 s10, $0x1;
	s10 =	sld [smem:$0x3FB7];
	_ =	sdelay $0x3  }
0x34: {  	[smem:$0x3FB7] =	sst s10  }
0x35: {  	s10 =	sld [smem:$0x3FB6];
	_ =	sdelay $0x3  }
0x36: {  	p1 =	seq.s32 s10, $0x1;
	s10 =	sld [smem:$0x3FB7];
	_ =	sdelay $0x3  }
0x37: {  	[smem:$0x3FB7] =	sst s10  }
0x38: {  	s10 =	sld [smem:$0x3FB8]  }
0x39: {  	_ = 	snop;
	(pc) =	sbr.ind lr, $3  }
0x3a: {  	_ = 	snop  }
0x3b: {  	_ = 	snop  }
0x3c: {  	p2 =	seq.s32 s10, $0x1;
	s10 =	sld [smem:$0x3FB7]  }
0x3d: {  	_ =	shalt  }
0x3e: {  	_ =	shalt  }
0x3f: {  	_ =	shalt  }
0x40: {  	_ =	shalt  }
0x41: {  	_ =	shalt  }
0x42: {  	_ =	shalt  }
0x43: {  	_ =	shalt  }
0x44: {  	_ =	shalt  }
0x45: {  	_ =	shalt  }
0x46: {  	_ =	shalt  }
0x47: {  	_ =	shalt  }
0x48: {  	_ =	shalt  }
0x49: {  	_ =	shalt  }
0x4a: {  	_ =	shalt  }
0x4b: {  	_ =	shalt  }
0x4c: {  	_ =	shalt  }
0x4d: {  	_ =	shalt  }
0x4e: {  	_ =	shalt  }
0x4f: {  	_ =	shalt  }
0x50: {  	_ =	shalt  }
0x51: {  	_ =	shalt  }
0x52: {  	_ =	shalt  }
0x53: {  	_ =	shalt  }
0x54: {  	_ =	shalt  }
0x55: {  	_ =	shalt  }
0x56: {  	_ =	shalt  }
0x57: {  	_ =	shalt  }
0x58: {  	_ =	shalt  }
0x59: {  	_ =	shalt  }
0x5a: {  	_ =	shalt  }
0x5b: {  	_ =	shalt  }
0x5c: {  	_ =	shalt  }
0x5d: {  	_ =	shalt  }
0x5e: {  	_ =	shalt  }
0x5f: {  	_ =	shalt  }
0x60: {  	_ =	shalt  }
0x61: {  	_ =	shalt  }
0x62: {  	_ =	shalt  }
0x63: {  	_ =	shalt  }
0x64: {  	_ =	shalt  }
0x65: {  	_ =	shalt  }
0x66: {  	_ =	shalt  }
0x67: {  	_ =	shalt  }
0x68: {  	_ =	shalt  }
0x69: {  	_ =	shalt  }
0x6a: {  	_ =	shalt  }
0x6b: {  	_ =	shalt  }
0x6c: {  	_ =	shalt  }
0x6d: {  	_ =	shalt  }
0x6e: {  	_ =	shalt  }
0x6f: {  	_ =	shalt  }
0x70: {  	_ =	shalt  }
0x71: {  	_ =	shalt  }
0x72: {  	_ =	shalt  }
0x73: {  	_ =	shalt  }
0x74: {  	_ =	shalt  }
0x75: {  	_ =	shalt  }
0x76: {  	_ =	shalt  }
0x77: {  	_ =	shalt  }
0x78: {  	_ =	shalt  }
0x79: {  	_ =	shalt  }
0x7a: {  	_ =	shalt  }
0x7b: {  	_ =	shalt  }
0x7c: {  	_ =	shalt  }
0x7d: {  	_ =	shalt  }
0x7e: {  	_ =	shalt  }
0x7f: {  	_ =	shalt  }
0x80: {  	_ =	shalt  }
0x81: {  	_ =	shalt  }
0x82: {  	_ =	shalt  }
0x83: {  	_ =	shalt  }
0x84: {  	_ =	shalt  }
0x85: {  	_ =	shalt  }
0x86: {  	_ =	shalt  }
0x87: {  	_ =	shalt  }
.Lfunc_end0:
.L_simem_size_0:
called_computation_lowered:
.L_overlay_start_0:
0x88: {  	s2 =	sld [smem:$0x3FD9]  }
0x89: {  	s3 =	sld [smem:$0x3FFE];
	_ =	sdelay $0x1  }
0x8a: {  	s1 =	srdreg.scid  }
0x8b: {  	s0 =	sand.u32 $0x1, s1  }
0x8c: {  	s17 =	sshll.u32 s0, $0xA;
	s2 =	sadd.s32 s3, s2  }
0x8d: {  	s2 =	sadd.s32 s2, s17  }
0x8e: {  	[smem:$0x3FC3] =	sst s2  }
0x8f: {  	_ = 	snop  }
0x90: {  	s2 =	sld [smem:$0x3FD0];
	(tm) =	ssettm $0x1  }
0x91: {  	s18 =	sld [smem:$0x3FFB];
	_ =	sdelay $0x3  }
0x92: {  	_ =	strace s18  }
0x93: {  	s3 =	sld [smem:$0x3FFC];
	_ =	sdelay $0x3  }
0x94: {  	_ =	strace s3  }
0x95: {  	s3 =	sld [smem:$0x3FFD];
	_ =	sdelay $0x3  }
0x96: {  	_ =	strace s3  }
0x97: {  	_ =	strace $0x8FFFFFFF  }
0x98: {  	s19 =	sld [smem:$0x3FDB];
	_ =	sdelay $0x1  }
0x99: {  	s4 =	simm.s32 $_scs_section_size  }
0x9a: {  	s5 =	simm.s32 $_size__tile_overlayer_lowered;
	s6 =	simm.s32 $_tile_overlayer_lowered  }
0x9b: {  	s22 =	simm.s32 $0x1BFF;
	s21 =	sshll.u32 s6, $0x1;
	s3 =	sadd.s32 s4, s19  }
0x9c: {  	s7 =	simm.s32 $0x0;
	s20 =	sshll.u32 s5, $0x1;
	s5 =	sadd.s32 s21, s3  }
0x9d: {  	[timem:s7], [sflag:s22] =	dma.local [hbm:s5], s20  }
0x9e: {  	_ =	swait.ge [sflag:s22], s20  }
0x9f: {  	s4 =	ssub.s32 $0x0, s20;
	[sflag:s22] =	ssyncset.done $0x0  }
0xa0: {  	[sflag:s22] =	ssyncadd.s32 s4;
	_ =	sdelay $0x1  }
0xa1: {  	s23 =	simm.s32 $0x1B8B  }
0xa2: {  	_ =	swait.ge [sflag:s23], $0x1  }
0xa3: {  	[sflag:s23] =	ssyncset.done $0x0  }
0xa4: {  	s25 =	simm.s32 $0x1B8E;
	s24 =	sld [smem:$0x3FFE];
	[sflag:s23] =	ssyncadd.s32 $0xFFFFFFFF  }
0xa5: {  	s26 =	simm.s32 $execute0_lowered;
	[smem:$0x3FD2] =	sst s25  }
0xa6: {  	s5 =	sshll.u32 s26, $0x1;
	_ =	strace $0x80000046;
	[dreg:$0x1] =	wrdreg $0xFFFFFFFF  }
0xa7: {  	s28 =	simm.s32 $_size_execute0_lowered;
	s3 =	sadd.s32 s3, s5;
	[dreg:$0x0] =	wrdreg $0x0  }
0xa8: {  	s5 =	sshll.u32 s28, $0x1;
	[dreg:$0x2] =	wrdreg s3  }
0xa9: {  	[dreg:$0x3] =	wrdreg s5  }
0xaa: {  	[dreg:$0x4] =	wrdreg $0xC0  }
0xab: {  	_ =	task [dreg:s7], $0x5FFFF  }
0xac: {  	[dreg:$0x1] =	wrdreg $0xFFFFFFFF  }
0xad: {  	[dreg:$0x0] =	wrdreg $0x60  }
0xae: {  	[dreg:$0x2] =	wrdreg s24  }
0xaf: {  	[dreg:$0x3] =	wrdreg s2  }
0xb0: {  	[dreg:$0x4] =	wrdreg $0x9  }
0xb1: {  	_ =	task.clear_ibuf [dreg:s7], $0x5FFFF;
	_ =	strace $0x90000046  }
0xb2: {  	s29 =	simm.s32 $0x9;
	_ =	strace $0x80000048  }
0xb3: {  	_ =	swait.ge [sflag:s29], $0x1  }
0xb4: {  	[sflag:s29] =	ssyncadd.s32 $0xFFFFFFFF  }
0xb5: {  	_ =	strace $0x90000048  }
0xb6: {  	_ =	sfence  }
0xb7: {  	s30 =	sld [smem:$0x0];
	_ =	sdelay $0x2  }
0xb8: {  	s31 =	sshll.u32 s1, $0xD;
	s1 =	sshrl.u32 s1, $0x2  }
0xb9: {  	s3 =	sand.u32 $0x4000, s31;
	s1 =	sadd.s32 s1, s30  }
0xba: {  	s0 =	sor.u32 s3, s0;
	s1 =	sshll.u32 s1, $0x11  }
0xbb: {  	s0 =	sor.u32 s1, s0  }
0xbc: {  	s0 =	sadd.s32 $0x8F2B, s0  }
0xbd: {  	[sflag:s0] =	ssyncadd.remote.s32 $0x1  }
0xbe: {  	_ =	sfence.sel $0xFFFF  }
0xbf: {  	[dreg:$0x0] =	wrdreg $0xFFFFFFFF;
	(pc) =	sbr.abs _section_cstart, $3  }
0xc0: {  	[dreg:$0x1] =	wrdreg $0xFFFFFFFF  }
0xc1: {  	_ =	task.clear_ibuf [dreg:s7], $0x2FFFF;
	_ =	strace $0x9FFFFFFF  }
0xc2: {  	(tm) =	ssettm $0x7FFFFFFF  }
0xc3: {  	_ =	shalt  }
tec
execute0_lowered:
.L_overlay_start_1:
0x0: {  	(tag) =	ssettag $0x1  }
0x1: {  	s4 =	rddreg [dreg:$0x0]  }
0x2: {  	s7 =	rddreg [dreg:$0x1]  }
0x3: {  	s0 =	rddreg [dreg:$0x2];
	s2 =	simm.s32 $0x0;
	s3 =	srdreg.scid  }
0x4: {  	s1 =	stileid.u32;
	s13 =	simm.s32 $0x4000;
	s14 =	simm.s32 $0x4100  }
0x5: {  	s15 =	simm.s32 $0x4080;
	s16 =	simm.s32 $0xC100;
	s17 =	simm.s32 $0x1  }
0x6: {  	s18 =	simm.s32 $0x14100;
	s19 =	simm.s32 $0x2;
	s20 =	simm.s32 $0x14900  }
0x7: {  	s21 =	simm.s32 $0x3;
	s22 =	simm.s32 $0x4;
	s23 =	simm.s32 $0x0  }
0x8: {  	[smem:$0x7FF] =	sst s2;
	s12 =	sand.u32 $0x1, s3;
	s6 =	smul.u32 $0x240, s1  }
0x9: {  	s3 =	sadd.s32 $0x800, s4;
	s4 =	sadd.s32 $0x61B000, s4;
	s11 =	sshll.u32 s1, $0xB  }
0xa: {  	_ =	strace $0x80000047;
	s5 =	ssub.s32 $0x2, s12;
	p0 =	seq.s32 s12, $0x0  }
0xb: {  	s8 =	sshrl.u32 s5, $0x1;
	s9 =	sor.u32 $0x4000, s6;
	s6 =	sshll.u32 s1, $0xA  }
0xc: {  	s10 =	ssub.s32 s5, s8;
	s30 =	sshll.u32 s9, $0x1;
	s5 =	simm.s32 $0x100  }
0xd: {  	s9 =	smov.u32 @p0 s6;
	s5 =	simm.s32 @!p0 $0x90;
	s6 =	sadd.s32 s7, s30  }
0xe: {  	s7 =	sadd.s32 s7, s11;
	s31 =	sshll.u32 s9, $0x6;
	s9 =	sshll.u32 s9, $0x9  }
0xf: {  	s10 =	smax.u32 s10, $0x1;
	p0 =	sne.s32 s12, $0x0;
	s11 =	sadd.s32 s31, s4  }
0x10: {  	s12 =	simm.s32 $0x40;
	s8 =	sshrl.u32 s5, $0x1;
	s11 =	sadd.s32 $0x100, s11  }
.LBB2_1:
0x11: {  	s24 =	simm.s32 @p0 $0x0  }
0x12: {  	[tilespmem:s24], [sflag:$0x5] =	stream.linear.gather @p0 [hbm4b:s6+s24], $0x2400, $0x38;
	[tilespmem:$0x15100] =	vst v63  }
0x13: {  	s24 =	simm.s32 @p0 $0x5  }
0x14: {  	_ =	swait.ge @p0 [sflag:s24], $0x2400  }
0x15: {  	[sflag:s24] =	ssyncset.done @p0 $0x0  }
0x16: {  	[sflag:s24] =	ssyncadd.s32 @p0 $0xFFFFDC00;
	s24 =	simm.s32 @!p0 $0x0  }
0x17: {  	[tilespmem:s24], [sflag:$0x5] =	stream.linear.gather @!p0 [hbm4b:s7+s24], $0x4000, $0x38;
	[tilespmem:$0x15100] =	vst v63  }
0x18: {  	s24 =	simm.s32 @!p0 $0x5  }
0x19: {  	_ =	swait.ge @!p0 [sflag:s24], $0x4000  }
0x1a: {  	[sflag:s24] =	ssyncset.done @!p0 $0x0  }
0x1b: {  	[sflag:s24] =	ssyncadd.s32 @!p0 $0xFFFFC000  }
0x1c: {  	v0 =	vld [tilespmem:$0x0]  }
0x1d: {  	v1 =	vld [tilespmem:$0x10]  }
0x1e: {  	v2 =	vld [tilespmem:$0x20]  }
0x1f: {  	v3 =	vld [tilespmem:$0x30];
	_ =	sdelay $0x1  }
0x20: {  	[tilespmem:$0x4000] =	vst v0  }
0x21: {  	[tilespmem:$0x4010] =	vst v1  }
0x22: {  	[tilespmem:$0x4020] =	vst v2  }
0x23: {  	[tilespmem:$0x4030] =	vst v3  }
0x24: {  	[tilespmem:s14], [sflag:$0x1] =	stream.indirect.gather [hbm4b:s3+s12], $0x200, s13, s12, $0xb8;
	[tilespmem:$0x15100] =	vst v63  }
0x25: {  	v60 =	vld [tilespmem:$0x40]  }
0x26: {  	v61 =	vld [tilespmem:$0x50]  }
0x27: {  	v62 =	vld [tilespmem:$0x60]  }
0x28: {  	v63 =	vld [tilespmem:$0x70];
	_ =	sdelay $0x1  }
0x29: {  	[tilespmem:$0x4080] =	vst v60  }
0x2a: {  	[tilespmem:$0x4090] =	vst v61  }
0x2b: {  	[tilespmem:$0x40A0] =	vst v62  }
0x2c: {  	s24 =	simm.s32 $0x0;
	[tilespmem:$0x40B0] =	vst v63  }
0x2d: {  	[tilespmem:s16], [sflag:$0x2] =	stream.indirect.gather [hbm4b:s3+s12], $0x200, s15, s12, $0xb8;
	[tilespmem:$0x15100] =	vst v63  }
.LBB2_2:
0x2e: {  	_ =	swait.ge [sflag:s17], $0x8000  }
0x2f: {  	p1 =	seq.s32 s24, $0x0;
	[sflag:s17] =	ssyncset.done $0x0  }
0x30: {  	s26 =	simm.s32 @!p1 $0x3;
	[sflag:s17] =	ssyncadd.s32 $0xFFFF8000  }
0x31: {  	_ =	swait.ge @!p1 [sflag:s26], $0x800  }
0x32: {  	s25 =	sshll.u32 s24, $0x1;
	s28 =	simm.s32 $0x4500;
	[sflag:s26] =	ssyncset.done @!p1 $0x0  }
0x33: {  	s29 =	simm.s32 $0x14500;
	[sflag:s26] =	ssyncadd.s32 @!p1 $0xFFFFF800;
	s26 =	simm.s32 $0x0  }
.LBB2_3:
0x34: {  	v0 =	vld [tilespmem:s28+$0xFFFFFC00]  }
0x35: {  	v1 =	vld [tilespmem:s28+$0xFFFFFE00]  }
0x36: {  	v2 =	vld [tilespmem:s28+$0x0]  }
0x37: {  	v3 =	vld [tilespmem:s28+$0x200];
	s30 =	sand.u32 $0x1F0, s26  }
0x38: {  	v4 =	vld [tilespmem:s30+$0x4900]  }
0x39: {  	v5 =	vld [tilespmem:s30+$0x4B00]  }
0x3a: {  	v6 =	vld [tilespmem:s30+$0x4D00]  }
0x3b: {  	v7 =	vld [tilespmem:s30+$0x4F00]  }
0x3c: {  	v8 =	vld [tilespmem:s30+$0x5100]  }
0x3d: {  	v9 =	vld [tilespmem:s30+$0x5300]  }
0x3e: {  	v10 =	vld [tilespmem:s30+$0x5500]  }
0x3f: {  	v11 =	vld [tilespmem:s30+$0x5700]  }
0x40: {  	v12 =	vld [tilespmem:s30+$0x5900]  }
0x41: {  	v13 =	vld [tilespmem:s30+$0x5B00]  }
0x42: {  	v14 =	vld [tilespmem:s30+$0x5D00]  }
0x43: {  	v15 =	vld [tilespmem:s30+$0x5F00];
	_ =	sdelay $0x2  }
0x44: {  	v0 =	vmax.f32 v0, v1;
	v21 =	vmax.f32 v2, v3;
	v22 =	vmax.f32 v4, v5  }
0x45: {  	v23 =	vmax.f32 v6, v7;
	v24 =	vmax.f32 v8, v9;
	v25 =	vmax.f32 v10, v11  }
0x46: {  	v26 =	vmax.f32 v12, v13;
	v27 =	vmax.f32 v14, v15;
	v0 =	vmax.f32 v0, v21  }
0x47: {  	v28 =	vmax.f32 v22, v23;
	v29 =	vmax.f32 v24, v25;
	v30 =	vmax.f32 v26, v27  }
0x48: {  	v0 =	vmax.f32 v0, v28;
	v31 =	vmax.f32 v29, v30  }
0x49: {  	v0 =	vmax.f32 v0, v31  }
0x4a: {  	[tilespmem:s29+$0xFFFFFC00] =	vst v0  }
0x4b: {  	v0 =	vld [tilespmem:s30+$0x6100]  }
0x4c: {  	v32 =	vld [tilespmem:s30+$0x6300]  }
0x4d: {  	v33 =	vld [tilespmem:s30+$0x6500]  }
0x4e: {  	v34 =	vld [tilespmem:s30+$0x6700]  }
0x4f: {  	v35 =	vld [tilespmem:s30+$0x6900]  }
0x50: {  	v36 =	vld [tilespmem:s30+$0x6B00]  }
0x51: {  	v37 =	vld [tilespmem:s30+$0x6D00]  }
0x52: {  	v38 =	vld [tilespmem:s30+$0x6F00]  }
0x53: {  	v39 =	vld [tilespmem:s30+$0x7100]  }
0x54: {  	v40 =	vld [tilespmem:s30+$0x7300]  }
0x55: {  	v41 =	vld [tilespmem:s30+$0x7500]  }
0x56: {  	v42 =	vld [tilespmem:s30+$0x7700]  }
0x57: {  	v43 =	vld [tilespmem:s30+$0x7900]  }
0x58: {  	v44 =	vld [tilespmem:s30+$0x7B00]  }
0x59: {  	v45 =	vld [tilespmem:s30+$0x7D00]  }
0x5a: {  	v46 =	vld [tilespmem:s30+$0x7F00];
	_ =	sdelay $0x2  }
0x5b: {  	v0 =	vmax.f32 v0, v32;
	v47 =	vmax.f32 v33, v34;
	v48 =	vmax.f32 v35, v36  }
0x5c: {  	v49 =	vmax.f32 v37, v38;
	v50 =	vmax.f32 v39, v40;
	v51 =	vmax.f32 v41, v42  }
0x5d: {  	v52 =	vmax.f32 v43, v44;
	v53 =	vmax.f32 v45, v46;
	v0 =	vmax.f32 v0, v47  }
0x5e: {  	v54 =	vmax.f32 v48, v49;
	v55 =	vmax.f32 v50, v51;
	v56 =	vmax.f32 v52, v53  }
0x5f: {  	v0 =	vmax.f32 v0, v54;
	v57 =	vmax.f32 v55, v56  }
0x60: {  	v0 =	vmax.f32 v0, v57  }
0x61: {  	[tilespmem:s29+$0xFFFFFE00] =	vst v0  }
0x62: {  	v0 =	vld [tilespmem:s30+$0x8100]  }
0x63: {  	v58 =	vld [tilespmem:s30+$0x8300]  }
0x64: {  	v59 =	vld [tilespmem:s30+$0x8500]  }
0x65: {  	v60 =	vld [tilespmem:s30+$0x8700]  }
0x66: {  	v61 =	vld [tilespmem:s30+$0x8900]  }
0x67: {  	v62 =	vld [tilespmem:s30+$0x8B00]  }
0x68: {  	v63 =	vld [tilespmem:s30+$0x8D00]  }
0x69: {  	v18 =	vld [tilespmem:s30+$0x8F00]  }
0x6a: {  	v19 =	vld [tilespmem:s30+$0x9100]  }
0x6b: {  	v20 =	vld [tilespmem:s30+$0x9300]  }
0x6c: {  	v21 =	vld [tilespmem:s30+$0x9500]  }
0x6d: {  	v22 =	vld [tilespmem:s30+$0x9700]  }
0x6e: {  	v23 =	vld [tilespmem:s30+$0x9900]  }
0x6f: {  	v24 =	vld [tilespmem:s30+$0x9B00]  }
0x70: {  	v25 =	vld [tilespmem:s30+$0x9D00]  }
0x71: {  	v26 =	vld [tilespmem:s30+$0x9F00];
	_ =	sdelay $0x2  }
0x72: {  	v0 =	vmax.f32 v0, v58;
	v27 =	vmax.f32 v59, v60;
	v28 =	vmax.f32 v61, v62  }
0x73: {  	v29 =	vmax.f32 v63, v18;
	v30 =	vmax.f32 v19, v20;
	v31 =	vmax.f32 v21, v22  }
0x74: {  	v32 =	vmax.f32 v23, v24;
	v33 =	vmax.f32 v25, v26;
	v0 =	vmax.f32 v0, v27  }
0x75: {  	v34 =	vmax.f32 v28, v29;
	v35 =	vmax.f32 v30, v31;
	v36 =	vmax.f32 v32, v33  }
0x76: {  	v0 =	vmax.f32 v0, v34;
	v37 =	vmax.f32 v35, v36  }
0x77: {  	v0 =	vmax.f32 v0, v37  }
0x78: {  	[tilespmem:s29+$0x0] =	vst v0  }
0x79: {  	v0 =	vld [tilespmem:s30+$0xA100]  }
0x7a: {  	v38 =	vld [tilespmem:s30+$0xA300]  }
0x7b: {  	v39 =	vld [tilespmem:s30+$0xA500]  }
0x7c: {  	v40 =	vld [tilespmem:s30+$0xA700]  }
0x7d: {  	v41 =	vld [tilespmem:s30+$0xA900]  }
0x7e: {  	v42 =	vld [tilespmem:s30+$0xAB00]  }
0x7f: {  	v43 =	vld [tilespmem:s30+$0xAD00]  }
0x80: {  	v44 =	vld [tilespmem:s30+$0xAF00]  }
0x81: {  	v45 =	vld [tilespmem:s30+$0xB100]  }
0x82: {  	v46 =	vld [tilespmem:s30+$0xB300]  }
0x83: {  	v47 =	vld [tilespmem:s30+$0xB500]  }
0x84: {  	v48 =	vld [tilespmem:s30+$0xB700]  }
0x85: {  	v49 =	vld [tilespmem:s30+$0xB900]  }
0x86: {  	v50 =	vld [tilespmem:s30+$0xBB00]  }
0x87: {  	v51 =	vld [tilespmem:s30+$0xBD00]  }
0x88: {  	v52 =	vld [tilespmem:s30+$0xBF00];
	_ =	sdelay $0x2  }
0x89: {  	v0 =	vmax.f32 v0, v38;
	v53 =	vmax.f32 v39, v40;
	v54 =	vmax.f32 v41, v42  }
0x8a: {  	p2 =	sne.s32 s26, $0x1F0;
	v55 =	vmax.f32 v43, v44;
	v56 =	vmax.f32 v45, v46;
	v57 =	vmax.f32 v47, v48  }
.Ltmp0:
0x8b: {  	v58 =	vmax.f32 v49, v50;
	v59 =	vmax.f32 v51, v52;
	v0 =	vmax.f32 v0, v53;
	(pc) =	sbr.rel @p2 .LBB2_3-.Ltmp0, $4  }
0x8c: {  	v60 =	vmax.f32 v54, v55;
	v61 =	vmax.f32 v56, v57;
	v62 =	vmax.f32 v58, v59  }
0x8d: {  	v0 =	vmax.f32 v0, v60;
	v63 =	vmax.f32 v61, v62  }
0x8e: {  	v0 =	vmax.f32 v0, v63  }
0x8f: {  	s28 =	sadd.s32 $0x10, s28;
	s26 =	sadd.s32 $0x10, s26;
	[tilespmem:s29+$0x200] =	vst v0;
	s29 =	sadd.s32 $0x10, s29  }
0x90: {  	s26 =	sshll.u32 s24, $0xC  }
0x91: {  	s26 =	sadd.s32 s9, s26  }
0x92: {  	s26 =	sshrl.u32 s26, $0x3  }
0x93: {  	s26 =	sadd.s32 s4, s26  }
0x94: {  	[hbm4b:s26+s2] =	stream.linear.scatter [tilespmem:s18], [sflag:$0x3], $0x800, $0x38;
	[tilespmem:$0x15100] =	vst v63  }
0x95: {  	s26 =	sadd.s32 $0x2, s25  }
0x96: {  	p2 =	sge.u32 s26, s5  }
0x97: {  	s26 =	sshll.u32 @!p2 s26, $0x6  }
0x98: {  	s26 =	sand.u32 @!p2 $0x3FFFFFC0, s26  }
0x99: {  	v0 =	vld @!p2 [tilespmem:s26+$0x0];
	_ =	sdelay $0x4  }
0x9a: {  	[tilespmem:$0x4000] =	vst @!p2 v0  }
0x9b: {  	v0 =	vld @!p2 [tilespmem:s26+$0x10];
	_ =	sdelay $0x4  }
0x9c: {  	[tilespmem:$0x4010] =	vst @!p2 v0  }
0x9d: {  	v0 =	vld @!p2 [tilespmem:s26+$0x20];
	_ =	sdelay $0x4  }
0x9e: {  	[tilespmem:$0x4020] =	vst @!p2 v0  }
0x9f: {  	v0 =	vld @!p2 [tilespmem:s26+$0x30];
	_ =	sdelay $0x4  }
0xa0: {  	s28 =	simm.s32 @!p2 $0x4000;
	s29 =	simm.s32 @!p2 $0x4100;
	s26 =	simm.s32 @!p2 $0x40;
	[tilespmem:$0x4030] =	vst @!p2 v0  }
0xa1: {  	[tilespmem:s29], [sflag:$0x1] =	stream.indirect.gather @!p2 [hbm4b:s3+s26], $0x200, s28, s26, $0xb8;
	[tilespmem:$0x15100] =	vst v63  }
0xa2: {  	_ =	swait.ge [sflag:s19], $0x8000  }
0xa3: {  	[sflag:s19] =	ssyncset.done $0x0  }
0xa4: {  	s26 =	simm.s32 @!p1 $0x4;
	[sflag:s19] =	ssyncadd.s32 $0xFFFF8000  }
0xa5: {  	_ =	swait.ge @!p1 [sflag:s26], $0x800  }
0xa6: {  	s28 =	simm.s32 $0xC500;
	[sflag:s26] =	ssyncset.done @!p1 $0x0  }
0xa7: {  	s29 =	simm.s32 $0x14D00;
	[sflag:s26] =	ssyncadd.s32 @!p1 $0xFFFFF800;
	s26 =	simm.s32 $0x0  }
.LBB2_5:
0xa8: {  	v0 =	vld [tilespmem:s28+$0xFFFFFC00]  }
0xa9: {  	v1 =	vld [tilespmem:s28+$0xFFFFFE00]  }
0xaa: {  	v2 =	vld [tilespmem:s28+$0x0]  }
0xab: {  	v3 =	vld [tilespmem:s28+$0x200];
	s30 =	sand.u32 $0x1F0, s26  }
0xac: {  	v4 =	vld [tilespmem:s30+$0xC900]  }
0xad: {  	v5 =	vld [tilespmem:s30+$0xCB00]  }
0xae: {  	v6 =	vld [tilespmem:s30+$0xCD00]  }
0xaf: {  	v7 =	vld [tilespmem:s30+$0xCF00]  }
0xb0: {  	v8 =	vld [tilespmem:s30+$0xD100]  }
0xb1: {  	v9 =	vld [tilespmem:s30+$0xD300]  }
0xb2: {  	v10 =	vld [tilespmem:s30+$0xD500]  }
0xb3: {  	v11 =	vld [tilespmem:s30+$0xD700]  }
0xb4: {  	v12 =	vld [tilespmem:s30+$0xD900]  }
0xb5: {  	v13 =	vld [tilespmem:s30+$0xDB00]  }
0xb6: {  	v14 =	vld [tilespmem:s30+$0xDD00]  }
0xb7: {  	v15 =	vld [tilespmem:s30+$0xDF00];
	_ =	sdelay $0x2  }
0xb8: {  	v0 =	vmax.f32 v0, v1;
	v21 =	vmax.f32 v2, v3;
	v22 =	vmax.f32 v4, v5  }
0xb9: {  	v23 =	vmax.f32 v6, v7;
	v24 =	vmax.f32 v8, v9;
	v25 =	vmax.f32 v10, v11  }
0xba: {  	v26 =	vmax.f32 v12, v13;
	v27 =	vmax.f32 v14, v15;
	v0 =	vmax.f32 v0, v21  }
0xbb: {  	v28 =	vmax.f32 v22, v23;
	v29 =	vmax.f32 v24, v25;
	v30 =	vmax.f32 v26, v27  }
0xbc: {  	v0 =	vmax.f32 v0, v28;
	v31 =	vmax.f32 v29, v30  }
0xbd: {  	v0 =	vmax.f32 v0, v31  }
0xbe: {  	[tilespmem:s29+$0xFFFFFC00] =	vst v0  }
0xbf: {  	v0 =	vld [tilespmem:s30+$0xE100]  }
0xc0: {  	v32 =	vld [tilespmem:s30+$0xE300]  }
0xc1: {  	v33 =	vld [tilespmem:s30+$0xE500]  }
0xc2: {  	v34 =	vld [tilespmem:s30+$0xE700]  }
0xc3: {  	v35 =	vld [tilespmem:s30+$0xE900]  }
0xc4: {  	v36 =	vld [tilespmem:s30+$0xEB00]  }
0xc5: {  	v37 =	vld [tilespmem:s30+$0xED00]  }
0xc6: {  	v38 =	vld [tilespmem:s30+$0xEF00]  }
0xc7: {  	v39 =	vld [tilespmem:s30+$0xF100]  }
0xc8: {  	v40 =	vld [tilespmem:s30+$0xF300]  }
0xc9: {  	v41 =	vld [tilespmem:s30+$0xF500]  }
0xca: {  	v42 =	vld [tilespmem:s30+$0xF700]  }
0xcb: {  	v43 =	vld [tilespmem:s30+$0xF900]  }
0xcc: {  	v44 =	vld [tilespmem:s30+$0xFB00]  }
0xcd: {  	v45 =	vld [tilespmem:s30+$0xFD00]  }
0xce: {  	v46 =	vld [tilespmem:s30+$0xFF00];
	_ =	sdelay $0x2  }
0xcf: {  	v0 =	vmax.f32 v0, v32;
	v47 =	vmax.f32 v33, v34;
	v48 =	vmax.f32 v35, v36  }
0xd0: {  	v49 =	vmax.f32 v37, v38;
	v50 =	vmax.f32 v39, v40;
	v51 =	vmax.f32 v41, v42  }
0xd1: {  	v52 =	vmax.f32 v43, v44;
	v53 =	vmax.f32 v45, v46;
	v0 =	vmax.f32 v0, v47  }
0xd2: {  	v54 =	vmax.f32 v48, v49;
	v55 =	vmax.f32 v50, v51;
	v56 =	vmax.f32 v52, v53  }
0xd3: {  	v0 =	vmax.f32 v0, v54;
	v57 =	vmax.f32 v55, v56  }
0xd4: {  	v0 =	vmax.f32 v0, v57  }
0xd5: {  	[tilespmem:s29+$0xFFFFFE00] =	vst v0  }
0xd6: {  	v0 =	vld [tilespmem:s30+$0x10100]  }
0xd7: {  	v58 =	vld [tilespmem:s30+$0x10300]  }
0xd8: {  	v59 =	vld [tilespmem:s30+$0x10500]  }
0xd9: {  	v60 =	vld [tilespmem:s30+$0x10700]  }
0xda: {  	v61 =	vld [tilespmem:s30+$0x10900]  }
0xdb: {  	v62 =	vld [tilespmem:s30+$0x10B00]  }
0xdc: {  	v63 =	vld [tilespmem:s30+$0x10D00]  }
0xdd: {  	v18 =	vld [tilespmem:s30+$0x10F00]  }
0xde: {  	v19 =	vld [tilespmem:s30+$0x11100]  }
0xdf: {  	v20 =	vld [tilespmem:s30+$0x11300]  }
0xe0: {  	v21 =	vld [tilespmem:s30+$0x11500]  }
0xe1: {  	v22 =	vld [tilespmem:s30+$0x11700]  }
0xe2: {  	v23 =	vld [tilespmem:s30+$0x11900]  }
0xe3: {  	v24 =	vld [tilespmem:s30+$0x11B00]  }
0xe4: {  	v25 =	vld [tilespmem:s30+$0x11D00]  }
0xe5: {  	v26 =	vld [tilespmem:s30+$0x11F00];
	_ =	sdelay $0x2  }
0xe6: {  	v0 =	vmax.f32 v0, v58;
	v27 =	vmax.f32 v59, v60;
	v28 =	vmax.f32 v61, v62  }
0xe7: {  	v29 =	vmax.f32 v63, v18;
	v30 =	vmax.f32 v19, v20;
	v31 =	vmax.f32 v21, v22  }
0xe8: {  	v32 =	vmax.f32 v23, v24;
	v33 =	vmax.f32 v25, v26;
	v0 =	vmax.f32 v0, v27  }
0xe9: {  	v34 =	vmax.f32 v28, v29;
	v35 =	vmax.f32 v30, v31;
	v36 =	vmax.f32 v32, v33  }
0xea: {  	v0 =	vmax.f32 v0, v34;
	v37 =	vmax.f32 v35, v36  }
0xeb: {  	v0 =	vmax.f32 v0, v37  }
0xec: {  	[tilespmem:s29+$0x0] =	vst v0  }
0xed: {  	v0 =	vld [tilespmem:s30+$0x12100]  }
0xee: {  	v38 =	vld [tilespmem:s30+$0x12300]  }
0xef: {  	v39 =	vld [tilespmem:s30+$0x12500]  }
0xf0: {  	v40 =	vld [tilespmem:s30+$0x12700]  }
0xf1: {  	v41 =	vld [tilespmem:s30+$0x12900]  }
0xf2: {  	v42 =	vld [tilespmem:s30+$0x12B00]  }
0xf3: {  	v43 =	vld [tilespmem:s30+$0x12D00]  }
0xf4: {  	v44 =	vld [tilespmem:s30+$0x12F00]  }
0xf5: {  	v45 =	vld [tilespmem:s30+$0x13100]  }
0xf6: {  	v46 =	vld [tilespmem:s30+$0x13300]  }
0xf7: {  	v47 =	vld [tilespmem:s30+$0x13500]  }
0xf8: {  	v48 =	vld [tilespmem:s30+$0x13700]  }
0xf9: {  	v49 =	vld [tilespmem:s30+$0x13900]  }
0xfa: {  	v50 =	vld [tilespmem:s30+$0x13B00]  }
0xfb: {  	v51 =	vld [tilespmem:s30+$0x13D00]  }
0xfc: {  	v52 =	vld [tilespmem:s30+$0x13F00];
	_ =	sdelay $0x2  }
0xfd: {  	v0 =	vmax.f32 v0, v38;
	v53 =	vmax.f32 v39, v40;
	v54 =	vmax.f32 v41, v42  }
0xfe: {  	p1 =	sne.s32 s26, $0x1F0;
	v55 =	vmax.f32 v43, v44;
	v56 =	vmax.f32 v45, v46;
	v57 =	vmax.f32 v47, v48  }
.Ltmp1:
0xff: {  	v58 =	vmax.f32 v49, v50;
	v59 =	vmax.f32 v51, v52;
	v0 =	vmax.f32 v0, v53;
	(pc) =	sbr.rel @p1 .LBB2_5-.Ltmp1, $4  }
0x100: {  	v60 =	vmax.f32 v54, v55;
	v61 =	vmax.f32 v56, v57;
	v62 =	vmax.f32 v58, v59  }
0x101: {  	v0 =	vmax.f32 v0, v60;
	v63 =	vmax.f32 v61, v62  }
0x102: {  	v0 =	vmax.f32 v0, v63  }
0x103: {  	s28 =	sadd.s32 $0x10, s28;
	s26 =	sadd.s32 $0x10, s26;
	[tilespmem:s29+$0x200] =	vst v0;
	s29 =	sadd.s32 $0x10, s29  }
0x104: {  	s26 =	sshll.u32 s24, $0x9;
	s25 =	sadd.s32 $0x3, s25  }
0x105: {  	s26 =	sadd.s32 s11, s26;
	p1 =	sge.u32 s25, s5  }
0x106: {  	[hbm4b:s26+s2] =	stream.linear.scatter [tilespmem:s20], [sflag:$0x4], $0x800, $0x38;
	[tilespmem:$0x15100] =	vst v63  }
0x107: {  	s25 =	sshll.u32 @!p1 s25, $0x6  }
0x108: {  	v0 =	vld @!p1 [tilespmem:s25+$0x0];
	_ =	sdelay $0x4  }
0x109: {  	s26 =	sor.u32 @!p1 $0x50, s25;
	[tilespmem:$0x4080] =	vst @!p1 v0  }
0x10a: {  	v0 =	vld @!p1 [tilespmem:s26+$0x0];
	_ =	sdelay $0x4  }
0x10b: {  	s26 =	sor.u32 @!p1 $0x60, s25;
	[tilespmem:$0x4090] =	vst @!p1 v0  }
0x10c: {  	v0 =	vld @!p1 [tilespmem:s26+$0x0];
	_ =	sdelay $0x4  }
0x10d: {  	s25 =	sor.u32 @!p1 $0x70, s25;
	[tilespmem:$0x40A0] =	vst @!p1 v0  }
0x10e: {  	v0 =	vld @!p1 [tilespmem:s25+$0x0];
	_ =	sdelay $0x3  }
0x10f: {  	s24 =	sadd.s32 $0x1, s24  }
0x110: {  	s28 =	simm.s32 @!p1 $0xC100;
	s26 =	simm.s32 @!p1 $0x4080;
	s25 =	simm.s32 @!p1 $0x40;
	[tilespmem:$0x40B0] =	vst @!p1 v0  }
0x111: {  	[tilespmem:s28], [sflag:$0x2] =	stream.indirect.gather @!p1 [hbm4b:s3+s25], $0x200, s26, s25, $0xb8;
	[tilespmem:$0x15100] =	vst v63  }
0x112: {  	p1 =	sne.s32 s24, s8  }
.Ltmp2:
0x113: {  	_ = 	snop;
	(pc) =	sbr.rel @p1 .LBB2_2-.Ltmp2, $1  }
0x114: {  	_ =	sdelay $0x3  }
0x115: {  	s23 =	sadd.s32 $0x1, s23  }
0x116: {  	_ =	swait.ge [sflag:s21], $0x800;
	p1 =	sne.s32 s23, s10  }
.Ltmp3:
0x117: {  	[sflag:s21] =	ssyncset.done $0x0;
	(pc) =	sbr.rel @p1 .LBB2_1-.Ltmp3, $4  }
0x118: {  	[sflag:s21] =	ssyncadd.s32 $0xFFFFF800  }
0x119: {  	_ =	swait.ge [sflag:s22], $0x800  }
0x11a: {  	[sflag:s22] =	ssyncset.done $0x0  }
0x11b: {  	[sflag:s22] =	ssyncadd.s32 $0xFFFFF800  }
0x11c: {  	_ =	sfence.sel $0x180000  }
0x11d: {  	[bflag:$0x0] =	sbarrier.arrive $0xFFFF  }
0x11e: {  	p0 =	sne.s32 s1, $0x0;
	_ =	strace $0x90000047  }
0x11f: {  	s0 =	sadd.s32 @!p0 $0x100000, s0;
	[bflag:$0x2] =	sbarrier.arrive $0xFFFF  }
0x120: {  	[sflag:s0] =	ssyncadd.tile.s32 @!p0 $0x1;
	_ =	shalt  }
.Lfunc_end2:
_tile_overlayer_lowered:
.L_overlay_start_2:
0x121: {  	(tag) =	ssettag $0x2  }
0x122: {  	s0 =	rddreg [dreg:$0x0];
	s2 =	stileid.u32  }
0x123: {  	s1 =	rddreg [dreg:$0x1];
	p0 =	sne.s32 s2, $0x0  }
0x124: {  	s3 =	rddreg [dreg:$0x2];
	[bflag:$0x3] =	sbarrier.arrive $0xFFFF;
	s2 =	simm.s32 @!p0 $0x1C05  }
0x125: {  	[timem:s3], [sflag:s2] =	dma.local @!p0 [hbm:s0], s1  }
0x126: {  	s0 =	simm.s32 @!p0 $0x5  }
0x127: {  	_ =	swait.ge @!p0 [sflag:s0], s1  }
0x128: {  	s1 =	ssub.s32 @!p0 $0x0, s1;
	[sflag:s0] =	ssyncset.done @!p0 $0x0  }
0x129: {  	[sflag:s0] =	ssyncadd.s32 @!p0 s1  }
0x12a: {  	[bflag:$0x3] =	sbarrier.arrive $0xFFFF  }
0x12b: {  	_ =	shalt  }

</sc_bundles>
